<compile_context>
chip_gen: v7x
topology: tpu7x:2x2x1
jax: 0.10.2.dev20260603
libtpu: 0.0.44.dev20260713+nightly
codegen_flags: <defaults>
</compile_context>

<pallas_src>
import functools

import jax
import jax.numpy as jnp
from jax import lax
from jax.experimental import pallas as pl
from jax.experimental.pallas import tpu as pltpu
from jax.experimental.pallas import tpu_sc as plsc

NC = 2
NS = 16
L = 16
NW = NC * NS

WD_I = 0.01
WD_U = 0.01


def _sc_body(dim, b_per_w,
             u_idx, p_idx, n_idx, uf, itf,
             d_out, norms_out,
             idx_u_v, idx_p_v, idx_n_v,
             u_rows, p_rows, n_rows,
             d_v, norms_v, sem):
    wid = lax.axis_index("s") * NC + lax.axis_index("c")
    base = wid * b_per_w

    pltpu.sync_copy(u_idx.at[wid], idx_u_v)
    pltpu.sync_copy(p_idx.at[wid], idx_p_v)
    pltpu.sync_copy(n_idx.at[wid], idx_n_v)

    iota = lax.iota(jnp.int32, L)
    zeros = jnp.zeros((L,), jnp.float32)

    def chunk(c, _):
        sl = pl.ds(c * L, L)
        vu = idx_u_v[sl]
        vp = idx_p_v[sl]
        vn = idx_n_v[sl]
        copies = []
        for i in range(L):
            dst = pl.ds(i, 1)
            copies.append(pltpu.async_copy(
                uf.at[pl.ds(vu[i], 1), :], u_rows.at[dst, :], sem))
            copies.append(pltpu.async_copy(
                itf.at[pl.ds(vp[i], 1), :], p_rows.at[dst, :], sem))
            copies.append(pltpu.async_copy(
                itf.at[pl.ds(vn[i], 1), :], n_rows.at[dst, :], sem))
        for cp in copies:
            cp.wait()

        ru = iota
        rp = iota
        rn = iota
        accd = zeros
        accu = zeros
        accp = zeros
        accn = zeros
        for dd in range(dim):
            ds = jnp.full((L,), dd, jnp.int32)
            gu = plsc.load_gather(u_rows, [ru, ds])
            gp = plsc.load_gather(p_rows, [rp, ds])
            gn = plsc.load_gather(n_rows, [rn, ds])
            accd = accd + gu * (gp - gn)
            accu = accu + gu * gu
            accp = accp + gp * gp
            accn = accn + gn * gn
        d_v[sl] = accd
        norms_v[sl] = (accp + accn) * WD_I + accu * WD_U
        return _

    lax.fori_loop(0, b_per_w // L, chunk, None)

    pltpu.sync_copy(d_v, d_out.at[pl.ds(base, b_per_w)])
    pltpu.sync_copy(norms_v, norms_out.at[pl.ds(base, b_per_w)])


def _tp_body(x_ref, o_ref):
    o_ref[...] = x_ref[...].T


def _to_compact(t_tr, n, dim, bl):
    grid = (n + bl - 1) // bl
    return pl.pallas_call(
        _tp_body,
        grid=(grid,),
        in_specs=[pl.BlockSpec((dim, bl), lambda g: (0, g))],
        out_specs=pl.BlockSpec((bl, dim), lambda g: (g, 0)),
        out_shape=jax.ShapeDtypeStruct((n, dim), jnp.float32),
    )(t_tr)


def _tc_body(inv_b, d_ref, norms_ref, bpr_ref, mean_ref):
    x = d_ref[...]
    bpr = jnp.maximum(-x, 0.0) + jnp.log1p(jnp.exp(-jnp.abs(x)))
    bpr_ref[...] = bpr
    mean_ref[0, 0] = jnp.sum(bpr + norms_ref[...]) * inv_b


def kernel(u_batch, i_batch_pos, i_batch_neg, user_factors, item_factors):
    b = u_batch.shape[0]
    dim = user_factors.shape[1]
    b_per_w = b // NW

    ui = u_batch.astype(jnp.int32).reshape(NW, b_per_w)
    pi = i_batch_pos.astype(jnp.int32).reshape(NW, b_per_w)
    ni = i_batch_neg.astype(jnp.int32).reshape(NW, b_per_w)

    mesh = plsc.VectorSubcoreMesh(core_axis_name="c", subcore_axis_name="s")
    sc = pl.kernel(
        functools.partial(_sc_body, dim, b_per_w),
        out_type=[
            jax.ShapeDtypeStruct((b,), jnp.float32),
            jax.ShapeDtypeStruct((b,), jnp.float32),
        ],
        mesh=mesh,
        compiler_params=pltpu.CompilerParams(needs_layout_passes=False),
        scratch_types=[
            pltpu.VMEM((b_per_w,), jnp.int32),
            pltpu.VMEM((b_per_w,), jnp.int32),
            pltpu.VMEM((b_per_w,), jnp.int32),
            pltpu.VMEM((L, dim), jnp.float32),
            pltpu.VMEM((L, dim), jnp.float32),
            pltpu.VMEM((L, dim), jnp.float32),
            pltpu.VMEM((b_per_w,), jnp.float32),
            pltpu.VMEM((b_per_w,), jnp.float32),
            pltpu.SemaphoreType.DMA,
        ],
    )
    n = user_factors.shape[0]
    uf_c = _to_compact(user_factors.T, n, dim, 2048)
    if_c = _to_compact(item_factors.T, n, dim, 2048)
    d, norms = sc(ui, pi, ni, uf_c, if_c)

    rows = b // 128
    bpr2d, mean = pl.pallas_call(
        functools.partial(_tc_body, 1.0 / b),
        out_shape=[
            jax.ShapeDtypeStruct((rows, 128), jnp.float32),
            jax.ShapeDtypeStruct((1, 1), jnp.float32),
        ],
        out_specs=[
            pl.BlockSpec(memory_space=pltpu.VMEM),
            pl.BlockSpec(memory_space=pltpu.SMEM),
        ],
    )(d.reshape(rows, 128), norms.reshape(rows, 128))

    return (mean[0, 0], bpr2d.reshape(b))

# --- scband reference (transcript-rebuilt; emitter-appended) ---
"""Pipeline reference for scband-rsmodel-57312043598135 (READ-ONLY COPY).

The authoritative reference and input builder live on the scoring server;
editing this copy changes nothing except your own understanding.
"""

import jax, jax.numpy as jnp
import numpy as np

N_USERS = 1000000
N_ITEMS = 1000000
DIM = 32
B = 16384
RS_WD_I = 0.01
RS_WD_U = 0.01


def setup_inputs(seed: int = 0) -> dict:
    key = jax.random.key(seed)
    ks = jax.random.split(key, 5)
    u_batch = jax.random.randint(ks[0], (B,), 0, N_USERS, dtype=jnp.int64 if jax.config.jax_enable_x64 else jnp.int32)
    i_batch_pos = jax.random.randint(ks[1], (B,), 0, N_ITEMS, dtype=jnp.int64 if jax.config.jax_enable_x64 else jnp.int32)
    i_batch_neg = jax.random.randint(ks[2], (B,), 0, N_ITEMS, dtype=jnp.int64 if jax.config.jax_enable_x64 else jnp.int32)
    # xavier_normal_: std = sqrt(2 / (fan_in + fan_out))
    std_u = float(np.sqrt(2.0 / (N_USERS + DIM)))
    std_i = float(np.sqrt(2.0 / (N_ITEMS + DIM)))
    user_factors = jax.random.normal(ks[3], (N_USERS, DIM), dtype=jnp.float32) * std_u
    item_factors = jax.random.normal(ks[4], (N_ITEMS, DIM), dtype=jnp.float32) * std_i
    return {
        "u_batch": u_batch,
        "i_batch_pos": i_batch_pos,
        "i_batch_neg": i_batch_neg,
        "user_factors": user_factors,
        "item_factors": item_factors,
    }


def reference(u_batch, i_batch_pos, i_batch_neg, user_factors, item_factors):
    # embedding lookups (gather)
    u_factors = jnp.take(user_factors, u_batch, axis=0)
    i_pos_vectors = jnp.take(item_factors, i_batch_pos, axis=0)
    i_neg_vectors = jnp.take(item_factors, i_batch_neg, axis=0)
    # bpr_forward
    x_ui = jnp.sum(u_factors * i_pos_vectors, axis=1)
    x_uj = jnp.sum(u_factors * i_neg_vectors, axis=1)
    bpr_loss = -jax.nn.log_sigmoid(x_ui - x_uj)
    bpr_loss_for_log_nol2 = jax.lax.stop_gradient(bpr_loss)
    # add_l2_reg
    u_norm_loss = jnp.sum(u_factors ** 2, axis=1)
    i_norms_loss = jnp.sum(i_pos_vectors ** 2, axis=1) + jnp.sum(i_neg_vectors ** 2, axis=1)
    norms_loss = i_norms_loss * RS_WD_I + u_norm_loss * RS_WD_U
    bpr_loss = bpr_loss + norms_loss
    bpr_mean_loss = jnp.mean(bpr_loss)
    return (bpr_mean_loss, bpr_loss_for_log_nol2)

if __name__ == "__main__":
    import jax
    _d = setup_inputs()
    print(jax.jit(kernel)(*tuple(_d.values())))

</pallas_src>

<mosaic_0001>
#map = affine_map<(d0, d1) -> (0, 0)>
#map1 = affine_map<(d0, d1) -> (0)>
module attributes {stable_mosaic.version = 14 : i64} {
  func.func @_sc_body(%arg0: i32, %arg1: i32, %arg2: memref<32x512xi32, #tpu.memory_space<hbm>>, %arg3: memref<32x512xi32, #tpu.memory_space<hbm>>, %arg4: memref<32x512xi32, #tpu.memory_space<hbm>>, %arg5: memref<1000000x32xf32, #tpu.memory_space<hbm>>, %arg6: memref<1000000x32xf32, #tpu.memory_space<hbm>>, %arg7: memref<16384xf32, #tpu.memory_space<hbm>>, %arg8: memref<16384xf32, #tpu.memory_space<hbm>>, %arg9: memref<512xi32, #tpu.memory_space<vmem>>, %arg10: memref<512xi32, #tpu.memory_space<vmem>>, %arg11: memref<512xi32, #tpu.memory_space<vmem>>, %arg12: memref<16x32xf32, #tpu.memory_space<vmem>>, %arg13: memref<16x32xf32, #tpu.memory_space<vmem>>, %arg14: memref<16x32xf32, #tpu.memory_space<vmem>>, %arg15: memref<512xf32, #tpu.memory_space<vmem>>, %arg16: memref<512xf32, #tpu.memory_space<vmem>>, %arg17: memref<!tpu.dma_semaphore, #tpu.memory_space<semaphore_mem>>) attributes {dimension_semantics = [#tpu.dimension_semantics<core_parallel>, #tpu.dimension_semantics<subcore_parallel>], iteration_bounds = array<i64: 2, 16>, scalar_prefetch = 0 : i64, scratch_operands = 9 : i64, tpu.core_type = #tpu.core_type<sc_vector_subcore>, window_params = [{transform_indices = #map}, {transform_indices = #map}, {transform_indices = #map}, {transform_indices = #map}, {transform_indices = #map}, {transform_indices = #map1}, {transform_indices = #map1}]} {
    %mul3A = arith.constant 2 : i32
    %mul3A_0 = arith.muli %arg1, %mul3A : i32
    %add3A = arith.addi %mul3A_0, %arg0 : i32
    %mul3A_1 = arith.constant 512 : i32
    %mul3A_2 = arith.muli %add3A, %mul3A_1 : i32
    "tpu.region"() ({
      %run_scoped3A = tpu.sem_alloc : memref<!tpu.dma_semaphore, #tpu.memory_space<semaphore_mem>>
      %dma_start3A = arith.constant 0 : i32
      %dma_start3A_8 = tpu.memref_slice %arg2[%add3A, %dma_start3A] : memref<32x512xi32, #tpu.memory_space<hbm>> -> memref<1x512xi32, #tpu.memory_space<hbm>>
      %dma_start3A_9 = tpu.memref_squeeze %dma_start3A_8 : memref<1x512xi32, #tpu.memory_space<hbm>> -> memref<512xi32, #tpu.memory_space<hbm>>
      %dma_start3A_10 = arith.constant 0 : i32
      %dma_start3A_11 = tpu.memref_slice %arg2[%add3A, %dma_start3A_10] : memref<32x512xi32, #tpu.memory_space<hbm>> -> memref<1x512xi32, #tpu.memory_space<hbm>>
      %dma_start3A_12 = tpu.memref_squeeze %dma_start3A_11 : memref<1x512xi32, #tpu.memory_space<hbm>> -> memref<512xi32, #tpu.memory_space<hbm>>
      tpu.enqueue_dma source(%dma_start3A_12 : memref<512xi32, #tpu.memory_space<hbm>>) target(%arg9 : memref<512xi32, #tpu.memory_space<vmem>>) target_semaphore(%run_scoped3A : memref<!tpu.dma_semaphore, #tpu.memory_space<semaphore_mem>>)
      %dma_wait3A = arith.constant 0 : i32
      %dma_wait3A_13 = tpu.memref_slice %arg2[%add3A, %dma_wait3A] : memref<32x512xi32, #tpu.memory_space<hbm>> -> memref<1x512xi32, #tpu.memory_space<hbm>>
      %dma_wait3A_14 = tpu.memref_squeeze %dma_wait3A_13 : memref<1x512xi32, #tpu.memory_space<hbm>> -> memref<512xi32, #tpu.memory_space<hbm>>
      %dma_wait3A_15 = arith.constant 0 : i32
      %dma_wait3A_16 = tpu.memref_slice %arg2[%add3A, %dma_wait3A_15] : memref<32x512xi32, #tpu.memory_space<hbm>> -> memref<1x512xi32, #tpu.memory_space<hbm>>
      %dma_wait3A_17 = tpu.memref_squeeze %dma_wait3A_16 : memref<1x512xi32, #tpu.memory_space<hbm>> -> memref<512xi32, #tpu.memory_space<hbm>>
      tpu.wait_dma2 semaphore(%run_scoped3A : memref<!tpu.dma_semaphore, #tpu.memory_space<semaphore_mem>>) src(%dma_wait3A_17 : memref<512xi32, #tpu.memory_space<hbm>>) dst(%arg9 : memref<512xi32, #tpu.memory_space<vmem>>)
      tpu.yield
    }) : () -> ()
    "tpu.region"() ({
      %run_scoped3A = tpu.sem_alloc : memref<!tpu.dma_semaphore, #tpu.memory_space<semaphore_mem>>
      %dma_start3A = arith.constant 0 : i32
      %dma_start3A_8 = tpu.memref_slice %arg3[%add3A, %dma_start3A] : memref<32x512xi32, #tpu.memory_space<hbm>> -> memref<1x512xi32, #tpu.memory_space<hbm>>
      %dma_start3A_9 = tpu.memref_squeeze %dma_start3A_8 : memref<1x512xi32, #tpu.memory_space<hbm>> -> memref<512xi32, #tpu.memory_space<hbm>>
      %dma_start3A_10 = arith.constant 0 : i32
      %dma_start3A_11 = tpu.memref_slice %arg3[%add3A, %dma_start3A_10] : memref<32x512xi32, #tpu.memory_space<hbm>> -> memref<1x512xi32, #tpu.memory_space<hbm>>
      %dma_start3A_12 = tpu.memref_squeeze %dma_start3A_11 : memref<1x512xi32, #tpu.memory_space<hbm>> -> memref<512xi32, #tpu.memory_space<hbm>>
      tpu.enqueue_dma source(%dma_start3A_12 : memref<512xi32, #tpu.memory_space<hbm>>) target(%arg10 : memref<512xi32, #tpu.memory_space<vmem>>) target_semaphore(%run_scoped3A : memref<!tpu.dma_semaphore, #tpu.memory_space<semaphore_mem>>)
      %dma_wait3A = arith.constant 0 : i32
      %dma_wait3A_13 = tpu.memref_slice %arg3[%add3A, %dma_wait3A] : memref<32x512xi32, #tpu.memory_space<hbm>> -> memref<1x512xi32, #tpu.memory_space<hbm>>
      %dma_wait3A_14 = tpu.memref_squeeze %dma_wait3A_13 : memref<1x512xi32, #tpu.memory_space<hbm>> -> memref<512xi32, #tpu.memory_space<hbm>>
      %dma_wait3A_15 = arith.constant 0 : i32
      %dma_wait3A_16 = tpu.memref_slice %arg3[%add3A, %dma_wait3A_15] : memref<32x512xi32, #tpu.memory_space<hbm>> -> memref<1x512xi32, #tpu.memory_space<hbm>>
      %dma_wait3A_17 = tpu.memref_squeeze %dma_wait3A_16 : memref<1x512xi32, #tpu.memory_space<hbm>> -> memref<512xi32, #tpu.memory_space<hbm>>
      tpu.wait_dma2 semaphore(%run_scoped3A : memref<!tpu.dma_semaphore, #tpu.memory_space<semaphore_mem>>) src(%dma_wait3A_17 : memref<512xi32, #tpu.memory_space<hbm>>) dst(%arg10 : memref<512xi32, #tpu.memory_space<vmem>>)
      tpu.yield
    }) : () -> ()
    "tpu.region"() ({
      %run_scoped3A = tpu.sem_alloc : memref<!tpu.dma_semaphore, #tpu.memory_space<semaphore_mem>>
      %dma_start3A = arith.constant 0 : i32
      %dma_start3A_8 = tpu.memref_slice %arg4[%add3A, %dma_start3A] : memref<32x512xi32, #tpu.memory_space<hbm>> -> memref<1x512xi32, #tpu.memory_space<hbm>>
      %dma_start3A_9 = tpu.memref_squeeze %dma_start3A_8 : memref<1x512xi32, #tpu.memory_space<hbm>> -> memref<512xi32, #tpu.memory_space<hbm>>
      %dma_start3A_10 = arith.constant 0 : i32
      %dma_start3A_11 = tpu.memref_slice %arg4[%add3A, %dma_start3A_10] : memref<32x512xi32, #tpu.memory_space<hbm>> -> memref<1x512xi32, #tpu.memory_space<hbm>>
      %dma_start3A_12 = tpu.memref_squeeze %dma_start3A_11 : memref<1x512xi32, #tpu.memory_space<hbm>> -> memref<512xi32, #tpu.memory_space<hbm>>
      tpu.enqueue_dma source(%dma_start3A_12 : memref<512xi32, #tpu.memory_space<hbm>>) target(%arg11 : memref<512xi32, #tpu.memory_space<vmem>>) target_semaphore(%run_scoped3A : memref<!tpu.dma_semaphore, #tpu.memory_space<semaphore_mem>>)
      %dma_wait3A = arith.constant 0 : i32
      %dma_wait3A_13 = tpu.memref_slice %arg4[%add3A, %dma_wait3A] : memref<32x512xi32, #tpu.memory_space<hbm>> -> memref<1x512xi32, #tpu.memory_space<hbm>>
      %dma_wait3A_14 = tpu.memref_squeeze %dma_wait3A_13 : memref<1x512xi32, #tpu.memory_space<hbm>> -> memref<512xi32, #tpu.memory_space<hbm>>
      %dma_wait3A_15 = arith.constant 0 : i32
      %dma_wait3A_16 = tpu.memref_slice %arg4[%add3A, %dma_wait3A_15] : memref<32x512xi32, #tpu.memory_space<hbm>> -> memref<1x512xi32, #tpu.memory_space<hbm>>
      %dma_wait3A_17 = tpu.memref_squeeze %dma_wait3A_16 : memref<1x512xi32, #tpu.memory_space<hbm>> -> memref<512xi32, #tpu.memory_space<hbm>>
      tpu.wait_dma2 semaphore(%run_scoped3A : memref<!tpu.dma_semaphore, #tpu.memory_space<semaphore_mem>>) src(%dma_wait3A_17 : memref<512xi32, #tpu.memory_space<hbm>>) dst(%arg11 : memref<512xi32, #tpu.memory_space<vmem>>)
      tpu.yield
    }) : () -> ()
    %iota3A = tpu.iota {dimensions = array<i32: 0>} : vector<16xi32>
    %broadcast_in_dim3A = arith.constant 0.000000e+00 : f32
    %broadcast_in_dim3A_3 = vector.broadcast %broadcast_in_dim3A : f32 to vector<16xf32>
    %scan3A = arith.constant 0 : i32
    %scan3A_4 = arith.constant 32 : i32
    %scan3A_5 = arith.addi %scan3A, %scan3A_4 : i32
    %scan3A_6 = arith.constant 1 : i32
    scf.for %scan3A_8 = %scan3A to %scan3A_5 step %scan3A_6  : i32 {
      %mul3A_9 = arith.constant 16 : i32
      %mul3A_10 = arith.muli %scan3A_8, %mul3A_9 : i32
      %get3A = arith.index_cast %mul3A_10 : i32 to index
      %get3A_11 = tpu.vector_load %arg9[%get3A] {strides = array<i32>} : memref<512xi32, #tpu.memory_space<vmem>>, vector<16xi32>,
      %get3A_12 = arith.index_cast %mul3A_10 : i32 to index
      %get3A_13 = tpu.vector_load %arg10[%get3A_12] {strides = array<i32>} : memref<512xi32, #tpu.memory_space<vmem>>, vector<16xi32>,
      %get3A_14 = arith.index_cast %mul3A_10 : i32 to index
      %get3A_15 = tpu.vector_load %arg11[%get3A_14] {strides = array<i32>} : memref<512xi32, #tpu.memory_space<vmem>>, vector<16xi32>,
      %slice3A = vector.extract_strided_slice %get3A_11 {offsets = [0], sizes = [1], strides = [1]} : vector<16xi32> to vector<1xi32>
      %squeeze3A = vector.extract %slice3A[0] : i32 from vector<1xi32>
      %dma_start3A = arith.constant 0 : i32
      %dma_start3A_16 = arith.constant 0 : i32
      %dma_start3A_17 = tpu.memref_slice %arg12[%dma_start3A, %dma_start3A_16] : memref<16x32xf32, #tpu.memory_space<vmem>> -> memref<1x32xf32, #tpu.memory_space<vmem>>
      %dma_start3A_18 = arith.constant 0 : i32
      %dma_start3A_19 = tpu.memref_slice %arg5[%squeeze3A, %dma_start3A_18] : memref<1000000x32xf32, #tpu.memory_space<hbm>> -> memref<1x32xf32, #tpu.memory_space<hbm>>
      %dma_start3A_20 = arith.constant 0 : i32
      %dma_start3A_21 = arith.constant 0 : i32
      %dma_start3A_22 = tpu.memref_slice %arg12[%dma_start3A_20, %dma_start3A_21] : memref<16x32xf32, #tpu.memory_space<vmem>> -> memref<1x32xf32, #tpu.memory_space<vmem>>
      %dma_start3A_23 = arith.constant 0 : i32
      %dma_start3A_24 = tpu.memref_slice %arg5[%squeeze3A, %dma_start3A_23] : memref<1000000x32xf32, #tpu.memory_space<hbm>> -> memref<1x32xf32, #tpu.memory_space<hbm>>
      tpu.enqueue_dma source(%dma_start3A_24 : memref<1x32xf32, #tpu.memory_space<hbm>>) target(%dma_start3A_22 : memref<1x32xf32, #tpu.memory_space<vmem>>) target_semaphore(%arg17 : memref<!tpu.dma_semaphore, #tpu.memory_space<semaphore_mem>>)
      %slice3A_25 = vector.extract_strided_slice %get3A_13 {offsets = [0], sizes = [1], strides = [1]} : vector<16xi32> to vector<1xi32>
      %squeeze3A_26 = vector.extract %slice3A_25[0] : i32 from vector<1xi32>
      %dma_start3A_27 = arith.constant 0 : i32
      %dma_start3A_28 = arith.constant 0 : i32
      %dma_start3A_29 = tpu.memref_slice %arg13[%dma_start3A_27, %dma_start3A_28] : memref<16x32xf32, #tpu.memory_space<vmem>> -> memref<1x32xf32, #tpu.memory_space<vmem>>
      %dma_start3A_30 = arith.constant 0 : i32
      %dma_start3A_31 = tpu.memref_slice %arg6[%squeeze3A_26, %dma_start3A_30] : memref<1000000x32xf32, #tpu.memory_space<hbm>> -> memref<1x32xf32, #tpu.memory_space<hbm>>
      %dma_start3A_32 = arith.constant 0 : i32
      %dma_start3A_33 = arith.constant 0 : i32
      %dma_start3A_34 = tpu.memref_slice %arg13[%dma_start3A_32, %dma_start3A_33] : memref<16x32xf32, #tpu.memory_space<vmem>> -> memref<1x32xf32, #tpu.memory_space<vmem>>
      %dma_start3A_35 = arith.constant 0 : i32
      %dma_start3A_36 = tpu.memref_slice %arg6[%squeeze3A_26, %dma_start3A_35] : memref<1000000x32xf32, #tpu.memory_space<hbm>> -> memref<1x32xf32, #tpu.memory_space<hbm>>
      tpu.enqueue_dma source(%dma_start3A_36 : memref<1x32xf32, #tpu.memory_space<hbm>>) target(%dma_start3A_34 : memref<1x32xf32, #tpu.memory_space<vmem>>) target_semaphore(%arg17 : memref<!tpu.dma_semaphore, #tpu.memory_space<semaphore_mem>>)
      %slice3A_37 = vector.extract_strided_slice %get3A_15 {offsets = [0], sizes = [1], strides = [1]} : vector<16xi32> to vector<1xi32>
      %squeeze3A_38 = vector.extract %slice3A_37[0] : i32 from vector<1xi32>
      %dma_start3A_39 = arith.constant 0 : i32
      %dma_start3A_40 = arith.constant 0 : i32
      %dma_start3A_41 = tpu.memref_slice %arg14[%dma_start3A_39, %dma_start3A_40] : memref<16x32xf32, #tpu.memory_space<vmem>> -> memref<1x32xf32, #tpu.memory_space<vmem>>
      %dma_start3A_42 = arith.constant 0 : i32
      %dma_start3A_43 = tpu.memref_slice %arg6[%squeeze3A_38, %dma_start3A_42] : memref<1000000x32xf32, #tpu.memory_space<hbm>> -> memref<1x32xf32, #tpu.memory_space<hbm>>
      %dma_start3A_44 = arith.constant 0 : i32
      %dma_start3A_45 = arith.constant 0 : i32
      %dma_start3A_46 = tpu.memref_slice %arg14[%dma_start3A_44, %dma_start3A_45] : memref<16x32xf32, #tpu.memory_space<vmem>> -> memref<1x32xf32, #tpu.memory_space<vmem>>
      %dma_start3A_47 = arith.constant 0 : i32
      %dma_start3A_48 = tpu.memref_slice %arg6[%squeeze3A_38, %dma_start3A_47] : memref<1000000x32xf32, #tpu.memory_space<hbm>> -> memref<1x32xf32, #tpu.memory_space<hbm>>
      tpu.enqueue_dma source(%dma_start3A_48 : memref<1x32xf32, #tpu.memory_space<hbm>>) target(%dma_start3A_46 : memref<1x32xf32, #tpu.memory_space<vmem>>) target_semaphore(%arg17 : memref<!tpu.dma_semaphore, #tpu.memory_space<semaphore_mem>>)
      %slice3A_49 = vector.extract_strided_slice %get3A_11 {offsets = [1], sizes = [1], strides = [1]} : vector<16xi32> to vector<1xi32>
      %squeeze3A_50 = vector.extract %slice3A_49[0] : i32 from vector<1xi32>
      %dma_start3A_51 = arith.constant 1 : i32
      %dma_start3A_52 = arith.constant 0 : i32
      %dma_start3A_53 = tpu.memref_slice %arg12[%dma_start3A_51, %dma_start3A_52] : memref<16x32xf32, #tpu.memory_space<vmem>> -> memref<1x32xf32, #tpu.memory_space<vmem>>
      %dma_start3A_54 = arith.constant 0 : i32
      %dma_start3A_55 = tpu.memref_slice %arg5[%squeeze3A_50, %dma_start3A_54] : memref<1000000x32xf32, #tpu.memory_space<hbm>> -> memref<1x32xf32, #tpu.memory_space<hbm>>
      %dma_start3A_56 = arith.constant 1 : i32
      %dma_start3A_57 = arith.constant 0 : i32
      %dma_start3A_58 = tpu.memref_slice %arg12[%dma_start3A_56, %dma_start3A_57] : memref<16x32xf32, #tpu.memory_space<vmem>> -> memref<1x32xf32, #tpu.memory_space<vmem>>
      %dma_start3A_59 = arith.constant 0 : i32
      %dma_start3A_60 = tpu.memref_slice %arg5[%squeeze3A_50, %dma_start3A_59] : memref<1000000x32xf32, #tpu.memory_space<hbm>> -> memref<1x32xf32, #tpu.memory_space<hbm>>
      tpu.enqueue_dma source(%dma_start3A_60 : memref<1x32xf32, #tpu.memory_space<hbm>>) target(%dma_start3A_58 : memref<1x32xf32, #tpu.memory_space<vmem>>) target_semaphore(%arg17 : memref<!tpu.dma_semaphore, #tpu.memory_space<semaphore_mem>>)
      %slice3A_61 = vector.extract_strided_slice %get3A_13 {offsets = [1], sizes = [1], strides = [1]} : vector<16xi32> to vector<1xi32>
      %squeeze3A_62 = vector.extract %slice3A_61[0] : i32 from vector<1xi32>
      %dma_start3A_63 = arith.constant 1 : i32
      %dma_start3A_64 = arith.constant 0 : i32
      %dma_start3A_65 = tpu.memref_slice %arg13[%dma_start3A_63, %dma_start3A_64] : memref<16x32xf32, #tpu.memory_space<vmem>> -> memref<1x32xf32, #tpu.memory_space<vmem>>
      %dma_start3A_66 = arith.constant 0 : i32
      %dma_start3A_67 = tpu.memref_slice %arg6[%squeeze3A_62, %dma_start3A_66] : memref<1000000x32xf32, #tpu.memory_space<hbm>> -> memref<1x32xf32, #tpu.memory_space<hbm>>
      %dma_start3A_68 = arith.constant 1 : i32
      %dma_start3A_69 = arith.constant 0 : i32
      %dma_start3A_70 = tpu.memref_slice %arg13[%dma_start3A_68, %dma_start3A_69] : memref<16x32xf32, #tpu.memory_space<vmem>> -> memref<1x32xf32, #tpu.memory_space<vmem>>
      %dma_start3A_71 = arith.constant 0 : i32
      %dma_start3A_72 = tpu.memref_slice %arg6[%squeeze3A_62, %dma_start3A_71] : memref<1000000x32xf32, #tpu.memory_space<hbm>> -> memref<1x32xf32, #tpu.memory_space<hbm>>
      tpu.enqueue_dma source(%dma_start3A_72 : memref<1x32xf32, #tpu.memory_space<hbm>>) target(%dma_start3A_70 : memref<1x32xf32, #tpu.memory_space<vmem>>) target_semaphore(%arg17 : memref<!tpu.dma_semaphore, #tpu.memory_space<semaphore_mem>>)
      %slice3A_73 = vector.extract_strided_slice %get3A_15 {offsets = [1], sizes = [1], strides = [1]} : vector<16xi32> to vector<1xi32>
      %squeeze3A_74 = vector.extract %slice3A_73[0] : i32 from vector<1xi32>
      %dma_start3A_75 = arith.constant 1 : i32
      %dma_start3A_76 = arith.constant 0 : i32
      %dma_start3A_77 = tpu.memref_slice %arg14[%dma_start3A_75, %dma_start3A_76] : memref<16x32xf32, #tpu.memory_space<vmem>> -> memref<1x32xf32, #tpu.memory_space<vmem>>
      %dma_start3A_78 = arith.constant 0 : i32
      %dma_start3A_79 = tpu.memref_slice %arg6[%squeeze3A_74, %dma_start3A_78] : memref<1000000x32xf32, #tpu.memory_space<hbm>> -> memref<1x32xf32, #tpu.memory_space<hbm>>
      %dma_start3A_80 = arith.constant 1 : i32
      %dma_start3A_81 = arith.constant 0 : i32
      %dma_start3A_82 = tpu.memref_slice %arg14[%dma_start3A_80, %dma_start3A_81] : memref<16x32xf32, #tpu.memory_space<vmem>> -> memref<1x32xf32, #tpu.memory_space<vmem>>
      %dma_start3A_83 = arith.constant 0 : i32
      %dma_start3A_84 = tpu.memref_slice %arg6[%squeeze3A_74, %dma_start3A_83] : memref<1000000x32xf32, #tpu.memory_space<hbm>> -> memref<1x32xf32, #tpu.memory_space<hbm>>
      tpu.enqueue_dma source(%dma_start3A_84 : memref<1x32xf32, #tpu.memory_space<hbm>>) target(%dma_start3A_82 : memref<1x32xf32, #tpu.memory_space<vmem>>) target_semaphore(%arg17 : memref<!tpu.dma_semaphore, #tpu.memory_space<semaphore_mem>>)
      %slice3A_85 = vector.extract_strided_slice %get3A_11 {offsets = [2], sizes = [1], strides = [1]} : vector<16xi32> to vector<1xi32>
      %squeeze3A_86 = vector.extract %slice3A_85[0] : i32 from vector<1xi32>
      %dma_start3A_87 = arith.constant 2 : i32
      %dma_start3A_88 = arith.constant 0 : i32
      %dma_start3A_89 = tpu.memref_slice %arg12[%dma_start3A_87, %dma_start3A_88] : memref<16x32xf32, #tpu.memory_space<vmem>> -> memref<1x32xf32, #tpu.memory_space<vmem>>
      %dma_start3A_90 = arith.constant 0 : i32
      %dma_start3A_91 = tpu.memref_slice %arg5[%squeeze3A_86, %dma_start3A_90] : memref<1000000x32xf32, #tpu.memory_space<hbm>> -> memref<1x32xf32, #tpu.memory_space<hbm>>
      %dma_start3A_92 = arith.constant 2 : i32
      %dma_start3A_93 = arith.constant 0 : i32
      %dma_start3A_94 = tpu.memref_slice %arg12[%dma_start3A_92, %dma_start3A_93] : memref<16x32xf32, #tpu.memory_space<vmem>> -> memref<1x32xf32, #tpu.memory_space<vmem>>
      %dma_start3A_95 = arith.constant 0 : i32
      %dma_start3A_96 = tpu.memref_slice %arg5[%squeeze3A_86, %dma_start3A_95] : memref<1000000x32xf32, #tpu.memory_space<hbm>> -> memref<1x32xf32, #tpu.memory_space<hbm>>
      tpu.enqueue_dma source(%dma_start3A_96 : memref<1x32xf32, #tpu.memory_space<hbm>>) target(%dma_start3A_94 : memref<1x32xf32, #tpu.memory_space<vmem>>) target_semaphore(%arg17 : memref<!tpu.dma_semaphore, #tpu.memory_space<semaphore_mem>>)
      %slice3A_97 = vector.extract_strided_slice %get3A_13 {offsets = [2], sizes = [1], strides = [1]} : vector<16xi32> to vector<1xi32>
      %squeeze3A_98 = vector.extract %slice3A_97[0] : i32 from vector<1xi32>
      %dma_start3A_99 = arith.constant 2 : i32
      %dma_start3A_100 = arith.constant 0 : i32
      %dma_start3A_101 = tpu.memref_slice %arg13[%dma_start3A_99, %dma_start3A_100] : memref<16x32xf32, #tpu.memory_space<vmem>> -> memref<1x32xf32, #tpu.memory_space<vmem>>
      %dma_start3A_102 = arith.constant 0 : i32
      %dma_start3A_103 = tpu.memref_slice %arg6[%squeeze3A_98, %dma_start3A_102] : memref<1000000x32xf32, #tpu.memory_space<hbm>> -> memref<1x32xf32, #tpu.memory_space<hbm>>
      %dma_start3A_104 = arith.constant 2 : i32
      %dma_start3A_105 = arith.constant 0 : i32
      %dma_start3A_106 = tpu.memref_slice %arg13[%dma_start3A_104, %dma_start3A_105] : memref<16x32xf32, #tpu.memory_space<vmem>> -> memref<1x32xf32, #tpu.memory_space<vmem>>
      %dma_start3A_107 = arith.constant 0 : i32
      %dma_start3A_108 = tpu.memref_slice %arg6[%squeeze3A_98, %dma_start3A_107] : memref<1000000x32xf32, #tpu.memory_space<hbm>> -> memref<1x32xf32, #tpu.memory_space<hbm>>
      tpu.enqueue_dma source(%dma_start3A_108 : memref<1x32xf32, #tpu.memory_space<hbm>>) target(%dma_start3A_106 : memref<1x32xf32, #tpu.memory_space<vmem>>) target_semaphore(%arg17 : memref<!tpu.dma_semaphore, #tpu.memory_space<semaphore_mem>>)
      %slice3A_109 = vector.extract_strided_slice %get3A_15 {offsets = [2], sizes = [1], strides = [1]} : vector<16xi32> to vector<1xi32>
      %squeeze3A_110 = vector.extract %slice3A_109[0] : i32 from vector<1xi32>
      %dma_start3A_111 = arith.constant 2 : i32
      %dma_start3A_112 = arith.constant 0 : i32
      %dma_start3A_113 = tpu.memref_slice %arg14[%dma_start3A_111, %dma_start3A_112] : memref<16x32xf32, #tpu.memory_space<vmem>> -> memref<1x32xf32, #tpu.memory_space<vmem>>
      %dma_start3A_114 = arith.constant 0 : i32
      %dma_start3A_115 = tpu.memref_slice %arg6[%squeeze3A_110, %dma_start3A_114] : memref<1000000x32xf32, #tpu.memory_space<hbm>> -> memref<1x32xf32, #tpu.memory_space<hbm>>
      %dma_start3A_116 = arith.constant 2 : i32
      %dma_start3A_117 = arith.constant 0 : i32
      %dma_start3A_118 = tpu.memref_slice %arg14[%dma_start3A_116, %dma_start3A_117] : memref<16x32xf32, #tpu.memory_space<vmem>> -> memref<1x32xf32, #tpu.memory_space<vmem>>
      %dma_start3A_119 = arith.constant 0 : i32
      %dma_start3A_120 = tpu.memref_slice %arg6[%squeeze3A_110, %dma_start3A_119] : memref<1000000x32xf32, #tpu.memory_space<hbm>> -> memref<1x32xf32, #tpu.memory_space<hbm>>
      tpu.enqueue_dma source(%dma_start3A_120 : memref<1x32xf32, #tpu.memory_space<hbm>>) target(%dma_start3A_118 : memref<1x32xf32, #tpu.memory_space<vmem>>) target_semaphore(%arg17 : memref<!tpu.dma_semaphore, #tpu.memory_space<semaphore_mem>>)
      %slice3A_121 = vector.extract_strided_slice %get3A_11 {offsets = [3], sizes = [1], strides = [1]} : vector<16xi32> to vector<1xi32>
      %squeeze3A_122 = vector.extract %slice3A_121[0] : i32 from vector<1xi32>
      %dma_start3A_123 = arith.constant 3 : i32
      %dma_start3A_124 = arith.constant 0 : i32
      %dma_start3A_125 = tpu.memref_slice %arg12[%dma_start3A_123, %dma_start3A_124] : memref<16x32xf32, #tpu.memory_space<vmem>> -> memref<1x32xf32, #tpu.memory_space<vmem>>
      %dma_start3A_126 = arith.constant 0 : i32
      %dma_start3A_127 = tpu.memref_slice %arg5[%squeeze3A_122, %dma_start3A_126] : memref<1000000x32xf32, #tpu.memory_space<hbm>> -> memref<1x32xf32, #tpu.memory_space<hbm>>
      %dma_start3A_128 = arith.constant 3 : i32
      %dma_start3A_129 = arith.constant 0 : i32
      %dma_start3A_130 = tpu.memref_slice %arg12[%dma_start3A_128, %dma_start3A_129] : memref<16x32xf32, #tpu.memory_space<vmem>> -> memref<1x32xf32, #tpu.memory_space<vmem>>
      %dma_start3A_131 = arith.constant 0 : i32
      %dma_start3A_132 = tpu.memref_slice %arg5[%squeeze3A_122, %dma_start3A_131] : memref<1000000x32xf32, #tpu.memory_space<hbm>> -> memref<1x32xf32, #tpu.memory_space<hbm>>
      tpu.enqueue_dma source(%dma_start3A_132 : memref<1x32xf32, #tpu.memory_space<hbm>>) target(%dma_start3A_130 : memref<1x32xf32, #tpu.memory_space<vmem>>) target_semaphore(%arg17 : memref<!tpu.dma_semaphore, #tpu.memory_space<semaphore_mem>>)
      %slice3A_133 = vector.extract_strided_slice %get3A_13 {offsets = [3], sizes = [1], strides = [1]} : vector<16xi32> to vector<1xi32>
      %squeeze3A_134 = vector.extract %slice3A_133[0] : i32 from vector<1xi32>
      %dma_start3A_135 = arith.constant 3 : i32
      %dma_start3A_136 = arith.constant 0 : i32
      %dma_start3A_137 = tpu.memref_slice %arg13[%dma_start3A_135, %dma_start3A_136] : memref<16x32xf32, #tpu.memory_space<vmem>> -> memref<1x32xf32, #tpu.memory_space<vmem>>
      %dma_start3A_138 = arith.constant 0 : i32
      %dma_start3A_139 = tpu.memref_slice %arg6[%squeeze3A_134, %dma_start3A_138] : memref<1000000x32xf32, #tpu.memory_space<hbm>> -> memref<1x32xf32, #tpu.memory_space<hbm>>
      %dma_start3A_140 = arith.constant 3 : i32
      %dma_start3A_141 = arith.constant 0 : i32
      %dma_start3A_142 = tpu.memref_slice %arg13[%dma_start3A_140, %dma_start3A_141] : memref<16x32xf32, #tpu.memory_space<vmem>> -> memref<1x32xf32, #tpu.memory_space<vmem>>
      %dma_start3A_143 = arith.constant 0 : i32
      %dma_start3A_144 = tpu.memref_slice %arg6[%squeeze3A_134, %dma_start3A_143] : memref<1000000x32xf32, #tpu.memory_space<hbm>> -> memref<1x32xf32, #tpu.memory_space<hbm>>
      tpu.enqueue_dma source(%dma_start3A_144 : memref<1x32xf32, #tpu.memory_space<hbm>>) target(%dma_start3A_142 : memref<1x32xf32, #tpu.memory_space<vmem>>) target_semaphore(%arg17 : memref<!tpu.dma_semaphore, #tpu.memory_space<semaphore_mem>>)
      %slice3A_145 = vector.extract_strided_slice %get3A_15 {offsets = [3], sizes = [1], strides = [1]} : vector<16xi32> to vector<1xi32>
      %squeeze3A_146 = vector.extract %slice3A_145[0] : i32 from vector<1xi32>
      %dma_start3A_147 = arith.constant 3 : i32
      %dma_start3A_148 = arith.constant 0 : i32
      %dma_start3A_149 = tpu.memref_slice %arg14[%dma_start3A_147, %dma_start3A_148] : memref<16x32xf32, #tpu.memory_space<vmem>> -> memref<1x32xf32, #tpu.memory_space<vmem>>
      %dma_start3A_150 = arith.constant 0 : i32
      %dma_start3A_151 = tpu.memref_slice %arg6[%squeeze3A_146, %dma_start3A_150] : memref<1000000x32xf32, #tpu.memory_space<hbm>> -> memref<1x32xf32, #tpu.memory_space<hbm>>
      %dma_start3A_152 = arith.constant 3 : i32
      %dma_start3A_153 = arith.constant 0 : i32
      %dma_start3A_154 = tpu.memref_slice %arg14[%dma_start3A_152, %dma_start3A_153] : memref<16x32xf32, #tpu.memory_space<vmem>> -> memref<1x32xf32, #tpu.memory_space<vmem>>
      %dma_start3A_155 = arith.constant 0 : i32
      %dma_start3A_156 = tpu.memref_slice %arg6[%squeeze3A_146, %dma_start3A_155] : memref<1000000x32xf32, #tpu.memory_space<hbm>> -> memref<1x32xf32, #tpu.memory_space<hbm>>
      tpu.enqueue_dma source(%dma_start3A_156 : memref<1x32xf32, #tpu.memory_space<hbm>>) target(%dma_start3A_154 : memref<1x32xf32, #tpu.memory_space<vmem>>) target_semaphore(%arg17 : memref<!tpu.dma_semaphore, #tpu.memory_space<semaphore_mem>>)
      %slice3A_157 = vector.extract_strided_slice %get3A_11 {offsets = [4], sizes = [1], strides = [1]} : vector<16xi32> to vector<1xi32>
      %squeeze3A_158 = vector.extract %slice3A_157[0] : i32 from vector<1xi32>
      %dma_start3A_159 = arith.constant 4 : i32
      %dma_start3A_160 = arith.constant 0 : i32
      %dma_start3A_161 = tpu.memref_slice %arg12[%dma_start3A_159, %dma_start3A_160] : memref<16x32xf32, #tpu.memory_space<vmem>> -> memref<1x32xf32, #tpu.memory_space<vmem>>
      %dma_start3A_162 = arith.constant 0 : i32
      %dma_start3A_163 = tpu.memref_slice %arg5[%squeeze3A_158, %dma_start3A_162] : memref<1000000x32xf32, #tpu.memory_space<hbm>> -> memref<1x32xf32, #tpu.memory_space<hbm>>
      %dma_start3A_164 = arith.constant 4 : i32
      %dma_start3A_165 = arith.constant 0 : i32
      %dma_start3A_166 = tpu.memref_slice %arg12[%dma_start3A_164, %dma_start3A_165] : memref<16x32xf32, #tpu.memory_space<vmem>> -> memref<1x32xf32, #tpu.memory_space<vmem>>
      %dma_start3A_167 = arith.constant 0 : i32
      %dma_start3A_168 = tpu.memref_slice %arg5[%squeeze3A_158, %dma_start3A_167] : memref<1000000x32xf32, #tpu.memory_space<hbm>> -> memref<1x32xf32, #tpu.memory_space<hbm>>
      tpu.enqueue_dma source(%dma_start3A_168 : memref<1x32xf32, #tpu.memory_space<hbm>>) target(%dma_start3A_166 : memref<1x32xf32, #tpu.memory_space<vmem>>) target_semaphore(%arg17 : memref<!tpu.dma_semaphore, #tpu.memory_space<semaphore_mem>>)
      %slice3A_169 = vector.extract_strided_slice %get3A_13 {offsets = [4], sizes = [1], strides = [1]} : vector<16xi32> to vector<1xi32>
      %squeeze3A_170 = vector.extract %slice3A_169[0] : i32 from vector<1xi32>
      %dma_start3A_171 = arith.constant 4 : i32
      %dma_start3A_172 = arith.constant 0 : i32
      %dma_start3A_173 = tpu.memref_slice %arg13[%dma_start3A_171, %dma_start3A_172] : memref<16x32xf32, #tpu.memory_space<vmem>> -> memref<1x32xf32, #tpu.memory_space<vmem>>
      %dma_start3A_174 = arith.constant 0 : i32
      %dma_start3A_175 = tpu.memref_slice %arg6[%squeeze3A_170, %dma_start3A_174] : memref<1000000x32xf32, #tpu.memory_space<hbm>> -> memref<1x32xf32, #tpu.memory_space<hbm>>
      %dma_start3A_176 = arith.constant 4 : i32
      %dma_start3A_177 = arith.constant 0 : i32
      %dma_start3A_178 = tpu.memref_slice %arg13[%dma_start3A_176, %dma_start3A_177] : memref<16x32xf32, #tpu.memory_space<vmem>> -> memref<1x32xf32, #tpu.memory_space<vmem>>
      %dma_start3A_179 = arith.constant 0 : i32
      %dma_start3A_180 = tpu.memref_slice %arg6[%squeeze3A_170, %dma_start3A_179] : memref<1000000x32xf32, #tpu.memory_space<hbm>> -> memref<1x32xf32, #tpu.memory_space<hbm>>
      tpu.enqueue_dma source(%dma_start3A_180 : memref<1x32xf32, #tpu.memory_space<hbm>>) target(%dma_start3A_178 : memref<1x32xf32, #tpu.memory_space<vmem>>) target_semaphore(%arg17 : memref<!tpu.dma_semaphore, #tpu.memory_space<semaphore_mem>>)
      %slice3A_181 = vector.extract_strided_slice %get3A_15 {offsets = [4], sizes = [1], strides = [1]} : vector<16xi32> to vector<1xi32>
      %squeeze3A_182 = vector.extract %slice3A_181[0] : i32 from vector<1xi32>
      %dma_start3A_183 = arith.constant 4 : i32
      %dma_start3A_184 = arith.constant 0 : i32
      %dma_start3A_185 = tpu.memref_slice %arg14[%dma_start3A_183, %dma_start3A_184] : memref<16x32xf32, #tpu.memory_space<vmem>> -> memref<1x32xf32, #tpu.memory_space<vmem>>
      %dma_start3A_186 = arith.constant 0 : i32
      %dma_start3A_187 = tpu.memref_slice %arg6[%squeeze3A_182, %dma_start3A_186] : memref<1000000x32xf32, #tpu.memory_space<hbm>> -> memref<1x32xf32, #tpu.memory_space<hbm>>
      %dma_start3A_188 = arith.constant 4 : i32
      %dma_start3A_189 = arith.constant 0 : i32
      %dma_start3A_190 = tpu.memref_slice %arg14[%dma_start3A_188, %dma_start3A_189] : memref<16x32xf32, #tpu.memory_space<vmem>> -> memref<1x32xf32, #tpu.memory_space<vmem>>
      %dma_start3A_191 = arith.constant 0 : i32
      %dma_start3A_192 = tpu.memref_slice %arg6[%squeeze3A_182, %dma_start3A_191] : memref<1000000x32xf32, #tpu.memory_space<hbm>> -> memref<1x32xf32, #tpu.memory_space<hbm>>
      tpu.enqueue_dma source(%dma_start3A_192 : memref<1x32xf32, #tpu.memory_space<hbm>>) target(%dma_start3A_190 : memref<1x32xf32, #tpu.memory_space<vmem>>) target_semaphore(%arg17 : memref<!tpu.dma_semaphore, #tpu.memory_space<semaphore_mem>>)
      %slice3A_193 = vector.extract_strided_slice %get3A_11 {offsets = [5], sizes = [1], strides = [1]} : vector<16xi32> to vector<1xi32>
      %squeeze3A_194 = vector.extract %slice3A_193[0] : i32 from vector<1xi32>
      %dma_start3A_195 = arith.constant 5 : i32
      %dma_start3A_196 = arith.constant 0 : i32
      %dma_start3A_197 = tpu.memref_slice %arg12[%dma_start3A_195, %dma_start3A_196] : memref<16x32xf32, #tpu.memory_space<vmem>> -> memref<1x32xf32, #tpu.memory_space<vmem>>
      %dma_start3A_198 = arith.constant 0 : i32
      %dma_start3A_199 = tpu.memref_slice %arg5[%squeeze3A_194, %dma_start3A_198] : memref<1000000x32xf32, #tpu.memory_space<hbm>> -> memref<1x32xf32, #tpu.memory_space<hbm>>
      %dma_start3A_200 = arith.constant 5 : i32
      %dma_start3A_201 = arith.constant 0 : i32
      %dma_start3A_202 = tpu.memref_slice %arg12[%dma_start3A_200, %dma_start3A_201] : memref<16x32xf32, #tpu.memory_space<vmem>> -> memref<1x32xf32, #tpu.memory_space<vmem>>
      %dma_start3A_203 = arith.constant 0 : i32
      %dma_start3A_204 = tpu.memref_slice %arg5[%squeeze3A_194, %dma_start3A_203] : memref<1000000x32xf32, #tpu.memory_space<hbm>> -> memref<1x32xf32, #tpu.memory_space<hbm>>
      tpu.enqueue_dma source(%dma_start3A_204 : memref<1x32xf32, #tpu.memory_space<hbm>>) target(%dma_start3A_202 : memref<1x32xf32, #tpu.memory_space<vmem>>) target_semaphore(%arg17 : memref<!tpu.dma_semaphore, #tpu.memory_space<semaphore_mem>>)
      %slice3A_205 = vector.extract_strided_slice %get3A_13 {offsets = [5], sizes = [1], strides = [1]} : vector<16xi32> to vector<1xi32>
      %squeeze3A_206 = vector.extract %slice3A_205[0] : i32 from vector<1xi32>
      %dma_start3A_207 = arith.constant 5 : i32
      %dma_start3A_208 = arith.constant 0 : i32
      %dma_start3A_209 = tpu.memref_slice %arg13[%dma_start3A_207, %dma_start3A_208] : memref<16x32xf32, #tpu.memory_space<vmem>> -> memref<1x32xf32, #tpu.memory_space<vmem>>
      %dma_start3A_210 = arith.constant 0 : i32
      %dma_start3A_211 = tpu.memref_slice %arg6[%squeeze3A_206, %dma_start3A_210] : memref<1000000x32xf32, #tpu.memory_space<hbm>> -> memref<1x32xf32, #tpu.memory_space<hbm>>
      %dma_start3A_212 = arith.constant 5 : i32
      %dma_start3A_213 = arith.constant 0 : i32
      %dma_start3A_214 = tpu.memref_slice %arg13[%dma_start3A_212, %dma_start3A_213] : memref<16x32xf32, #tpu.memory_space<vmem>> -> memref<1x32xf32, #tpu.memory_space<vmem>>
      %dma_start3A_215 = arith.constant 0 : i32
      %dma_start3A_216 = tpu.memref_slice %arg6[%squeeze3A_206, %dma_start3A_215] : memref<1000000x32xf32, #tpu.memory_space<hbm>> -> memref<1x32xf32, #tpu.memory_space<hbm>>
      tpu.enqueue_dma source(%dma_start3A_216 : memref<1x32xf32, #tpu.memory_space<hbm>>) target(%dma_start3A_214 : memref<1x32xf32, #tpu.memory_space<vmem>>) target_semaphore(%arg17 : memref<!tpu.dma_semaphore, #tpu.memory_space<semaphore_mem>>)
      %slice3A_217 = vector.extract_strided_slice %get3A_15 {offsets = [5], sizes = [1], strides = [1]} : vector<16xi32> to vector<1xi32>
      %squeeze3A_218 = vector.extract %slice3A_217[0] : i32 from vector<1xi32>
      %dma_start3A_219 = arith.constant 5 : i32
      %dma_start3A_220 = arith.constant 0 : i32
      %dma_start3A_221 = tpu.memref_slice %arg14[%dma_start3A_219, %dma_start3A_220] : memref<16x32xf32, #tpu.memory_space<vmem>> -> memref<1x32xf32, #tpu.memory_space<vmem>>
      %dma_start3A_222 = arith.constant 0 : i32
      %dma_start3A_223 = tpu.memref_slice %arg6[%squeeze3A_218, %dma_start3A_222] : memref<1000000x32xf32, #tpu.memory_space<hbm>> -> memref<1x32xf32, #tpu.memory_space<hbm>>
      %dma_start3A_224 = arith.constant 5 : i32
      %dma_start3A_225 = arith.constant 0 : i32
      %dma_start3A_226 = tpu.memref_slice %arg14[%dma_start3A_224, %dma_start3A_225] : memref<16x32xf32, #tpu.memory_space<vmem>> -> memref<1x32xf32, #tpu.memory_space<vmem>>
      %dma_start3A_227 = arith.constant 0 : i32
      %dma_start3A_228 = tpu.memref_slice %arg6[%squeeze3A_218, %dma_start3A_227] : memref<1000000x32xf32, #tpu.memory_space<hbm>> -> memref<1x32xf32, #tpu.memory_space<hbm>>
      tpu.enqueue_dma source(%dma_start3A_228 : memref<1x32xf32, #tpu.memory_space<hbm>>) target(%dma_start3A_226 : memref<1x32xf32, #tpu.memory_space<vmem>>) target_semaphore(%arg17 : memref<!tpu.dma_semaphore, #tpu.memory_space<semaphore_mem>>)
      %slice3A_229 = vector.extract_strided_slice %get3A_11 {offsets = [6], sizes = [1], strides = [1]} : vector<16xi32> to vector<1xi32>
      %squeeze3A_230 = vector.extract %slice3A_229[0] : i32 from vector<1xi32>
      %dma_start3A_231 = arith.constant 6 : i32
      %dma_start3A_232 = arith.constant 0 : i32
      %dma_start3A_233 = tpu.memref_slice %arg12[%dma_start3A_231, %dma_start3A_232] : memref<16x32xf32, #tpu.memory_space<vmem>> -> memref<1x32xf32, #tpu.memory_space<vmem>>
      %dma_start3A_234 = arith.constant 0 : i32
      %dma_start3A_235 = tpu.memref_slice %arg5[%squeeze3A_230, %dma_start3A_234] : memref<1000000x32xf32, #tpu.memory_space<hbm>> -> memref<1x32xf32, #tpu.memory_space<hbm>>
      %dma_start3A_236 = arith.constant 6 : i32
      %dma_start3A_237 = arith.constant 0 : i32
      %dma_start3A_238 = tpu.memref_slice %arg12[%dma_start3A_236, %dma_start3A_237] : memref<16x32xf32, #tpu.memory_space<vmem>> -> memref<1x32xf32, #tpu.memory_space<vmem>>
      %dma_start3A_239 = arith.constant 0 : i32
      %dma_start3A_240 = tpu.memref_slice %arg5[%squeeze3A_230, %dma_start3A_239] : memref<1000000x32xf32, #tpu.memory_space<hbm>> -> memref<1x32xf32, #tpu.memory_space<hbm>>
      tpu.enqueue_dma source(%dma_start3A_240 : memref<1x32xf32, #tpu.memory_space<hbm>>) target(%dma_start3A_238 : memref<1x32xf32, #tpu.memory_space<vmem>>) target_semaphore(%arg17 : memref<!tpu.dma_semaphore, #tpu.memory_space<semaphore_mem>>)
      %slice3A_241 = vector.extract_strided_slice %get3A_13 {offsets = [6], sizes = [1], strides = [1]} : vector<16xi32> to vector<1xi32>
      %squeeze3A_242 = vector.extract %slice3A_241[0] : i32 from vector<1xi32>
      %dma_start3A_243 = arith.constant 6 : i32
      %dma_start3A_244 = arith.constant 0 : i32
      %dma_start3A_245 = tpu.memref_slice %arg13[%dma_start3A_243, %dma_start3A_244] : memref<16x32xf32, #tpu.memory_space<vmem>> -> memref<1x32xf32, #tpu.memory_space<vmem>>
      %dma_start3A_246 = arith.constant 0 : i32
      %dma_start3A_247 = tpu.memref_slice %arg6[%squeeze3A_242, %dma_start3A_246] : memref<1000000x32xf32, #tpu.memory_space<hbm>> -> memref<1x32xf32, #tpu.memory_space<hbm>>
      %dma_start3A_248 = arith.constant 6 : i32
      %dma_start3A_249 = arith.constant 0 : i32
      %dma_start3A_250 = tpu.memref_slice %arg13[%dma_start3A_248, %dma_start3A_249] : memref<16x32xf32, #tpu.memory_space<vmem>> -> memref<1x32xf32, #tpu.memory_space<vmem>>
      %dma_start3A_251 = arith.constant 0 : i32
      %dma_start3A_252 = tpu.memref_slice %arg6[%squeeze3A_242, %dma_start3A_251] : memref<1000000x32xf32, #tpu.memory_space<hbm>> -> memref<1x32xf32, #tpu.memory_space<hbm>>
      tpu.enqueue_dma source(%dma_start3A_252 : memref<1x32xf32, #tpu.memory_space<hbm>>) target(%dma_start3A_250 : memref<1x32xf32, #tpu.memory_space<vmem>>) target_semaphore(%arg17 : memref<!tpu.dma_semaphore, #tpu.memory_space<semaphore_mem>>)
      %slice3A_253 = vector.extract_strided_slice %get3A_15 {offsets = [6], sizes = [1], strides = [1]} : vector<16xi32> to vector<1xi32>
      %squeeze3A_254 = vector.extract %slice3A_253[0] : i32 from vector<1xi32>
      %dma_start3A_255 = arith.constant 6 : i32
      %dma_start3A_256 = arith.constant 0 : i32
      %dma_start3A_257 = tpu.memref_slice %arg14[%dma_start3A_255, %dma_start3A_256] : memref<16x32xf32, #tpu.memory_space<vmem>> -> memref<1x32xf32, #tpu.memory_space<vmem>>
      %dma_start3A_258 = arith.constant 0 : i32
      %dma_start3A_259 = tpu.memref_slice %arg6[%squeeze3A_254, %dma_start3A_258] : memref<1000000x32xf32, #tpu.memory_space<hbm>> -> memref<1x32xf32, #tpu.memory_space<hbm>>
      %dma_start3A_260 = arith.constant 6 : i32
      %dma_start3A_261 = arith.constant 0 : i32
      %dma_start3A_262 = tpu.memref_slice %arg14[%dma_start3A_260, %dma_start3A_261] : memref<16x32xf32, #tpu.memory_space<vmem>> -> memref<1x32xf32, #tpu.memory_space<vmem>>
      %dma_start3A_263 = arith.constant 0 : i32
      %dma_start3A_264 = tpu.memref_slice %arg6[%squeeze3A_254, %dma_start3A_263] : memref<1000000x32xf32, #tpu.memory_space<hbm>> -> memref<1x32xf32, #tpu.memory_space<hbm>>
      tpu.enqueue_dma source(%dma_start3A_264 : memref<1x32xf32, #tpu.memory_space<hbm>>) target(%dma_start3A_262 : memref<1x32xf32, #tpu.memory_space<vmem>>) target_semaphore(%arg17 : memref<!tpu.dma_semaphore, #tpu.memory_space<semaphore_mem>>)
      %slice3A_265 = vector.extract_strided_slice %get3A_11 {offsets = [7], sizes = [1], strides = [1]} : vector<16xi32> to vector<1xi32>
      %squeeze3A_266 = vector.extract %slice3A_265[0] : i32 from vector<1xi32>
      %dma_start3A_267 = arith.constant 7 : i32
      %dma_start3A_268 = arith.constant 0 : i32
      %dma_start3A_269 = tpu.memref_slice %arg12[%dma_start3A_267, %dma_start3A_268] : memref<16x32xf32, #tpu.memory_space<vmem>> -> memref<1x32xf32, #tpu.memory_space<vmem>>
      %dma_start3A_270 = arith.constant 0 : i32
      %dma_start3A_271 = tpu.memref_slice %arg5[%squeeze3A_266, %dma_start3A_270] : memref<1000000x32xf32, #tpu.memory_space<hbm>> -> memref<1x32xf32, #tpu.memory_space<hbm>>
      %dma_start3A_272 = arith.constant 7 : i32
      %dma_start3A_273 = arith.constant 0 : i32
      %dma_start3A_274 = tpu.memref_slice %arg12[%dma_start3A_272, %dma_start3A_273] : memref<16x32xf32, #tpu.memory_space<vmem>> -> memref<1x32xf32, #tpu.memory_space<vmem>>
      %dma_start3A_275 = arith.constant 0 : i32
      %dma_start3A_276 = tpu.memref_slice %arg5[%squeeze3A_266, %dma_start3A_275] : memref<1000000x32xf32, #tpu.memory_space<hbm>> -> memref<1x32xf32, #tpu.memory_space<hbm>>
      tpu.enqueue_dma source(%dma_start3A_276 : memref<1x32xf32, #tpu.memory_space<hbm>>) target(%dma_start3A_274 : memref<1x32xf32, #tpu.memory_space<vmem>>) target_semaphore(%arg17 : memref<!tpu.dma_semaphore, #tpu.memory_space<semaphore_mem>>)
      %slice3A_277 = vector.extract_strided_slice %get3A_13 {offsets = [7], sizes = [1], strides = [1]} : vector<16xi32> to vector<1xi32>
      %squeeze3A_278 = vector.extract %slice3A_277[0] : i32 from vector<1xi32>
      %dma_start3A_279 = arith.constant 7 : i32
      %dma_start3A_280 = arith.constant 0 : i32
      %dma_start3A_281 = tpu.memref_slice %arg13[%dma_start3A_279, %dma_start3A_280] : memref<16x32xf32, #tpu.memory_space<vmem>> -> memref<1x32xf32, #tpu.memory_space<vmem>>
      %dma_start3A_282 = arith.constant 0 : i32
      %dma_start3A_283 = tpu.memref_slice %arg6[%squeeze3A_278, %dma_start3A_282] : memref<1000000x32xf32, #tpu.memory_space<hbm>> -> memref<1x32xf32, #tpu.memory_space<hbm>>
      %dma_start3A_284 = arith.constant 7 : i32
      %dma_start3A_285 = arith.constant 0 : i32
      %dma_start3A_286 = tpu.memref_slice %arg13[%dma_start3A_284, %dma_start3A_285] : memref<16x32xf32, #tpu.memory_space<vmem>> -> memref<1x32xf32, #tpu.memory_space<vmem>>
      %dma_start3A_287 = arith.constant 0 : i32
      %dma_start3A_288 = tpu.memref_slice %arg6[%squeeze3A_278, %dma_start3A_287] : memref<1000000x32xf32, #tpu.memory_space<hbm>> -> memref<1x32xf32, #tpu.memory_space<hbm>>
      tpu.enqueue_dma source(%dma_start3A_288 : memref<1x32xf32, #tpu.memory_space<hbm>>) target(%dma_start3A_286 : memref<1x32xf32, #tpu.memory_space<vmem>>) target_semaphore(%arg17 : memref<!tpu.dma_semaphore, #tpu.memory_space<semaphore_mem>>)
      %slice3A_289 = vector.extract_strided_slice %get3A_15 {offsets = [7], sizes = [1], strides = [1]} : vector<16xi32> to vector<1xi32>
      %squeeze3A_290 = vector.extract %slice3A_289[0] : i32 from vector<1xi32>
      %dma_start3A_291 = arith.constant 7 : i32
      %dma_start3A_292 = arith.constant 0 : i32
      %dma_start3A_293 = tpu.memref_slice %arg14[%dma_start3A_291, %dma_start3A_292] : memref<16x32xf32, #tpu.memory_space<vmem>> -> memref<1x32xf32, #tpu.memory_space<vmem>>
      %dma_start3A_294 = arith.constant 0 : i32
      %dma_start3A_295 = tpu.memref_slice %arg6[%squeeze3A_290, %dma_start3A_294] : memref<1000000x32xf32, #tpu.memory_space<hbm>> -> memref<1x32xf32, #tpu.memory_space<hbm>>
      %dma_start3A_296 = arith.constant 7 : i32
      %dma_start3A_297 = arith.constant 0 : i32
      %dma_start3A_298 = tpu.memref_slice %arg14[%dma_start3A_296, %dma_start3A_297] : memref<16x32xf32, #tpu.memory_space<vmem>> -> memref<1x32xf32, #tpu.memory_space<vmem>>
      %dma_start3A_299 = arith.constant 0 : i32
      %dma_start3A_300 = tpu.memref_slice %arg6[%squeeze3A_290, %dma_start3A_299] : memref<1000000x32xf32, #tpu.memory_space<hbm>> -> memref<1x32xf32, #tpu.memory_space<hbm>>
      tpu.enqueue_dma source(%dma_start3A_300 : memref<1x32xf32, #tpu.memory_space<hbm>>) target(%dma_start3A_298 : memref<1x32xf32, #tpu.memory_space<vmem>>) target_semaphore(%arg17 : memref<!tpu.dma_semaphore, #tpu.memory_space<semaphore_mem>>)
      %slice3A_301 = vector.extract_strided_slice %get3A_11 {offsets = [8], sizes = [1], strides = [1]} : vector<16xi32> to vector<1xi32>
      %squeeze3A_302 = vector.extract %slice3A_301[0] : i32 from vector<1xi32>
      %dma_start3A_303 = arith.constant 8 : i32
      %dma_start3A_304 = arith.constant 0 : i32
      %dma_start3A_305 = tpu.memref_slice %arg12[%dma_start3A_303, %dma_start3A_304] : memref<16x32xf32, #tpu.memory_space<vmem>> -> memref<1x32xf32, #tpu.memory_space<vmem>>
      %dma_start3A_306 = arith.constant 0 : i32
      %dma_start3A_307 = tpu.memref_slice %arg5[%squeeze3A_302, %dma_start3A_306] : memref<1000000x32xf32, #tpu.memory_space<hbm>> -> memref<1x32xf32, #tpu.memory_space<hbm>>
      %dma_start3A_308 = arith.constant 8 : i32
      %dma_start3A_309 = arith.constant 0 : i32
      %dma_start3A_310 = tpu.memref_slice %arg12[%dma_start3A_308, %dma_start3A_309] : memref<16x32xf32, #tpu.memory_space<vmem>> -> memref<1x32xf32, #tpu.memory_space<vmem>>
      %dma_start3A_311 = arith.constant 0 : i32
      %dma_start3A_312 = tpu.memref_slice %arg5[%squeeze3A_302, %dma_start3A_311] : memref<1000000x32xf32, #tpu.memory_space<hbm>> -> memref<1x32xf32, #tpu.memory_space<hbm>>
      tpu.enqueue_dma source(%dma_start3A_312 : memref<1x32xf32, #tpu.memory_space<hbm>>) target(%dma_start3A_310 : memref<1x32xf32, #tpu.memory_space<vmem>>) target_semaphore(%arg17 : memref<!tpu.dma_semaphore, #tpu.memory_space<semaphore_mem>>)
      %slice3A_313 = vector.extract_strided_slice %get3A_13 {offsets = [8], sizes = [1], strides = [1]} : vector<16xi32> to vector<1xi32>
      %squeeze3A_314 = vector.extract %slice3A_313[0] : i32 from vector<1xi32>
      %dma_start3A_315 = arith.constant 8 : i32
      %dma_start3A_316 = arith.constant 0 : i32
      %dma_start3A_317 = tpu.memref_slice %arg13[%dma_start3A_315, %dma_start3A_316] : memref<16x32xf32, #tpu.memory_space<vmem>> -> memref<1x32xf32, #tpu.memory_space<vmem>>
      %dma_start3A_318 = arith.constant 0 : i32
      %dma_start3A_319 = tpu.memref_slice %arg6[%squeeze3A_314, %dma_start3A_318] : memref<1000000x32xf32, #tpu.memory_space<hbm>> -> memref<1x32xf32, #tpu.memory_space<hbm>>
      %dma_start3A_320 = arith.constant 8 : i32
      %dma_start3A_321 = arith.constant 0 : i32
      %dma_start3A_322 = tpu.memref_slice %arg13[%dma_start3A_320, %dma_start3A_321] : memref<16x32xf32, #tpu.memory_space<vmem>> -> memref<1x32xf32, #tpu.memory_space<vmem>>
      %dma_start3A_323 = arith.constant 0 : i32
      %dma_start3A_324 = tpu.memref_slice %arg6[%squeeze3A_314, %dma_start3A_323] : memref<1000000x32xf32, #tpu.memory_space<hbm>> -> memref<1x32xf32, #tpu.memory_space<hbm>>
      tpu.enqueue_dma source(%dma_start3A_324 : memref<1x32xf32, #tpu.memory_space<hbm>>) target(%dma_start3A_322 : memref<1x32xf32, #tpu.memory_space<vmem>>) target_semaphore(%arg17 : memref<!tpu.dma_semaphore, #tpu.memory_space<semaphore_mem>>)
      %slice3A_325 = vector.extract_strided_slice %get3A_15 {offsets = [8], sizes = [1], strides = [1]} : vector<16xi32> to vector<1xi32>
      %squeeze3A_326 = vector.extract %slice3A_325[0] : i32 from vector<1xi32>
      %dma_start3A_327 = arith.constant 8 : i32
      %dma_start3A_328 = arith.constant 0 : i32
      %dma_start3A_329 = tpu.memref_slice %arg14[%dma_start3A_327, %dma_start3A_328] : memref<16x32xf32, #tpu.memory_space<vmem>> -> memref<1x32xf32, #tpu.memory_space<vmem>>
      %dma_start3A_330 = arith.constant 0 : i32
      %dma_start3A_331 = tpu.memref_slice %arg6[%squeeze3A_326, %dma_start3A_330] : memref<1000000x32xf32, #tpu.memory_space<hbm>> -> memref<1x32xf32, #tpu.memory_space<hbm>>
      %dma_start3A_332 = arith.constant 8 : i32
      %dma_start3A_333 = arith.constant 0 : i32
      %dma_start3A_334 = tpu.memref_slice %arg14[%dma_start3A_332, %dma_start3A_333] : memref<16x32xf32, #tpu.memory_space<vmem>> -> memref<1x32xf32, #tpu.memory_space<vmem>>
      %dma_start3A_335 = arith.constant 0 : i32
      %dma_start3A_336 = tpu.memref_slice %arg6[%squeeze3A_326, %dma_start3A_335] : memref<1000000x32xf32, #tpu.memory_space<hbm>> -> memref<1x32xf32, #tpu.memory_space<hbm>>
      tpu.enqueue_dma source(%dma_start3A_336 : memref<1x32xf32, #tpu.memory_space<hbm>>) target(%dma_start3A_334 : memref<1x32xf32, #tpu.memory_space<vmem>>) target_semaphore(%arg17 : memref<!tpu.dma_semaphore, #tpu.memory_space<semaphore_mem>>)
      %slice3A_337 = vector.extract_strided_slice %get3A_11 {offsets = [9], sizes = [1], strides = [1]} : vector<16xi32> to vector<1xi32>
      %squeeze3A_338 = vector.extract %slice3A_337[0] : i32 from vector<1xi32>
      %dma_start3A_339 = arith.constant 9 : i32
      %dma_start3A_340 = arith.constant 0 : i32
      %dma_start3A_341 = tpu.memref_slice %arg12[%dma_start3A_339, %dma_start3A_340] : memref<16x32xf32, #tpu.memory_space<vmem>> -> memref<1x32xf32, #tpu.memory_space<vmem>>
      %dma_start3A_342 = arith.constant 0 : i32
      %dma_start3A_343 = tpu.memref_slice %arg5[%squeeze3A_338, %dma_start3A_342] : memref<1000000x32xf32, #tpu.memory_space<hbm>> -> memref<1x32xf32, #tpu.memory_space<hbm>>
      %dma_start3A_344 = arith.constant 9 : i32
      %dma_start3A_345 = arith.constant 0 : i32
      %dma_start3A_346 = tpu.memref_slice %arg12[%dma_start3A_344, %dma_start3A_345] : memref<16x32xf32, #tpu.memory_space<vmem>> -> memref<1x32xf32, #tpu.memory_space<vmem>>
      %dma_start3A_347 = arith.constant 0 : i32
      %dma_start3A_348 = tpu.memref_slice %arg5[%squeeze3A_338, %dma_start3A_347] : memref<1000000x32xf32, #tpu.memory_space<hbm>> -> memref<1x32xf32, #tpu.memory_space<hbm>>
      tpu.enqueue_dma source(%dma_start3A_348 : memref<1x32xf32, #tpu.memory_space<hbm>>) target(%dma_start3A_346 : memref<1x32xf32, #tpu.memory_space<vmem>>) target_semaphore(%arg17 : memref<!tpu.dma_semaphore, #tpu.memory_space<semaphore_mem>>)
      %slice3A_349 = vector.extract_strided_slice %get3A_13 {offsets = [9], sizes = [1], strides = [1]} : vector<16xi32> to vector<1xi32>
      %squeeze3A_350 = vector.extract %slice3A_349[0] : i32 from vector<1xi32>
      %dma_start3A_351 = arith.constant 9 : i32
      %dma_start3A_352 = arith.constant 0 : i32
      %dma_start3A_353 = tpu.memref_slice %arg13[%dma_start3A_351, %dma_start3A_352] : memref<16x32xf32, #tpu.memory_space<vmem>> -> memref<1x32xf32, #tpu.memory_space<vmem>>
      %dma_start3A_354 = arith.constant 0 : i32
      %dma_start3A_355 = tpu.memref_slice %arg6[%squeeze3A_350, %dma_start3A_354] : memref<1000000x32xf32, #tpu.memory_space<hbm>> -> memref<1x32xf32, #tpu.memory_space<hbm>>
      %dma_start3A_356 = arith.constant 9 : i32
      %dma_start3A_357 = arith.constant 0 : i32
      %dma_start3A_358 = tpu.memref_slice %arg13[%dma_start3A_356, %dma_start3A_357] : memref<16x32xf32, #tpu.memory_space<vmem>> -> memref<1x32xf32, #tpu.memory_space<vmem>>
      %dma_start3A_359 = arith.constant 0 : i32
      %dma_start3A_360 = tpu.memref_slice %arg6[%squeeze3A_350, %dma_start3A_359] : memref<1000000x32xf32, #tpu.memory_space<hbm>> -> memref<1x32xf32, #tpu.memory_space<hbm>>
      tpu.enqueue_dma source(%dma_start3A_360 : memref<1x32xf32, #tpu.memory_space<hbm>>) target(%dma_start3A_358 : memref<1x32xf32, #tpu.memory_space<vmem>>) target_semaphore(%arg17 : memref<!tpu.dma_semaphore, #tpu.memory_space<semaphore_mem>>)
      %slice3A_361 = vector.extract_strided_slice %get3A_15 {offsets = [9], sizes = [1], strides = [1]} : vector<16xi32> to vector<1xi32>
      %squeeze3A_362 = vector.extract %slice3A_361[0] : i32 from vector<1xi32>
      %dma_start3A_363 = arith.constant 9 : i32
      %dma_start3A_364 = arith.constant 0 : i32
      %dma_start3A_365 = tpu.memref_slice %arg14[%dma_start3A_363, %dma_start3A_364] : memref<16x32xf32, #tpu.memory_space<vmem>> -> memref<1x32xf32, #tpu.memory_space<vmem>>
      %dma_start3A_366 = arith.constant 0 : i32
      %dma_start3A_367 = tpu.memref_slice %arg6[%squeeze3A_362, %dma_start3A_366] : memref<1000000x32xf32, #tpu.memory_space<hbm>> -> memref<1x32xf32, #tpu.memory_space<hbm>>
      %dma_start3A_368 = arith.constant 9 : i32
      %dma_start3A_369 = arith.constant 0 : i32
      %dma_start3A_370 = tpu.memref_slice %arg14[%dma_start3A_368, %dma_start3A_369] : memref<16x32xf32, #tpu.memory_space<vmem>> -> memref<1x32xf32, #tpu.memory_space<vmem>>
      %dma_start3A_371 = arith.constant 0 : i32
      %dma_start3A_372 = tpu.memref_slice %arg6[%squeeze3A_362, %dma_start3A_371] : memref<1000000x32xf32, #tpu.memory_space<hbm>> -> memref<1x32xf32, #tpu.memory_space<hbm>>
      tpu.enqueue_dma source(%dma_start3A_372 : memref<1x32xf32, #tpu.memory_space<hbm>>) target(%dma_start3A_370 : memref<1x32xf32, #tpu.memory_space<vmem>>) target_semaphore(%arg17 : memref<!tpu.dma_semaphore, #tpu.memory_space<semaphore_mem>>)
      %slice3A_373 = vector.extract_strided_slice %get3A_11 {offsets = [10], sizes = [1], strides = [1]} : vector<16xi32> to vector<1xi32>
      %squeeze3A_374 = vector.extract %slice3A_373[0] : i32 from vector<1xi32>
      %dma_start3A_375 = arith.constant 10 : i32
      %dma_start3A_376 = arith.constant 0 : i32
      %dma_start3A_377 = tpu.memref_slice %arg12[%dma_start3A_375, %dma_start3A_376] : memref<16x32xf32, #tpu.memory_space<vmem>> -> memref<1x32xf32, #tpu.memory_space<vmem>>
      %dma_start3A_378 = arith.constant 0 : i32
      %dma_start3A_379 = tpu.memref_slice %arg5[%squeeze3A_374, %dma_start3A_378] : memref<1000000x32xf32, #tpu.memory_space<hbm>> -> memref<1x32xf32, #tpu.memory_space<hbm>>
      %dma_start3A_380 = arith.constant 10 : i32
      %dma_start3A_381 = arith.constant 0 : i32
      %dma_start3A_382 = tpu.memref_slice %arg12[%dma_start3A_380, %dma_start3A_381] : memref<16x32xf32, #tpu.memory_space<vmem>> -> memref<1x32xf32, #tpu.memory_space<vmem>>
      %dma_start3A_383 = arith.constant 0 : i32
      %dma_start3A_384 = tpu.memref_slice %arg5[%squeeze3A_374, %dma_start3A_383] : memref<1000000x32xf32, #tpu.memory_space<hbm>> -> memref<1x32xf32, #tpu.memory_space<hbm>>
      tpu.enqueue_dma source(%dma_start3A_384 : memref<1x32xf32, #tpu.memory_space<hbm>>) target(%dma_start3A_382 : memref<1x32xf32, #tpu.memory_space<vmem>>) target_semaphore(%arg17 : memref<!tpu.dma_semaphore, #tpu.memory_space<semaphore_mem>>)
      %slice3A_385 = vector.extract_strided_slice %get3A_13 {offsets = [10], sizes = [1], strides = [1]} : vector<16xi32> to vector<1xi32>
      %squeeze3A_386 = vector.extract %slice3A_385[0] : i32 from vector<1xi32>
      %dma_start3A_387 = arith.constant 10 : i32
      %dma_start3A_388 = arith.constant 0 : i32
      %dma_start3A_389 = tpu.memref_slice %arg13[%dma_start3A_387, %dma_start3A_388] : memref<16x32xf32, #tpu.memory_space<vmem>> -> memref<1x32xf32, #tpu.memory_space<vmem>>
      %dma_start3A_390 = arith.constant 0 : i32
      %dma_start3A_391 = tpu.memref_slice %arg6[%squeeze3A_386, %dma_start3A_390] : memref<1000000x32xf32, #tpu.memory_space<hbm>> -> memref<1x32xf32, #tpu.memory_space<hbm>>
      %dma_start3A_392 = arith.constant 10 : i32
      %dma_start3A_393 = arith.constant 0 : i32
      %dma_start3A_394 = tpu.memref_slice %arg13[%dma_start3A_392, %dma_start3A_393] : memref<16x32xf32, #tpu.memory_space<vmem>> -> memref<1x32xf32, #tpu.memory_space<vmem>>
      %dma_start3A_395 = arith.constant 0 : i32
      %dma_start3A_396 = tpu.memref_slice %arg6[%squeeze3A_386, %dma_start3A_395] : memref<1000000x32xf32, #tpu.memory_space<hbm>> -> memref<1x32xf32, #tpu.memory_space<hbm>>
      tpu.enqueue_dma source(%dma_start3A_396 : memref<1x32xf32, #tpu.memory_space<hbm>>) target(%dma_start3A_394 : memref<1x32xf32, #tpu.memory_space<vmem>>) target_semaphore(%arg17 : memref<!tpu.dma_semaphore, #tpu.memory_space<semaphore_mem>>)
      %slice3A_397 = vector.extract_strided_slice %get3A_15 {offsets = [10], sizes = [1], strides = [1]} : vector<16xi32> to vector<1xi32>
      %squeeze3A_398 = vector.extract %slice3A_397[0] : i32 from vector<1xi32>
      %dma_start3A_399 = arith.constant 10 : i32
      %dma_start3A_400 = arith.constant 0 : i32
      %dma_start3A_401 = tpu.memref_slice %arg14[%dma_start3A_399, %dma_start3A_400] : memref<16x32xf32, #tpu.memory_space<vmem>> -> memref<1x32xf32, #tpu.memory_space<vmem>>
      %dma_start3A_402 = arith.constant 0 : i32
      %dma_start3A_403 = tpu.memref_slice %arg6[%squeeze3A_398, %dma_start3A_402] : memref<1000000x32xf32, #tpu.memory_space<hbm>> -> memref<1x32xf32, #tpu.memory_space<hbm>>
      %dma_start3A_404 = arith.constant 10 : i32
      %dma_start3A_405 = arith.constant 0 : i32
      %dma_start3A_406 = tpu.memref_slice %arg14[%dma_start3A_404, %dma_start3A_405] : memref<16x32xf32, #tpu.memory_space<vmem>> -> memref<1x32xf32, #tpu.memory_space<vmem>>
      %dma_start3A_407 = arith.constant 0 : i32
      %dma_start3A_408 = tpu.memref_slice %arg6[%squeeze3A_398, %dma_start3A_407] : memref<1000000x32xf32, #tpu.memory_space<hbm>> -> memref<1x32xf32, #tpu.memory_space<hbm>>
      tpu.enqueue_dma source(%dma_start3A_408 : memref<1x32xf32, #tpu.memory_space<hbm>>) target(%dma_start3A_406 : memref<1x32xf32, #tpu.memory_space<vmem>>) target_semaphore(%arg17 : memref<!tpu.dma_semaphore, #tpu.memory_space<semaphore_mem>>)
      %slice3A_409 = vector.extract_strided_slice %get3A_11 {offsets = [11], sizes = [1], strides = [1]} : vector<16xi32> to vector<1xi32>
      %squeeze3A_410 = vector.extract %slice3A_409[0] : i32 from vector<1xi32>
      %dma_start3A_411 = arith.constant 11 : i32
      %dma_start3A_412 = arith.constant 0 : i32
      %dma_start3A_413 = tpu.memref_slice %arg12[%dma_start3A_411, %dma_start3A_412] : memref<16x32xf32, #tpu.memory_space<vmem>> -> memref<1x32xf32, #tpu.memory_space<vmem>>
      %dma_start3A_414 = arith.constant 0 : i32
      %dma_start3A_415 = tpu.memref_slice %arg5[%squeeze3A_410, %dma_start3A_414] : memref<1000000x32xf32, #tpu.memory_space<hbm>> -> memref<1x32xf32, #tpu.memory_space<hbm>>
      %dma_start3A_416 = arith.constant 11 : i32
      %dma_start3A_417 = arith.constant 0 : i32
      %dma_start3A_418 = tpu.memref_slice %arg12[%dma_start3A_416, %dma_start3A_417] : memref<16x32xf32, #tpu.memory_space<vmem>> -> memref<1x32xf32, #tpu.memory_space<vmem>>
      %dma_start3A_419 = arith.constant 0 : i32
      %dma_start3A_420 = tpu.memref_slice %arg5[%squeeze3A_410, %dma_start3A_419] : memref<1000000x32xf32, #tpu.memory_space<hbm>> -> memref<1x32xf32, #tpu.memory_space<hbm>>
      tpu.enqueue_dma source(%dma_start3A_420 : memref<1x32xf32, #tpu.memory_space<hbm>>) target(%dma_start3A_418 : memref<1x32xf32, #tpu.memory_space<vmem>>) target_semaphore(%arg17 : memref<!tpu.dma_semaphore, #tpu.memory_space<semaphore_mem>>)
      %slice3A_421 = vector.extract_strided_slice %get3A_13 {offsets = [11], sizes = [1], strides = [1]} : vector<16xi32> to vector<1xi32>
      %squeeze3A_422 = vector.extract %slice3A_421[0] : i32 from vector<1xi32>
      %dma_start3A_423 = arith.constant 11 : i32
      %dma_start3A_424 = arith.constant 0 : i32
      %dma_start3A_425 = tpu.memref_slice %arg13[%dma_start3A_423, %dma_start3A_424] : memref<16x32xf32, #tpu.memory_space<vmem>> -> memref<1x32xf32, #tpu.memory_space<vmem>>
      %dma_start3A_426 = arith.constant 0 : i32
      %dma_start3A_427 = tpu.memref_slice %arg6[%squeeze3A_422, %dma_start3A_426] : memref<1000000x32xf32, #tpu.memory_space<hbm>> -> memref<1x32xf32, #tpu.memory_space<hbm>>
      %dma_start3A_428 = arith.constant 11 : i32
      %dma_start3A_429 = arith.constant 0 : i32
      %dma_start3A_430 = tpu.memref_slice %arg13[%dma_start3A_428, %dma_start3A_429] : memref<16x32xf32, #tpu.memory_space<vmem>> -> memref<1x32xf32, #tpu.memory_space<vmem>>
      %dma_start3A_431 = arith.constant 0 : i32
      %dma_start3A_432 = tpu.memref_slice %arg6[%squeeze3A_422, %dma_start3A_431] : memref<1000000x32xf32, #tpu.memory_space<hbm>> -> memref<1x32xf32, #tpu.memory_space<hbm>>
      tpu.enqueue_dma source(%dma_start3A_432 : memref<1x32xf32, #tpu.memory_space<hbm>>) target(%dma_start3A_430 : memref<1x32xf32, #tpu.memory_space<vmem>>) target_semaphore(%arg17 : memref<!tpu.dma_semaphore, #tpu.memory_space<semaphore_mem>>)
      %slice3A_433 = vector.extract_strided_slice %get3A_15 {offsets = [11], sizes = [1], strides = [1]} : vector<16xi32> to vector<1xi32>
      %squeeze3A_434 = vector.extract %slice3A_433[0] : i32 from vector<1xi32>
      %dma_start3A_435 = arith.constant 11 : i32
      %dma_start3A_436 = arith.constant 0 : i32
      %dma_start3A_437 = tpu.memref_slice %arg14[%dma_start3A_435, %dma_start3A_436] : memref<16x32xf32, #tpu.memory_space<vmem>> -> memref<1x32xf32, #tpu.memory_space<vmem>>
      %dma_start3A_438 = arith.constant 0 : i32
      %dma_start3A_439 = tpu.memref_slice %arg6[%squeeze3A_434, %dma_start3A_438] : memref<1000000x32xf32, #tpu.memory_space<hbm>> -> memref<1x32xf32, #tpu.memory_space<hbm>>
      %dma_start3A_440 = arith.constant 11 : i32
      %dma_start3A_441 = arith.constant 0 : i32
      %dma_start3A_442 = tpu.memref_slice %arg14[%dma_start3A_440, %dma_start3A_441] : memref<16x32xf32, #tpu.memory_space<vmem>> -> memref<1x32xf32, #tpu.memory_space<vmem>>
      %dma_start3A_443 = arith.constant 0 : i32
      %dma_start3A_444 = tpu.memref_slice %arg6[%squeeze3A_434, %dma_start3A_443] : memref<1000000x32xf32, #tpu.memory_space<hbm>> -> memref<1x32xf32, #tpu.memory_space<hbm>>
      tpu.enqueue_dma source(%dma_start3A_444 : memref<1x32xf32, #tpu.memory_space<hbm>>) target(%dma_start3A_442 : memref<1x32xf32, #tpu.memory_space<vmem>>) target_semaphore(%arg17 : memref<!tpu.dma_semaphore, #tpu.memory_space<semaphore_mem>>)
      %slice3A_445 = vector.extract_strided_slice %get3A_11 {offsets = [12], sizes = [1], strides = [1]} : vector<16xi32> to vector<1xi32>
      %squeeze3A_446 = vector.extract %slice3A_445[0] : i32 from vector<1xi32>
      %dma_start3A_447 = arith.constant 12 : i32
      %dma_start3A_448 = arith.constant 0 : i32
      %dma_start3A_449 = tpu.memref_slice %arg12[%dma_start3A_447, %dma_start3A_448] : memref<16x32xf32, #tpu.memory_space<vmem>> -> memref<1x32xf32, #tpu.memory_space<vmem>>
      %dma_start3A_450 = arith.constant 0 : i32
      %dma_start3A_451 = tpu.memref_slice %arg5[%squeeze3A_446, %dma_start3A_450] : memref<1000000x32xf32, #tpu.memory_space<hbm>> -> memref<1x32xf32, #tpu.memory_space<hbm>>
      %dma_start3A_452 = arith.constant 12 : i32
      %dma_start3A_453 = arith.constant 0 : i32
      %dma_start3A_454 = tpu.memref_slice %arg12[%dma_start3A_452, %dma_start3A_453] : memref<16x32xf32, #tpu.memory_space<vmem>> -> memref<1x32xf32, #tpu.memory_space<vmem>>
      %dma_start3A_455 = arith.constant 0 : i32
      %dma_start3A_456 = tpu.memref_slice %arg5[%squeeze3A_446, %dma_start3A_455] : memref<1000000x32xf32, #tpu.memory_space<hbm>> -> memref<1x32xf32, #tpu.memory_space<hbm>>
      tpu.enqueue_dma source(%dma_start3A_456 : memref<1x32xf32, #tpu.memory_space<hbm>>) target(%dma_start3A_454 : memref<1x32xf32, #tpu.memory_space<vmem>>) target_semaphore(%arg17 : memref<!tpu.dma_semaphore, #tpu.memory_space<semaphore_mem>>)
      %slice3A_457 = vector.extract_strided_slice %get3A_13 {offsets = [12], sizes = [1], strides = [1]} : vector<16xi32> to vector<1xi32>
      %squeeze3A_458 = vector.extract %slice3A_457[0] : i32 from vector<1xi32>
      %dma_start3A_459 = arith.constant 12 : i32
      %dma_start3A_460 = arith.constant 0 : i32
      %dma_start3A_461 = tpu.memref_slice %arg13[%dma_start3A_459, %dma_start3A_460] : memref<16x32xf32, #tpu.memory_space<vmem>> -> memref<1x32xf32, #tpu.memory_space<vmem>>
      %dma_start3A_462 = arith.constant 0 : i32
      %dma_start3A_463 = tpu.memref_slice %arg6[%squeeze3A_458, %dma_start3A_462] : memref<1000000x32xf32, #tpu.memory_space<hbm>> -> memref<1x32xf32, #tpu.memory_space<hbm>>
      %dma_start3A_464 = arith.constant 12 : i32
      %dma_start3A_465 = arith.constant 0 : i32
      %dma_start3A_466 = tpu.memref_slice %arg13[%dma_start3A_464, %dma_start3A_465] : memref<16x32xf32, #tpu.memory_space<vmem>> -> memref<1x32xf32, #tpu.memory_space<vmem>>
      %dma_start3A_467 = arith.constant 0 : i32
      %dma_start3A_468 = tpu.memref_slice %arg6[%squeeze3A_458, %dma_start3A_467] : memref<1000000x32xf32, #tpu.memory_space<hbm>> -> memref<1x32xf32, #tpu.memory_space<hbm>>
      tpu.enqueue_dma source(%dma_start3A_468 : memref<1x32xf32, #tpu.memory_space<hbm>>) target(%dma_start3A_466 : memref<1x32xf32, #tpu.memory_space<vmem>>) target_semaphore(%arg17 : memref<!tpu.dma_semaphore, #tpu.memory_space<semaphore_mem>>)
      %slice3A_469 = vector.extract_strided_slice %get3A_15 {offsets = [12], sizes = [1], strides = [1]} : vector<16xi32> to vector<1xi32>
      %squeeze3A_470 = vector.extract %slice3A_469[0] : i32 from vector<1xi32>
      %dma_start3A_471 = arith.constant 12 : i32
      %dma_start3A_472 = arith.constant 0 : i32
      %dma_start3A_473 = tpu.memref_slice %arg14[%dma_start3A_471, %dma_start3A_472] : memref<16x32xf32, #tpu.memory_space<vmem>> -> memref<1x32xf32, #tpu.memory_space<vmem>>
      %dma_start3A_474 = arith.constant 0 : i32
      %dma_start3A_475 = tpu.memref_slice %arg6[%squeeze3A_470, %dma_start3A_474] : memref<1000000x32xf32, #tpu.memory_space<hbm>> -> memref<1x32xf32, #tpu.memory_space<hbm>>
      %dma_start3A_476 = arith.constant 12 : i32
      %dma_start3A_477 = arith.constant 0 : i32
      %dma_start3A_478 = tpu.memref_slice %arg14[%dma_start3A_476, %dma_start3A_477] : memref<16x32xf32, #tpu.memory_space<vmem>> -> memref<1x32xf32, #tpu.memory_space<vmem>>
      %dma_start3A_479 = arith.constant 0 : i32
      %dma_start3A_480 = tpu.memref_slice %arg6[%squeeze3A_470, %dma_start3A_479] : memref<1000000x32xf32, #tpu.memory_space<hbm>> -> memref<1x32xf32, #tpu.memory_space<hbm>>
      tpu.enqueue_dma source(%dma_start3A_480 : memref<1x32xf32, #tpu.memory_space<hbm>>) target(%dma_start3A_478 : memref<1x32xf32, #tpu.memory_space<vmem>>) target_semaphore(%arg17 : memref<!tpu.dma_semaphore, #tpu.memory_space<semaphore_mem>>)
      %slice3A_481 = vector.extract_strided_slice %get3A_11 {offsets = [13], sizes = [1], strides = [1]} : vector<16xi32> to vector<1xi32>
      %squeeze3A_482 = vector.extract %slice3A_481[0] : i32 from vector<1xi32>
      %dma_start3A_483 = arith.constant 13 : i32
      %dma_start3A_484 = arith.constant 0 : i32
      %dma_start3A_485 = tpu.memref_slice %arg12[%dma_start3A_483, %dma_start3A_484] : memref<16x32xf32, #tpu.memory_space<vmem>> -> memref<1x32xf32, #tpu.memory_space<vmem>>
      %dma_start3A_486 = arith.constant 0 : i32
      %dma_start3A_487 = tpu.memref_slice %arg5[%squeeze3A_482, %dma_start3A_486] : memref<1000000x32xf32, #tpu.memory_space<hbm>> -> memref<1x32xf32, #tpu.memory_space<hbm>>
      %dma_start3A_488 = arith.constant 13 : i32
      %dma_start3A_489 = arith.constant 0 : i32
      %dma_start3A_490 = tpu.memref_slice %arg12[%dma_start3A_488, %dma_start3A_489] : memref<16x32xf32, #tpu.memory_space<vmem>> -> memref<1x32xf32, #tpu.memory_space<vmem>>
      %dma_start3A_491 = arith.constant 0 : i32
      %dma_start3A_492 = tpu.memref_slice %arg5[%squeeze3A_482, %dma_start3A_491] : memref<1000000x32xf32, #tpu.memory_space<hbm>> -> memref<1x32xf32, #tpu.memory_space<hbm>>
      tpu.enqueue_dma source(%dma_start3A_492 : memref<1x32xf32, #tpu.memory_space<hbm>>) target(%dma_start3A_490 : memref<1x32xf32, #tpu.memory_space<vmem>>) target_semaphore(%arg17 : memref<!tpu.dma_semaphore, #tpu.memory_space<semaphore_mem>>)
      %slice3A_493 = vector.extract_strided_slice %get3A_13 {offsets = [13], sizes = [1], strides = [1]} : vector<16xi32> to vector<1xi32>
      %squeeze3A_494 = vector.extract %slice3A_493[0] : i32 from vector<1xi32>
      %dma_start3A_495 = arith.constant 13 : i32
      %dma_start3A_496 = arith.constant 0 : i32
      %dma_start3A_497 = tpu.memref_slice %arg13[%dma_start3A_495, %dma_start3A_496] : memref<16x32xf32, #tpu.memory_space<vmem>> -> memref<1x32xf32, #tpu.memory_space<vmem>>
      %dma_start3A_498 = arith.constant 0 : i32
      %dma_start3A_499 = tpu.memref_slice %arg6[%squeeze3A_494, %dma_start3A_498] : memref<1000000x32xf32, #tpu.memory_space<hbm>> -> memref<1x32xf32, #tpu.memory_space<hbm>>
      %dma_start3A_500 = arith.constant 13 : i32
      %dma_start3A_501 = arith.constant 0 : i32
      %dma_start3A_502 = tpu.memref_slice %arg13[%dma_start3A_500, %dma_start3A_501] : memref<16x32xf32, #tpu.memory_space<vmem>> -> memref<1x32xf32, #tpu.memory_space<vmem>>
      %dma_start3A_503 = arith.constant 0 : i32
      %dma_start3A_504 = tpu.memref_slice %arg6[%squeeze3A_494, %dma_start3A_503] : memref<1000000x32xf32, #tpu.memory_space<hbm>> -> memref<1x32xf32, #tpu.memory_space<hbm>>
      tpu.enqueue_dma source(%dma_start3A_504 : memref<1x32xf32, #tpu.memory_space<hbm>>) target(%dma_start3A_502 : memref<1x32xf32, #tpu.memory_space<vmem>>) target_semaphore(%arg17 : memref<!tpu.dma_semaphore, #tpu.memory_space<semaphore_mem>>)
      %slice3A_505 = vector.extract_strided_slice %get3A_15 {offsets = [13], sizes = [1], strides = [1]} : vector<16xi32> to vector<1xi32>
      %squeeze3A_506 = vector.extract %slice3A_505[0] : i32 from vector<1xi32>
      %dma_start3A_507 = arith.constant 13 : i32
      %dma_start3A_508 = arith.constant 0 : i32
      %dma_start3A_509 = tpu.memref_slice %arg14[%dma_start3A_507, %dma_start3A_508] : memref<16x32xf32, #tpu.memory_space<vmem>> -> memref<1x32xf32, #tpu.memory_space<vmem>>
      %dma_start3A_510 = arith.constant 0 : i32
      %dma_start3A_511 = tpu.memref_slice %arg6[%squeeze3A_506, %dma_start3A_510] : memref<1000000x32xf32, #tpu.memory_space<hbm>> -> memref<1x32xf32, #tpu.memory_space<hbm>>
      %dma_start3A_512 = arith.constant 13 : i32
      %dma_start3A_513 = arith.constant 0 : i32
      %dma_start3A_514 = tpu.memref_slice %arg14[%dma_start3A_512, %dma_start3A_513] : memref<16x32xf32, #tpu.memory_space<vmem>> -> memref<1x32xf32, #tpu.memory_space<vmem>>
      %dma_start3A_515 = arith.constant 0 : i32
      %dma_start3A_516 = tpu.memref_slice %arg6[%squeeze3A_506, %dma_start3A_515] : memref<1000000x32xf32, #tpu.memory_space<hbm>> -> memref<1x32xf32, #tpu.memory_space<hbm>>
      tpu.enqueue_dma source(%dma_start3A_516 : memref<1x32xf32, #tpu.memory_space<hbm>>) target(%dma_start3A_514 : memref<1x32xf32, #tpu.memory_space<vmem>>) target_semaphore(%arg17 : memref<!tpu.dma_semaphore, #tpu.memory_space<semaphore_mem>>)
      %slice3A_517 = vector.extract_strided_slice %get3A_11 {offsets = [14], sizes = [1], strides = [1]} : vector<16xi32> to vector<1xi32>
      %squeeze3A_518 = vector.extract %slice3A_517[0] : i32 from vector<1xi32>
      %dma_start3A_519 = arith.constant 14 : i32
      %dma_start3A_520 = arith.constant 0 : i32
      %dma_start3A_521 = tpu.memref_slice %arg12[%dma_start3A_519, %dma_start3A_520] : memref<16x32xf32, #tpu.memory_space<vmem>> -> memref<1x32xf32, #tpu.memory_space<vmem>>
      %dma_start3A_522 = arith.constant 0 : i32
      %dma_start3A_523 = tpu.memref_slice %arg5[%squeeze3A_518, %dma_start3A_522] : memref<1000000x32xf32, #tpu.memory_space<hbm>> -> memref<1x32xf32, #tpu.memory_space<hbm>>
      %dma_start3A_524 = arith.constant 14 : i32
      %dma_start3A_525 = arith.constant 0 : i32
      %dma_start3A_526 = tpu.memref_slice %arg12[%dma_start3A_524, %dma_start3A_525] : memref<16x32xf32, #tpu.memory_space<vmem>> -> memref<1x32xf32, #tpu.memory_space<vmem>>
      %dma_start3A_527 = arith.constant 0 : i32
      %dma_start3A_528 = tpu.memref_slice %arg5[%squeeze3A_518, %dma_start3A_527] : memref<1000000x32xf32, #tpu.memory_space<hbm>> -> memref<1x32xf32, #tpu.memory_space<hbm>>
      tpu.enqueue_dma source(%dma_start3A_528 : memref<1x32xf32, #tpu.memory_space<hbm>>) target(%dma_start3A_526 : memref<1x32xf32, #tpu.memory_space<vmem>>) target_semaphore(%arg17 : memref<!tpu.dma_semaphore, #tpu.memory_space<semaphore_mem>>)
      %slice3A_529 = vector.extract_strided_slice %get3A_13 {offsets = [14], sizes = [1], strides = [1]} : vector<16xi32> to vector<1xi32>
      %squeeze3A_530 = vector.extract %slice3A_529[0] : i32 from vector<1xi32>
      %dma_start3A_531 = arith.constant 14 : i32
      %dma_start3A_532 = arith.constant 0 : i32
      %dma_start3A_533 = tpu.memref_slice %arg13[%dma_start3A_531, %dma_start3A_532] : memref<16x32xf32, #tpu.memory_space<vmem>> -> memref<1x32xf32, #tpu.memory_space<vmem>>
      %dma_start3A_534 = arith.constant 0 : i32
      %dma_start3A_535 = tpu.memref_slice %arg6[%squeeze3A_530, %dma_start3A_534] : memref<1000000x32xf32, #tpu.memory_space<hbm>> -> memref<1x32xf32, #tpu.memory_space<hbm>>
      %dma_start3A_536 = arith.constant 14 : i32
      %dma_start3A_537 = arith.constant 0 : i32
      %dma_start3A_538 = tpu.memref_slice %arg13[%dma_start3A_536, %dma_start3A_537] : memref<16x32xf32, #tpu.memory_space<vmem>> -> memref<1x32xf32, #tpu.memory_space<vmem>>
      %dma_start3A_539 = arith.constant 0 : i32
      %dma_start3A_540 = tpu.memref_slice %arg6[%squeeze3A_530, %dma_start3A_539] : memref<1000000x32xf32, #tpu.memory_space<hbm>> -> memref<1x32xf32, #tpu.memory_space<hbm>>
      tpu.enqueue_dma source(%dma_start3A_540 : memref<1x32xf32, #tpu.memory_space<hbm>>) target(%dma_start3A_538 : memref<1x32xf32, #tpu.memory_space<vmem>>) target_semaphore(%arg17 : memref<!tpu.dma_semaphore, #tpu.memory_space<semaphore_mem>>)
      %slice3A_541 = vector.extract_strided_slice %get3A_15 {offsets = [14], sizes = [1], strides = [1]} : vector<16xi32> to vector<1xi32>
      %squeeze3A_542 = vector.extract %slice3A_541[0] : i32 from vector<1xi32>
      %dma_start3A_543 = arith.constant 14 : i32
      %dma_start3A_544 = arith.constant 0 : i32
      %dma_start3A_545 = tpu.memref_slice %arg14[%dma_start3A_543, %dma_start3A_544] : memref<16x32xf32, #tpu.memory_space<vmem>> -> memref<1x32xf32, #tpu.memory_space<vmem>>
      %dma_start3A_546 = arith.constant 0 : i32
      %dma_start3A_547 = tpu.memref_slice %arg6[%squeeze3A_542, %dma_start3A_546] : memref<1000000x32xf32, #tpu.memory_space<hbm>> -> memref<1x32xf32, #tpu.memory_space<hbm>>
      %dma_start3A_548 = arith.constant 14 : i32
      %dma_start3A_549 = arith.constant 0 : i32
      %dma_start3A_550 = tpu.memref_slice %arg14[%dma_start3A_548, %dma_start3A_549] : memref<16x32xf32, #tpu.memory_space<vmem>> -> memref<1x32xf32, #tpu.memory_space<vmem>>
      %dma_start3A_551 = arith.constant 0 : i32
      %dma_start3A_552 = tpu.memref_slice %arg6[%squeeze3A_542, %dma_start3A_551] : memref<1000000x32xf32, #tpu.memory_space<hbm>> -> memref<1x32xf32, #tpu.memory_space<hbm>>
      tpu.enqueue_dma source(%dma_start3A_552 : memref<1x32xf32, #tpu.memory_space<hbm>>) target(%dma_start3A_550 : memref<1x32xf32, #tpu.memory_space<vmem>>) target_semaphore(%arg17 : memref<!tpu.dma_semaphore, #tpu.memory_space<semaphore_mem>>)
      %slice3A_553 = vector.extract_strided_slice %get3A_11 {offsets = [15], sizes = [1], strides = [1]} : vector<16xi32> to vector<1xi32>
      %squeeze3A_554 = vector.extract %slice3A_553[0] : i32 from vector<1xi32>
      %dma_start3A_555 = arith.constant 15 : i32
      %dma_start3A_556 = arith.constant 0 : i32
      %dma_start3A_557 = tpu.memref_slice %arg12[%dma_start3A_555, %dma_start3A_556] : memref<16x32xf32, #tpu.memory_space<vmem>> -> memref<1x32xf32, #tpu.memory_space<vmem>>
      %dma_start3A_558 = arith.constant 0 : i32
      %dma_start3A_559 = tpu.memref_slice %arg5[%squeeze3A_554, %dma_start3A_558] : memref<1000000x32xf32, #tpu.memory_space<hbm>> -> memref<1x32xf32, #tpu.memory_space<hbm>>
      %dma_start3A_560 = arith.constant 15 : i32
      %dma_start3A_561 = arith.constant 0 : i32
      %dma_start3A_562 = tpu.memref_slice %arg12[%dma_start3A_560, %dma_start3A_561] : memref<16x32xf32, #tpu.memory_space<vmem>> -> memref<1x32xf32, #tpu.memory_space<vmem>>
      %dma_start3A_563 = arith.constant 0 : i32
      %dma_start3A_564 = tpu.memref_slice %arg5[%squeeze3A_554, %dma_start3A_563] : memref<1000000x32xf32, #tpu.memory_space<hbm>> -> memref<1x32xf32, #tpu.memory_space<hbm>>
      tpu.enqueue_dma source(%dma_start3A_564 : memref<1x32xf32, #tpu.memory_space<hbm>>) target(%dma_start3A_562 : memref<1x32xf32, #tpu.memory_space<vmem>>) target_semaphore(%arg17 : memref<!tpu.dma_semaphore, #tpu.memory_space<semaphore_mem>>)
      %slice3A_565 = vector.extract_strided_slice %get3A_13 {offsets = [15], sizes = [1], strides = [1]} : vector<16xi32> to vector<1xi32>
      %squeeze3A_566 = vector.extract %slice3A_565[0] : i32 from vector<1xi32>
      %dma_start3A_567 = arith.constant 15 : i32
      %dma_start3A_568 = arith.constant 0 : i32
      %dma_start3A_569 = tpu.memref_slice %arg13[%dma_start3A_567, %dma_start3A_568] : memref<16x32xf32, #tpu.memory_space<vmem>> -> memref<1x32xf32, #tpu.memory_space<vmem>>
      %dma_start3A_570 = arith.constant 0 : i32
      %dma_start3A_571 = tpu.memref_slice %arg6[%squeeze3A_566, %dma_start3A_570] : memref<1000000x32xf32, #tpu.memory_space<hbm>> -> memref<1x32xf32, #tpu.memory_space<hbm>>
      %dma_start3A_572 = arith.constant 15 : i32
      %dma_start3A_573 = arith.constant 0 : i32
      %dma_start3A_574 = tpu.memref_slice %arg13[%dma_start3A_572, %dma_start3A_573] : memref<16x32xf32, #tpu.memory_space<vmem>> -> memref<1x32xf32, #tpu.memory_space<vmem>>
      %dma_start3A_575 = arith.constant 0 : i32
      %dma_start3A_576 = tpu.memref_slice %arg6[%squeeze3A_566, %dma_start3A_575] : memref<1000000x32xf32, #tpu.memory_space<hbm>> -> memref<1x32xf32, #tpu.memory_space<hbm>>
      tpu.enqueue_dma source(%dma_start3A_576 : memref<1x32xf32, #tpu.memory_space<hbm>>) target(%dma_start3A_574 : memref<1x32xf32, #tpu.memory_space<vmem>>) target_semaphore(%arg17 : memref<!tpu.dma_semaphore, #tpu.memory_space<semaphore_mem>>)
      %slice3A_577 = vector.extract_strided_slice %get3A_15 {offsets = [15], sizes = [1], strides = [1]} : vector<16xi32> to vector<1xi32>
      %squeeze3A_578 = vector.extract %slice3A_577[0] : i32 from vector<1xi32>
      %dma_start3A_579 = arith.constant 15 : i32
      %dma_start3A_580 = arith.constant 0 : i32
      %dma_start3A_581 = tpu.memref_slice %arg14[%dma_start3A_579, %dma_start3A_580] : memref<16x32xf32, #tpu.memory_space<vmem>> -> memref<1x32xf32, #tpu.memory_space<vmem>>
      %dma_start3A_582 = arith.constant 0 : i32
      %dma_start3A_583 = tpu.memref_slice %arg6[%squeeze3A_578, %dma_start3A_582] : memref<1000000x32xf32, #tpu.memory_space<hbm>> -> memref<1x32xf32, #tpu.memory_space<hbm>>
      %dma_start3A_584 = arith.constant 15 : i32
      %dma_start3A_585 = arith.constant 0 : i32
      %dma_start3A_586 = tpu.memref_slice %arg14[%dma_start3A_584, %dma_start3A_585] : memref<16x32xf32, #tpu.memory_space<vmem>> -> memref<1x32xf32, #tpu.memory_space<vmem>>
      %dma_start3A_587 = arith.constant 0 : i32
      %dma_start3A_588 = tpu.memref_slice %arg6[%squeeze3A_578, %dma_start3A_587] : memref<1000000x32xf32, #tpu.memory_space<hbm>> -> memref<1x32xf32, #tpu.memory_space<hbm>>
      tpu.enqueue_dma source(%dma_start3A_588 : memref<1x32xf32, #tpu.memory_space<hbm>>) target(%dma_start3A_586 : memref<1x32xf32, #tpu.memory_space<vmem>>) target_semaphore(%arg17 : memref<!tpu.dma_semaphore, #tpu.memory_space<semaphore_mem>>)
      %dma_wait3A = arith.constant 0 : i32
      %dma_wait3A_589 = arith.constant 0 : i32
      %dma_wait3A_590 = tpu.memref_slice %arg12[%dma_wait3A, %dma_wait3A_589] : memref<16x32xf32, #tpu.memory_space<vmem>> -> memref<1x32xf32, #tpu.memory_space<vmem>>
      %dma_wait3A_591 = arith.constant 0 : i32
      %dma_wait3A_592 = tpu.memref_slice %arg5[%squeeze3A, %dma_wait3A_591] : memref<1000000x32xf32, #tpu.memory_space<hbm>> -> memref<1x32xf32, #tpu.memory_space<hbm>>
      %dma_wait3A_593 = arith.constant 0 : i32
      %dma_wait3A_594 = arith.constant 0 : i32
      %dma_wait3A_595 = tpu.memref_slice %arg12[%dma_wait3A_593, %dma_wait3A_594] : memref<16x32xf32, #tpu.memory_space<vmem>> -> memref<1x32xf32, #tpu.memory_space<vmem>>
      %dma_wait3A_596 = arith.constant 0 : i32
      %dma_wait3A_597 = tpu.memref_slice %arg5[%squeeze3A, %dma_wait3A_596] : memref<1000000x32xf32, #tpu.memory_space<hbm>> -> memref<1x32xf32, #tpu.memory_space<hbm>>
      tpu.wait_dma2 semaphore(%arg17 : memref<!tpu.dma_semaphore, #tpu.memory_space<semaphore_mem>>) src(%dma_wait3A_597 : memref<1x32xf32, #tpu.memory_space<hbm>>) dst(%dma_wait3A_595 : memref<1x32xf32, #tpu.memory_space<vmem>>)
      %dma_wait3A_598 = arith.constant 0 : i32
      %dma_wait3A_599 = arith.constant 0 : i32
      %dma_wait3A_600 = tpu.memref_slice %arg13[%dma_wait3A_598, %dma_wait3A_599] : memref<16x32xf32, #tpu.memory_space<vmem>> -> memref<1x32xf32, #tpu.memory_space<vmem>>
      %dma_wait3A_601 = arith.constant 0 : i32
      %dma_wait3A_602 = tpu.memref_slice %arg6[%squeeze3A_26, %dma_wait3A_601] : memref<1000000x32xf32, #tpu.memory_space<hbm>> -> memref<1x32xf32, #tpu.memory_space<hbm>>
      %dma_wait3A_603 = arith.constant 0 : i32
      %dma_wait3A_604 = arith.constant 0 : i32
      %dma_wait3A_605 = tpu.memref_slice %arg13[%dma_wait3A_603, %dma_wait3A_604] : memref<16x32xf32, #tpu.memory_space<vmem>> -> memref<1x32xf32, #tpu.memory_space<vmem>>
      %dma_wait3A_606 = arith.constant 0 : i32
      %dma_wait3A_607 = tpu.memref_slice %arg6[%squeeze3A_26, %dma_wait3A_606] : memref<1000000x32xf32, #tpu.memory_space<hbm>> -> memref<1x32xf32, #tpu.memory_space<hbm>>
      tpu.wait_dma2 semaphore(%arg17 : memref<!tpu.dma_semaphore, #tpu.memory_space<semaphore_mem>>) src(%dma_wait3A_607 : memref<1x32xf32, #tpu.memory_space<hbm>>) dst(%dma_wait3A_605 : memref<1x32xf32, #tpu.memory_space<vmem>>)
      %dma_wait3A_608 = arith.constant 0 : i32
      %dma_wait3A_609 = arith.constant 0 : i32
      %dma_wait3A_610 = tpu.memref_slice %arg14[%dma_wait3A_608, %dma_wait3A_609] : memref<16x32xf32, #tpu.memory_space<vmem>> -> memref<1x32xf32, #tpu.memory_space<vmem>>
      %dma_wait3A_611 = arith.constant 0 : i32
      %dma_wait3A_612 = tpu.memref_slice %arg6[%squeeze3A_38, %dma_wait3A_611] : memref<1000000x32xf32, #tpu.memory_space<hbm>> -> memref<1x32xf32, #tpu.memory_space<hbm>>
      %dma_wait3A_613 = arith.constant 0 : i32
      %dma_wait3A_614 = arith.constant 0 : i32
      %dma_wait3A_615 = tpu.memref_slice %arg14[%dma_wait3A_613, %dma_wait3A_614] : memref<16x32xf32, #tpu.memory_space<vmem>> -> memref<1x32xf32, #tpu.memory_space<vmem>>
      %dma_wait3A_616 = arith.constant 0 : i32
      %dma_wait3A_617 = tpu.memref_slice %arg6[%squeeze3A_38, %dma_wait3A_616] : memref<1000000x32xf32, #tpu.memory_space<hbm>> -> memref<1x32xf32, #tpu.memory_space<hbm>>
      tpu.wait_dma2 semaphore(%arg17 : memref<!tpu.dma_semaphore, #tpu.memory_space<semaphore_mem>>) src(%dma_wait3A_617 : memref<1x32xf32, #tpu.memory_space<hbm>>) dst(%dma_wait3A_615 : memref<1x32xf32, #tpu.memory_space<vmem>>)
      %dma_wait3A_618 = arith.constant 1 : i32
      %dma_wait3A_619 = arith.constant 0 : i32
      %dma_wait3A_620 = tpu.memref_slice %arg12[%dma_wait3A_618, %dma_wait3A_619] : memref<16x32xf32, #tpu.memory_space<vmem>> -> memref<1x32xf32, #tpu.memory_space<vmem>>
      %dma_wait3A_621 = arith.constant 0 : i32
      %dma_wait3A_622 = tpu.memref_slice %arg5[%squeeze3A_50, %dma_wait3A_621] : memref<1000000x32xf32, #tpu.memory_space<hbm>> -> memref<1x32xf32, #tpu.memory_space<hbm>>
      %dma_wait3A_623 = arith.constant 1 : i32
      %dma_wait3A_624 = arith.constant 0 : i32
      %dma_wait3A_625 = tpu.memref_slice %arg12[%dma_wait3A_623, %dma_wait3A_624] : memref<16x32xf32, #tpu.memory_space<vmem>> -> memref<1x32xf32, #tpu.memory_space<vmem>>
      %dma_wait3A_626 = arith.constant 0 : i32
      %dma_wait3A_627 = tpu.memref_slice %arg5[%squeeze3A_50, %dma_wait3A_626] : memref<1000000x32xf32, #tpu.memory_space<hbm>> -> memref<1x32xf32, #tpu.memory_space<hbm>>
      tpu.wait_dma2 semaphore(%arg17 : memref<!tpu.dma_semaphore, #tpu.memory_space<semaphore_mem>>) src(%dma_wait3A_627 : memref<1x32xf32, #tpu.memory_space<hbm>>) dst(%dma_wait3A_625 : memref<1x32xf32, #tpu.memory_space<vmem>>)
      %dma_wait3A_628 = arith.constant 1 : i32
      %dma_wait3A_629 = arith.constant 0 : i32
      %dma_wait3A_630 = tpu.memref_slice %arg13[%dma_wait3A_628, %dma_wait3A_629] : memref<16x32xf32, #tpu.memory_space<vmem>> -> memref<1x32xf32, #tpu.memory_space<vmem>>
      %dma_wait3A_631 = arith.constant 0 : i32
      %dma_wait3A_632 = tpu.memref_slice %arg6[%squeeze3A_62, %dma_wait3A_631] : memref<1000000x32xf32, #tpu.memory_space<hbm>> -> memref<1x32xf32, #tpu.memory_space<hbm>>
      %dma_wait3A_633 = arith.constant 1 : i32
      %dma_wait3A_634 = arith.constant 0 : i32
      %dma_wait3A_635 = tpu.memref_slice %arg13[%dma_wait3A_633, %dma_wait3A_634] : memref<16x32xf32, #tpu.memory_space<vmem>> -> memref<1x32xf32, #tpu.memory_space<vmem>>
      %dma_wait3A_636 = arith.constant 0 : i32
      %dma_wait3A_637 = tpu.memref_slice %arg6[%squeeze3A_62, %dma_wait3A_636] : memref<1000000x32xf32, #tpu.memory_space<hbm>> -> memref<1x32xf32, #tpu.memory_space<hbm>>
      tpu.wait_dma2 semaphore(%arg17 : memref<!tpu.dma_semaphore, #tpu.memory_space<semaphore_mem>>) src(%dma_wait3A_637 : memref<1x32xf32, #tpu.memory_space<hbm>>) dst(%dma_wait3A_635 : memref<1x32xf32, #tpu.memory_space<vmem>>)
      %dma_wait3A_638 = arith.constant 1 : i32
      %dma_wait3A_639 = arith.constant 0 : i32
      %dma_wait3A_640 = tpu.memref_slice %arg14[%dma_wait3A_638, %dma_wait3A_639] : memref<16x32xf32, #tpu.memory_space<vmem>> -> memref<1x32xf32, #tpu.memory_space<vmem>>
      %dma_wait3A_641 = arith.constant 0 : i32
      %dma_wait3A_642 = tpu.memref_slice %arg6[%squeeze3A_74, %dma_wait3A_641] : memref<1000000x32xf32, #tpu.memory_space<hbm>> -> memref<1x32xf32, #tpu.memory_space<hbm>>
      %dma_wait3A_643 = arith.constant 1 : i32
      %dma_wait3A_644 = arith.constant 0 : i32
      %dma_wait3A_645 = tpu.memref_slice %arg14[%dma_wait3A_643, %dma_wait3A_644] : memref<16x32xf32, #tpu.memory_space<vmem>> -> memref<1x32xf32, #tpu.memory_space<vmem>>
      %dma_wait3A_646 = arith.constant 0 : i32
      %dma_wait3A_647 = tpu.memref_slice %arg6[%squeeze3A_74, %dma_wait3A_646] : memref<1000000x32xf32, #tpu.memory_space<hbm>> -> memref<1x32xf32, #tpu.memory_space<hbm>>
      tpu.wait_dma2 semaphore(%arg17 : memref<!tpu.dma_semaphore, #tpu.memory_space<semaphore_mem>>) src(%dma_wait3A_647 : memref<1x32xf32, #tpu.memory_space<hbm>>) dst(%dma_wait3A_645 : memref<1x32xf32, #tpu.memory_space<vmem>>)
      %dma_wait3A_648 = arith.constant 2 : i32
      %dma_wait3A_649 = arith.constant 0 : i32
      %dma_wait3A_650 = tpu.memref_slice %arg12[%dma_wait3A_648, %dma_wait3A_649] : memref<16x32xf32, #tpu.memory_space<vmem>> -> memref<1x32xf32, #tpu.memory_space<vmem>>
      %dma_wait3A_651 = arith.constant 0 : i32
      %dma_wait3A_652 = tpu.memref_slice %arg5[%squeeze3A_86, %dma_wait3A_651] : memref<1000000x32xf32, #tpu.memory_space<hbm>> -> memref<1x32xf32, #tpu.memory_space<hbm>>
      %dma_wait3A_653 = arith.constant 2 : i32
      %dma_wait3A_654 = arith.constant 0 : i32
      %dma_wait3A_655 = tpu.memref_slice %arg12[%dma_wait3A_653, %dma_wait3A_654] : memref<16x32xf32, #tpu.memory_space<vmem>> -> memref<1x32xf32, #tpu.memory_space<vmem>>
      %dma_wait3A_656 = arith.constant 0 : i32
      %dma_wait3A_657 = tpu.memref_slice %arg5[%squeeze3A_86, %dma_wait3A_656] : memref<1000000x32xf32, #tpu.memory_space<hbm>> -> memref<1x32xf32, #tpu.memory_space<hbm>>
      tpu.wait_dma2 semaphore(%arg17 : memref<!tpu.dma_semaphore, #tpu.memory_space<semaphore_mem>>) src(%dma_wait3A_657 : memref<1x32xf32, #tpu.memory_space<hbm>>) dst(%dma_wait3A_655 : memref<1x32xf32, #tpu.memory_space<vmem>>)
      %dma_wait3A_658 = arith.constant 2 : i32
      %dma_wait3A_659 = arith.constant 0 : i32
      %dma_wait3A_660 = tpu.memref_slice %arg13[%dma_wait3A_658, %dma_wait3A_659] : memref<16x32xf32, #tpu.memory_space<vmem>> -> memref<1x32xf32, #tpu.memory_space<vmem>>
      %dma_wait3A_661 = arith.constant 0 : i32
      %dma_wait3A_662 = tpu.memref_slice %arg6[%squeeze3A_98, %dma_wait3A_661] : memref<1000000x32xf32, #tpu.memory_space<hbm>> -> memref<1x32xf32, #tpu.memory_space<hbm>>
      %dma_wait3A_663 = arith.constant 2 : i32
      %dma_wait3A_664 = arith.constant 0 : i32
      %dma_wait3A_665 = tpu.memref_slice %arg13[%dma_wait3A_663, %dma_wait3A_664] : memref<16x32xf32, #tpu.memory_space<vmem>> -> memref<1x32xf32, #tpu.memory_space<vmem>>
      %dma_wait3A_666 = arith.constant 0 : i32
      %dma_wait3A_667 = tpu.memref_slice %arg6[%squeeze3A_98, %dma_wait3A_666] : memref<1000000x32xf32, #tpu.memory_space<hbm>> -> memref<1x32xf32, #tpu.memory_space<hbm>>
      tpu.wait_dma2 semaphore(%arg17 : memref<!tpu.dma_semaphore, #tpu.memory_space<semaphore_mem>>) src(%dma_wait3A_667 : memref<1x32xf32, #tpu.memory_space<hbm>>) dst(%dma_wait3A_665 : memref<1x32xf32, #tpu.memory_space<vmem>>)
      %dma_wait3A_668 = arith.constant 2 : i32
      %dma_wait3A_669 = arith.constant 0 : i32
      %dma_wait3A_670 = tpu.memref_slice %arg14[%dma_wait3A_668, %dma_wait3A_669] : memref<16x32xf32, #tpu.memory_space<vmem>> -> memref<1x32xf32, #tpu.memory_space<vmem>>
      %dma_wait3A_671 = arith.constant 0 : i32
      %dma_wait3A_672 = tpu.memref_slice %arg6[%squeeze3A_110, %dma_wait3A_671] : memref<1000000x32xf32, #tpu.memory_space<hbm>> -> memref<1x32xf32, #tpu.memory_space<hbm>>
      %dma_wait3A_673 = arith.constant 2 : i32
      %dma_wait3A_674 = arith.constant 0 : i32
      %dma_wait3A_675 = tpu.memref_slice %arg14[%dma_wait3A_673, %dma_wait3A_674] : memref<16x32xf32, #tpu.memory_space<vmem>> -> memref<1x32xf32, #tpu.memory_space<vmem>>
      %dma_wait3A_676 = arith.constant 0 : i32
      %dma_wait3A_677 = tpu.memref_slice %arg6[%squeeze3A_110, %dma_wait3A_676] : memref<1000000x32xf32, #tpu.memory_space<hbm>> -> memref<1x32xf32, #tpu.memory_space<hbm>>
      tpu.wait_dma2 semaphore(%arg17 : memref<!tpu.dma_semaphore, #tpu.memory_space<semaphore_mem>>) src(%dma_wait3A_677 : memref<1x32xf32, #tpu.memory_space<hbm>>) dst(%dma_wait3A_675 : memref<1x32xf32, #tpu.memory_space<vmem>>)
      %dma_wait3A_678 = arith.constant 3 : i32
      %dma_wait3A_679 = arith.constant 0 : i32
      %dma_wait3A_680 = tpu.memref_slice %arg12[%dma_wait3A_678, %dma_wait3A_679] : memref<16x32xf32, #tpu.memory_space<vmem>> -> memref<1x32xf32, #tpu.memory_space<vmem>>
      %dma_wait3A_681 = arith.constant 0 : i32
      %dma_wait3A_682 = tpu.memref_slice %arg5[%squeeze3A_122, %dma_wait3A_681] : memref<1000000x32xf32, #tpu.memory_space<hbm>> -> memref<1x32xf32, #tpu.memory_space<hbm>>
      %dma_wait3A_683 = arith.constant 3 : i32
      %dma_wait3A_684 = arith.constant 0 : i32
      %dma_wait3A_685 = tpu.memref_slice %arg12[%dma_wait3A_683, %dma_wait3A_684] : memref<16x32xf32, #tpu.memory_space<vmem>> -> memref<1x32xf32, #tpu.memory_space<vmem>>
      %dma_wait3A_686 = arith.constant 0 : i32
      %dma_wait3A_687 = tpu.memref_slice %arg5[%squeeze3A_122, %dma_wait3A_686] : memref<1000000x32xf32, #tpu.memory_space<hbm>> -> memref<1x32xf32, #tpu.memory_space<hbm>>
      tpu.wait_dma2 semaphore(%arg17 : memref<!tpu.dma_semaphore, #tpu.memory_space<semaphore_mem>>) src(%dma_wait3A_687 : memref<1x32xf32, #tpu.memory_space<hbm>>) dst(%dma_wait3A_685 : memref<1x32xf32, #tpu.memory_space<vmem>>)
      %dma_wait3A_688 = arith.constant 3 : i32
      %dma_wait3A_689 = arith.constant 0 : i32
      %dma_wait3A_690 = tpu.memref_slice %arg13[%dma_wait3A_688, %dma_wait3A_689] : memref<16x32xf32, #tpu.memory_space<vmem>> -> memref<1x32xf32, #tpu.memory_space<vmem>>
      %dma_wait3A_691 = arith.constant 0 : i32
      %dma_wait3A_692 = tpu.memref_slice %arg6[%squeeze3A_134, %dma_wait3A_691] : memref<1000000x32xf32, #tpu.memory_space<hbm>> -> memref<1x32xf32, #tpu.memory_space<hbm>>
      %dma_wait3A_693 = arith.constant 3 : i32
      %dma_wait3A_694 = arith.constant 0 : i32
      %dma_wait3A_695 = tpu.memref_slice %arg13[%dma_wait3A_693, %dma_wait3A_694] : memref<16x32xf32, #tpu.memory_space<vmem>> -> memref<1x32xf32, #tpu.memory_space<vmem>>
      %dma_wait3A_696 = arith.constant 0 : i32
      %dma_wait3A_697 = tpu.memref_slice %arg6[%squeeze3A_134, %dma_wait3A_696] : memref<1000000x32xf32, #tpu.memory_space<hbm>> -> memref<1x32xf32, #tpu.memory_space<hbm>>
      tpu.wait_dma2 semaphore(%arg17 : memref<!tpu.dma_semaphore, #tpu.memory_space<semaphore_mem>>) src(%dma_wait3A_697 : memref<1x32xf32, #tpu.memory_space<hbm>>) dst(%dma_wait3A_695 : memref<1x32xf32, #tpu.memory_space<vmem>>)
      %dma_wait3A_698 = arith.constant 3 : i32
      %dma_wait3A_699 = arith.constant 0 : i32
      %dma_wait3A_700 = tpu.memref_slice %arg14[%dma_wait3A_698, %dma_wait3A_699] : memref<16x32xf32, #tpu.memory_space<vmem>> -> memref<1x32xf32, #tpu.memory_space<vmem>>
      %dma_wait3A_701 = arith.constant 0 : i32
      %dma_wait3A_702 = tpu.memref_slice %arg6[%squeeze3A_146, %dma_wait3A_701] : memref<1000000x32xf32, #tpu.memory_space<hbm>> -> memref<1x32xf32, #tpu.memory_space<hbm>>
      %dma_wait3A_703 = arith.constant 3 : i32
      %dma_wait3A_704 = arith.constant 0 : i32
      %dma_wait3A_705 = tpu.memref_slice %arg14[%dma_wait3A_703, %dma_wait3A_704] : memref<16x32xf32, #tpu.memory_space<vmem>> -> memref<1x32xf32, #tpu.memory_space<vmem>>
      %dma_wait3A_706 = arith.constant 0 : i32
      %dma_wait3A_707 = tpu.memref_slice %arg6[%squeeze3A_146, %dma_wait3A_706] : memref<1000000x32xf32, #tpu.memory_space<hbm>> -> memref<1x32xf32, #tpu.memory_space<hbm>>
      tpu.wait_dma2 semaphore(%arg17 : memref<!tpu.dma_semaphore, #tpu.memory_space<semaphore_mem>>) src(%dma_wait3A_707 : memref<1x32xf32, #tpu.memory_space<hbm>>) dst(%dma_wait3A_705 : memref<1x32xf32, #tpu.memory_space<vmem>>)
      %dma_wait3A_708 = arith.constant 4 : i32
      %dma_wait3A_709 = arith.constant 0 : i32
      %dma_wait3A_710 = tpu.memref_slice %arg12[%dma_wait3A_708, %dma_wait3A_709] : memref<16x32xf32, #tpu.memory_space<vmem>> -> memref<1x32xf32, #tpu.memory_space<vmem>>
      %dma_wait3A_711 = arith.constant 0 : i32
      %dma_wait3A_712 = tpu.memref_slice %arg5[%squeeze3A_158, %dma_wait3A_711] : memref<1000000x32xf32, #tpu.memory_space<hbm>> -> memref<1x32xf32, #tpu.memory_space<hbm>>
      %dma_wait3A_713 = arith.constant 4 : i32
      %dma_wait3A_714 = arith.constant 0 : i32
      %dma_wait3A_715 = tpu.memref_slice %arg12[%dma_wait3A_713, %dma_wait3A_714] : memref<16x32xf32, #tpu.memory_space<vmem>> -> memref<1x32xf32, #tpu.memory_space<vmem>>
      %dma_wait3A_716 = arith.constant 0 : i32
      %dma_wait3A_717 = tpu.memref_slice %arg5[%squeeze3A_158, %dma_wait3A_716] : memref<1000000x32xf32, #tpu.memory_space<hbm>> -> memref<1x32xf32, #tpu.memory_space<hbm>>
      tpu.wait_dma2 semaphore(%arg17 : memref<!tpu.dma_semaphore, #tpu.memory_space<semaphore_mem>>) src(%dma_wait3A_717 : memref<1x32xf32, #tpu.memory_space<hbm>>) dst(%dma_wait3A_715 : memref<1x32xf32, #tpu.memory_space<vmem>>)
      %dma_wait3A_718 = arith.constant 4 : i32
      %dma_wait3A_719 = arith.constant 0 : i32
      %dma_wait3A_720 = tpu.memref_slice %arg13[%dma_wait3A_718, %dma_wait3A_719] : memref<16x32xf32, #tpu.memory_space<vmem>> -> memref<1x32xf32, #tpu.memory_space<vmem>>
      %dma_wait3A_721 = arith.constant 0 : i32
      %dma_wait3A_722 = tpu.memref_slice %arg6[%squeeze3A_170, %dma_wait3A_721] : memref<1000000x32xf32, #tpu.memory_space<hbm>> -> memref<1x32xf32, #tpu.memory_space<hbm>>
      %dma_wait3A_723 = arith.constant 4 : i32
      %dma_wait3A_724 = arith.constant 0 : i32
      %dma_wait3A_725 = tpu.memref_slice %arg13[%dma_wait3A_723, %dma_wait3A_724] : memref<16x32xf32, #tpu.memory_space<vmem>> -> memref<1x32xf32, #tpu.memory_space<vmem>>
      %dma_wait3A_726 = arith.constant 0 : i32
      %dma_wait3A_727 = tpu.memref_slice %arg6[%squeeze3A_170, %dma_wait3A_726] : memref<1000000x32xf32, #tpu.memory_space<hbm>> -> memref<1x32xf32, #tpu.memory_space<hbm>>
      tpu.wait_dma2 semaphore(%arg17 : memref<!tpu.dma_semaphore, #tpu.memory_space<semaphore_mem>>) src(%dma_wait3A_727 : memref<1x32xf32, #tpu.memory_space<hbm>>) dst(%dma_wait3A_725 : memref<1x32xf32, #tpu.memory_space<vmem>>)
      %dma_wait3A_728 = arith.constant 4 : i32
      %dma_wait3A_729 = arith.constant 0 : i32
      %dma_wait3A_730 = tpu.memref_slice %arg14[%dma_wait3A_728, %dma_wait3A_729] : memref<16x32xf32, #tpu.memory_space<vmem>> -> memref<1x32xf32, #tpu.memory_space<vmem>>
      %dma_wait3A_731 = arith.constant 0 : i32
      %dma_wait3A_732 = tpu.memref_slice %arg6[%squeeze3A_182, %dma_wait3A_731] : memref<1000000x32xf32, #tpu.memory_space<hbm>> -> memref<1x32xf32, #tpu.memory_space<hbm>>
      %dma_wait3A_733 = arith.constant 4 : i32
      %dma_wait3A_734 = arith.constant 0 : i32
      %dma_wait3A_735 = tpu.memref_slice %arg14[%dma_wait3A_733, %dma_wait3A_734] : memref<16x32xf32, #tpu.memory_space<vmem>> -> memref<1x32xf32, #tpu.memory_space<vmem>>
      %dma_wait3A_736 = arith.constant 0 : i32
      %dma_wait3A_737 = tpu.memref_slice %arg6[%squeeze3A_182, %dma_wait3A_736] : memref<1000000x32xf32, #tpu.memory_space<hbm>> -> memref<1x32xf32, #tpu.memory_space<hbm>>
      tpu.wait_dma2 semaphore(%arg17 : memref<!tpu.dma_semaphore, #tpu.memory_space<semaphore_mem>>) src(%dma_wait3A_737 : memref<1x32xf32, #tpu.memory_space<hbm>>) dst(%dma_wait3A_735 : memref<1x32xf32, #tpu.memory_space<vmem>>)
      %dma_wait3A_738 = arith.constant 5 : i32
      %dma_wait3A_739 = arith.constant 0 : i32
      %dma_wait3A_740 = tpu.memref_slice %arg12[%dma_wait3A_738, %dma_wait3A_739] : memref<16x32xf32, #tpu.memory_space<vmem>> -> memref<1x32xf32, #tpu.memory_space<vmem>>
      %dma_wait3A_741 = arith.constant 0 : i32
      %dma_wait3A_742 = tpu.memref_slice %arg5[%squeeze3A_194, %dma_wait3A_741] : memref<1000000x32xf32, #tpu.memory_space<hbm>> -> memref<1x32xf32, #tpu.memory_space<hbm>>
      %dma_wait3A_743 = arith.constant 5 : i32
      %dma_wait3A_744 = arith.constant 0 : i32
      %dma_wait3A_745 = tpu.memref_slice %arg12[%dma_wait3A_743, %dma_wait3A_744] : memref<16x32xf32, #tpu.memory_space<vmem>> -> memref<1x32xf32, #tpu.memory_space<vmem>>
      %dma_wait3A_746 = arith.constant 0 : i32
      %dma_wait3A_747 = tpu.memref_slice %arg5[%squeeze3A_194, %dma_wait3A_746] : memref<1000000x32xf32, #tpu.memory_space<hbm>> -> memref<1x32xf32, #tpu.memory_space<hbm>>
      tpu.wait_dma2 semaphore(%arg17 : memref<!tpu.dma_semaphore, #tpu.memory_space<semaphore_mem>>) src(%dma_wait3A_747 : memref<1x32xf32, #tpu.memory_space<hbm>>) dst(%dma_wait3A_745 : memref<1x32xf32, #tpu.memory_space<vmem>>)
      %dma_wait3A_748 = arith.constant 5 : i32
      %dma_wait3A_749 = arith.constant 0 : i32
      %dma_wait3A_750 = tpu.memref_slice %arg13[%dma_wait3A_748, %dma_wait3A_749] : memref<16x32xf32, #tpu.memory_space<vmem>> -> memref<1x32xf32, #tpu.memory_space<vmem>>
      %dma_wait3A_751 = arith.constant 0 : i32
      %dma_wait3A_752 = tpu.memref_slice %arg6[%squeeze3A_206, %dma_wait3A_751] : memref<1000000x32xf32, #tpu.memory_space<hbm>> -> memref<1x32xf32, #tpu.memory_space<hbm>>
      %dma_wait3A_753 = arith.constant 5 : i32
      %dma_wait3A_754 = arith.constant 0 : i32
      %dma_wait3A_755 = tpu.memref_slice %arg13[%dma_wait3A_753, %dma_wait3A_754] : memref<16x32xf32, #tpu.memory_space<vmem>> -> memref<1x32xf32, #tpu.memory_space<vmem>>
      %dma_wait3A_756 = arith.constant 0 : i32
      %dma_wait3A_757 = tpu.memref_slice %arg6[%squeeze3A_206, %dma_wait3A_756] : memref<1000000x32xf32, #tpu.memory_space<hbm>> -> memref<1x32xf32, #tpu.memory_space<hbm>>
      tpu.wait_dma2 semaphore(%arg17 : memref<!tpu.dma_semaphore, #tpu.memory_space<semaphore_mem>>) src(%dma_wait3A_757 : memref<1x32xf32, #tpu.memory_space<hbm>>) dst(%dma_wait3A_755 : memref<1x32xf32, #tpu.memory_space<vmem>>)
      %dma_wait3A_758 = arith.constant 5 : i32
      %dma_wait3A_759 = arith.constant 0 : i32
      %dma_wait3A_760 = tpu.memref_slice %arg14[%dma_wait3A_758, %dma_wait3A_759] : memref<16x32xf32, #tpu.memory_space<vmem>> -> memref<1x32xf32, #tpu.memory_space<vmem>>
      %dma_wait3A_761 = arith.constant 0 : i32
      %dma_wait3A_762 = tpu.memref_slice %arg6[%squeeze3A_218, %dma_wait3A_761] : memref<1000000x32xf32, #tpu.memory_space<hbm>> -> memref<1x32xf32, #tpu.memory_space<hbm>>
      %dma_wait3A_763 = arith.constant 5 : i32
      %dma_wait3A_764 = arith.constant 0 : i32
      %dma_wait3A_765 = tpu.memref_slice %arg14[%dma_wait3A_763, %dma_wait3A_764] : memref<16x32xf32, #tpu.memory_space<vmem>> -> memref<1x32xf32, #tpu.memory_space<vmem>>
      %dma_wait3A_766 = arith.constant 0 : i32
      %dma_wait3A_767 = tpu.memref_slice %arg6[%squeeze3A_218, %dma_wait3A_766] : memref<1000000x32xf32, #tpu.memory_space<hbm>> -> memref<1x32xf32, #tpu.memory_space<hbm>>
      tpu.wait_dma2 semaphore(%arg17 : memref<!tpu.dma_semaphore, #tpu.memory_space<semaphore_mem>>) src(%dma_wait3A_767 : memref<1x32xf32, #tpu.memory_space<hbm>>) dst(%dma_wait3A_765 : memref<1x32xf32, #tpu.memory_space<vmem>>)
      %dma_wait3A_768 = arith.constant 6 : i32
      %dma_wait3A_769 = arith.constant 0 : i32
      %dma_wait3A_770 = tpu.memref_slice %arg12[%dma_wait3A_768, %dma_wait3A_769] : memref<16x32xf32, #tpu.memory_space<vmem>> -> memref<1x32xf32, #tpu.memory_space<vmem>>
      %dma_wait3A_771 = arith.constant 0 : i32
      %dma_wait3A_772 = tpu.memref_slice %arg5[%squeeze3A_230, %dma_wait3A_771] : memref<1000000x32xf32, #tpu.memory_space<hbm>> -> memref<1x32xf32, #tpu.memory_space<hbm>>
      %dma_wait3A_773 = arith.constant 6 : i32
      %dma_wait3A_774 = arith.constant 0 : i32
      %dma_wait3A_775 = tpu.memref_slice %arg12[%dma_wait3A_773, %dma_wait3A_774] : memref<16x32xf32, #tpu.memory_space<vmem>> -> memref<1x32xf32, #tpu.memory_space<vmem>>
      %dma_wait3A_776 = arith.constant 0 : i32
      %dma_wait3A_777 = tpu.memref_slice %arg5[%squeeze3A_230, %dma_wait3A_776] : memref<1000000x32xf32, #tpu.memory_space<hbm>> -> memref<1x32xf32, #tpu.memory_space<hbm>>
      tpu.wait_dma2 semaphore(%arg17 : memref<!tpu.dma_semaphore, #tpu.memory_space<semaphore_mem>>) src(%dma_wait3A_777 : memref<1x32xf32, #tpu.memory_space<hbm>>) dst(%dma_wait3A_775 : memref<1x32xf32, #tpu.memory_space<vmem>>)
      %dma_wait3A_778 = arith.constant 6 : i32
      %dma_wait3A_779 = arith.constant 0 : i32
      %dma_wait3A_780 = tpu.memref_slice %arg13[%dma_wait3A_778, %dma_wait3A_779] : memref<16x32xf32, #tpu.memory_space<vmem>> -> memref<1x32xf32, #tpu.memory_space<vmem>>
      %dma_wait3A_781 = arith.constant 0 : i32
      %dma_wait3A_782 = tpu.memref_slice %arg6[%squeeze3A_242, %dma_wait3A_781] : memref<1000000x32xf32, #tpu.memory_space<hbm>> -> memref<1x32xf32, #tpu.memory_space<hbm>>
      %dma_wait3A_783 = arith.constant 6 : i32
      %dma_wait3A_784 = arith.constant 0 : i32
      %dma_wait3A_785 = tpu.memref_slice %arg13[%dma_wait3A_783, %dma_wait3A_784] : memref<16x32xf32, #tpu.memory_space<vmem>> -> memref<1x32xf32, #tpu.memory_space<vmem>>
      %dma_wait3A_786 = arith.constant 0 : i32
      %dma_wait3A_787 = tpu.memref_slice %arg6[%squeeze3A_242, %dma_wait3A_786] : memref<1000000x32xf32, #tpu.memory_space<hbm>> -> memref<1x32xf32, #tpu.memory_space<hbm>>
      tpu.wait_dma2 semaphore(%arg17 : memref<!tpu.dma_semaphore, #tpu.memory_space<semaphore_mem>>) src(%dma_wait3A_787 : memref<1x32xf32, #tpu.memory_space<hbm>>) dst(%dma_wait3A_785 : memref<1x32xf32, #tpu.memory_space<vmem>>)
      %dma_wait3A_788 = arith.constant 6 : i32
      %dma_wait3A_789 = arith.constant 0 : i32
      %dma_wait3A_790 = tpu.memref_slice %arg14[%dma_wait3A_788, %dma_wait3A_789] : memref<16x32xf32, #tpu.memory_space<vmem>> -> memref<1x32xf32, #tpu.memory_space<vmem>>
      %dma_wait3A_791 = arith.constant 0 : i32
      %dma_wait3A_792 = tpu.memref_slice %arg6[%squeeze3A_254, %dma_wait3A_791] : memref<1000000x32xf32, #tpu.memory_space<hbm>> -> memref<1x32xf32, #tpu.memory_space<hbm>>
      %dma_wait3A_793 = arith.constant 6 : i32
      %dma_wait3A_794 = arith.constant 0 : i32
      %dma_wait3A_795 = tpu.memref_slice %arg14[%dma_wait3A_793, %dma_wait3A_794] : memref<16x32xf32, #tpu.memory_space<vmem>> -> memref<1x32xf32, #tpu.memory_space<vmem>>
      %dma_wait3A_796 = arith.constant 0 : i32
      %dma_wait3A_797 = tpu.memref_slice %arg6[%squeeze3A_254, %dma_wait3A_796] : memref<1000000x32xf32, #tpu.memory_space<hbm>> -> memref<1x32xf32, #tpu.memory_space<hbm>>
      tpu.wait_dma2 semaphore(%arg17 : memref<!tpu.dma_semaphore, #tpu.memory_space<semaphore_mem>>) src(%dma_wait3A_797 : memref<1x32xf32, #tpu.memory_space<hbm>>) dst(%dma_wait3A_795 : memref<1x32xf32, #tpu.memory_space<vmem>>)
      %dma_wait3A_798 = arith.constant 7 : i32
      %dma_wait3A_799 = arith.constant 0 : i32
      %dma_wait3A_800 = tpu.memref_slice %arg12[%dma_wait3A_798, %dma_wait3A_799] : memref<16x32xf32, #tpu.memory_space<vmem>> -> memref<1x32xf32, #tpu.memory_space<vmem>>
      %dma_wait3A_801 = arith.constant 0 : i32
      %dma_wait3A_802 = tpu.memref_slice %arg5[%squeeze3A_266, %dma_wait3A_801] : memref<1000000x32xf32, #tpu.memory_space<hbm>> -> memref<1x32xf32, #tpu.memory_space<hbm>>
      %dma_wait3A_803 = arith.constant 7 : i32
      %dma_wait3A_804 = arith.constant 0 : i32
      %dma_wait3A_805 = tpu.memref_slice %arg12[%dma_wait3A_803, %dma_wait3A_804] : memref<16x32xf32, #tpu.memory_space<vmem>> -> memref<1x32xf32, #tpu.memory_space<vmem>>
      %dma_wait3A_806 = arith.constant 0 : i32
      %dma_wait3A_807 = tpu.memref_slice %arg5[%squeeze3A_266, %dma_wait3A_806] : memref<1000000x32xf32, #tpu.memory_space<hbm>> -> memref<1x32xf32, #tpu.memory_space<hbm>>
      tpu.wait_dma2 semaphore(%arg17 : memref<!tpu.dma_semaphore, #tpu.memory_space<semaphore_mem>>) src(%dma_wait3A_807 : memref<1x32xf32, #tpu.memory_space<hbm>>) dst(%dma_wait3A_805 : memref<1x32xf32, #tpu.memory_space<vmem>>)
      %dma_wait3A_808 = arith.constant 7 : i32
      %dma_wait3A_809 = arith.constant 0 : i32
      %dma_wait3A_810 = tpu.memref_slice %arg13[%dma_wait3A_808, %dma_wait3A_809] : memref<16x32xf32, #tpu.memory_space<vmem>> -> memref<1x32xf32, #tpu.memory_space<vmem>>
      %dma_wait3A_811 = arith.constant 0 : i32
      %dma_wait3A_812 = tpu.memref_slice %arg6[%squeeze3A_278, %dma_wait3A_811] : memref<1000000x32xf32, #tpu.memory_space<hbm>> -> memref<1x32xf32, #tpu.memory_space<hbm>>
      %dma_wait3A_813 = arith.constant 7 : i32
      %dma_wait3A_814 = arith.constant 0 : i32
      %dma_wait3A_815 = tpu.memref_slice %arg13[%dma_wait3A_813, %dma_wait3A_814] : memref<16x32xf32, #tpu.memory_space<vmem>> -> memref<1x32xf32, #tpu.memory_space<vmem>>
      %dma_wait3A_816 = arith.constant 0 : i32
      %dma_wait3A_817 = tpu.memref_slice %arg6[%squeeze3A_278, %dma_wait3A_816] : memref<1000000x32xf32, #tpu.memory_space<hbm>> -> memref<1x32xf32, #tpu.memory_space<hbm>>
      tpu.wait_dma2 semaphore(%arg17 : memref<!tpu.dma_semaphore, #tpu.memory_space<semaphore_mem>>) src(%dma_wait3A_817 : memref<1x32xf32, #tpu.memory_space<hbm>>) dst(%dma_wait3A_815 : memref<1x32xf32, #tpu.memory_space<vmem>>)
      %dma_wait3A_818 = arith.constant 7 : i32
      %dma_wait3A_819 = arith.constant 0 : i32
      %dma_wait3A_820 = tpu.memref_slice %arg14[%dma_wait3A_818, %dma_wait3A_819] : memref<16x32xf32, #tpu.memory_space<vmem>> -> memref<1x32xf32, #tpu.memory_space<vmem>>
      %dma_wait3A_821 = arith.constant 0 : i32
      %dma_wait3A_822 = tpu.memref_slice %arg6[%squeeze3A_290, %dma_wait3A_821] : memref<1000000x32xf32, #tpu.memory_space<hbm>> -> memref<1x32xf32, #tpu.memory_space<hbm>>
      %dma_wait3A_823 = arith.constant 7 : i32
      %dma_wait3A_824 = arith.constant 0 : i32
      %dma_wait3A_825 = tpu.memref_slice %arg14[%dma_wait3A_823, %dma_wait3A_824] : memref<16x32xf32, #tpu.memory_space<vmem>> -> memref<1x32xf32, #tpu.memory_space<vmem>>
      %dma_wait3A_826 = arith.constant 0 : i32
      %dma_wait3A_827 = tpu.memref_slice %arg6[%squeeze3A_290, %dma_wait3A_826] : memref<1000000x32xf32, #tpu.memory_space<hbm>> -> memref<1x32xf32, #tpu.memory_space<hbm>>
      tpu.wait_dma2 semaphore(%arg17 : memref<!tpu.dma_semaphore, #tpu.memory_space<semaphore_mem>>) src(%dma_wait3A_827 : memref<1x32xf32, #tpu.memory_space<hbm>>) dst(%dma_wait3A_825 : memref<1x32xf32, #tpu.memory_space<vmem>>)
      %dma_wait3A_828 = arith.constant 8 : i32
      %dma_wait3A_829 = arith.constant 0 : i32
      %dma_wait3A_830 = tpu.memref_slice %arg12[%dma_wait3A_828, %dma_wait3A_829] : memref<16x32xf32, #tpu.memory_space<vmem>> -> memref<1x32xf32, #tpu.memory_space<vmem>>
      %dma_wait3A_831 = arith.constant 0 : i32
      %dma_wait3A_832 = tpu.memref_slice %arg5[%squeeze3A_302, %dma_wait3A_831] : memref<1000000x32xf32, #tpu.memory_space<hbm>> -> memref<1x32xf32, #tpu.memory_space<hbm>>
      %dma_wait3A_833 = arith.constant 8 : i32
      %dma_wait3A_834 = arith.constant 0 : i32
      %dma_wait3A_835 = tpu.memref_slice %arg12[%dma_wait3A_833, %dma_wait3A_834] : memref<16x32xf32, #tpu.memory_space<vmem>> -> memref<1x32xf32, #tpu.memory_space<vmem>>
      %dma_wait3A_836 = arith.constant 0 : i32
      %dma_wait3A_837 = tpu.memref_slice %arg5[%squeeze3A_302, %dma_wait3A_836] : memref<1000000x32xf32, #tpu.memory_space<hbm>> -> memref<1x32xf32, #tpu.memory_space<hbm>>
      tpu.wait_dma2 semaphore(%arg17 : memref<!tpu.dma_semaphore, #tpu.memory_space<semaphore_mem>>) src(%dma_wait3A_837 : memref<1x32xf32, #tpu.memory_space<hbm>>) dst(%dma_wait3A_835 : memref<1x32xf32, #tpu.memory_space<vmem>>)
      %dma_wait3A_838 = arith.constant 8 : i32
      %dma_wait3A_839 = arith.constant 0 : i32
      %dma_wait3A_840 = tpu.memref_slice %arg13[%dma_wait3A_838, %dma_wait3A_839] : memref<16x32xf32, #tpu.memory_space<vmem>> -> memref<1x32xf32, #tpu.memory_space<vmem>>
      %dma_wait3A_841 = arith.constant 0 : i32
      %dma_wait3A_842 = tpu.memref_slice %arg6[%squeeze3A_314, %dma_wait3A_841] : memref<1000000x32xf32, #tpu.memory_space<hbm>> -> memref<1x32xf32, #tpu.memory_space<hbm>>
      %dma_wait3A_843 = arith.constant 8 : i32
      %dma_wait3A_844 = arith.constant 0 : i32
      %dma_wait3A_845 = tpu.memref_slice %arg13[%dma_wait3A_843, %dma_wait3A_844] : memref<16x32xf32, #tpu.memory_space<vmem>> -> memref<1x32xf32, #tpu.memory_space<vmem>>
      %dma_wait3A_846 = arith.constant 0 : i32
      %dma_wait3A_847 = tpu.memref_slice %arg6[%squeeze3A_314, %dma_wait3A_846] : memref<1000000x32xf32, #tpu.memory_space<hbm>> -> memref<1x32xf32, #tpu.memory_space<hbm>>
      tpu.wait_dma2 semaphore(%arg17 : memref<!tpu.dma_semaphore, #tpu.memory_space<semaphore_mem>>) src(%dma_wait3A_847 : memref<1x32xf32, #tpu.memory_space<hbm>>) dst(%dma_wait3A_845 : memref<1x32xf32, #tpu.memory_space<vmem>>)
      %dma_wait3A_848 = arith.constant 8 : i32
      %dma_wait3A_849 = arith.constant 0 : i32
      %dma_wait3A_850 = tpu.memref_slice %arg14[%dma_wait3A_848, %dma_wait3A_849] : memref<16x32xf32, #tpu.memory_space<vmem>> -> memref<1x32xf32, #tpu.memory_space<vmem>>
      %dma_wait3A_851 = arith.constant 0 : i32
      %dma_wait3A_852 = tpu.memref_slice %arg6[%squeeze3A_326, %dma_wait3A_851] : memref<1000000x32xf32, #tpu.memory_space<hbm>> -> memref<1x32xf32, #tpu.memory_space<hbm>>
      %dma_wait3A_853 = arith.constant 8 : i32
      %dma_wait3A_854 = arith.constant 0 : i32
      %dma_wait3A_855 = tpu.memref_slice %arg14[%dma_wait3A_853, %dma_wait3A_854] : memref<16x32xf32, #tpu.memory_space<vmem>> -> memref<1x32xf32, #tpu.memory_space<vmem>>
      %dma_wait3A_856 = arith.constant 0 : i32
      %dma_wait3A_857 = tpu.memref_slice %arg6[%squeeze3A_326, %dma_wait3A_856] : memref<1000000x32xf32, #tpu.memory_space<hbm>> -> memref<1x32xf32, #tpu.memory_space<hbm>>
      tpu.wait_dma2 semaphore(%arg17 : memref<!tpu.dma_semaphore, #tpu.memory_space<semaphore_mem>>) src(%dma_wait3A_857 : memref<1x32xf32, #tpu.memory_space<hbm>>) dst(%dma_wait3A_855 : memref<1x32xf32, #tpu.memory_space<vmem>>)
      %dma_wait3A_858 = arith.constant 9 : i32
      %dma_wait3A_859 = arith.constant 0 : i32
      %dma_wait3A_860 = tpu.memref_slice %arg12[%dma_wait3A_858, %dma_wait3A_859] : memref<16x32xf32, #tpu.memory_space<vmem>> -> memref<1x32xf32, #tpu.memory_space<vmem>>
      %dma_wait3A_861 = arith.constant 0 : i32
      %dma_wait3A_862 = tpu.memref_slice %arg5[%squeeze3A_338, %dma_wait3A_861] : memref<1000000x32xf32, #tpu.memory_space<hbm>> -> memref<1x32xf32, #tpu.memory_space<hbm>>
      %dma_wait3A_863 = arith.constant 9 : i32
      %dma_wait3A_864 = arith.constant 0 : i32
      %dma_wait3A_865 = tpu.memref_slice %arg12[%dma_wait3A_863, %dma_wait3A_864] : memref<16x32xf32, #tpu.memory_space<vmem>> -> memref<1x32xf32, #tpu.memory_space<vmem>>
      %dma_wait3A_866 = arith.constant 0 : i32
      %dma_wait3A_867 = tpu.memref_slice %arg5[%squeeze3A_338, %dma_wait3A_866] : memref<1000000x32xf32, #tpu.memory_space<hbm>> -> memref<1x32xf32, #tpu.memory_space<hbm>>
      tpu.wait_dma2 semaphore(%arg17 : memref<!tpu.dma_semaphore, #tpu.memory_space<semaphore_mem>>) src(%dma_wait3A_867 : memref<1x32xf32, #tpu.memory_space<hbm>>) dst(%dma_wait3A_865 : memref<1x32xf32, #tpu.memory_space<vmem>>)
      %dma_wait3A_868 = arith.constant 9 : i32
      %dma_wait3A_869 = arith.constant 0 : i32
      %dma_wait3A_870 = tpu.memref_slice %arg13[%dma_wait3A_868, %dma_wait3A_869] : memref<16x32xf32, #tpu.memory_space<vmem>> -> memref<1x32xf32, #tpu.memory_space<vmem>>
      %dma_wait3A_871 = arith.constant 0 : i32
      %dma_wait3A_872 = tpu.memref_slice %arg6[%squeeze3A_350, %dma_wait3A_871] : memref<1000000x32xf32, #tpu.memory_space<hbm>> -> memref<1x32xf32, #tpu.memory_space<hbm>>
      %dma_wait3A_873 = arith.constant 9 : i32
      %dma_wait3A_874 = arith.constant 0 : i32
      %dma_wait3A_875 = tpu.memref_slice %arg13[%dma_wait3A_873, %dma_wait3A_874] : memref<16x32xf32, #tpu.memory_space<vmem>> -> memref<1x32xf32, #tpu.memory_space<vmem>>
      %dma_wait3A_876 = arith.constant 0 : i32
      %dma_wait3A_877 = tpu.memref_slice %arg6[%squeeze3A_350, %dma_wait3A_876] : memref<1000000x32xf32, #tpu.memory_space<hbm>> -> memref<1x32xf32, #tpu.memory_space<hbm>>
      tpu.wait_dma2 semaphore(%arg17 : memref<!tpu.dma_semaphore, #tpu.memory_space<semaphore_mem>>) src(%dma_wait3A_877 : memref<1x32xf32, #tpu.memory_space<hbm>>) dst(%dma_wait3A_875 : memref<1x32xf32, #tpu.memory_space<vmem>>)
      %dma_wait3A_878 = arith.constant 9 : i32
      %dma_wait3A_879 = arith.constant 0 : i32
      %dma_wait3A_880 = tpu.memref_slice %arg14[%dma_wait3A_878, %dma_wait3A_879] : memref<16x32xf32, #tpu.memory_space<vmem>> -> memref<1x32xf32, #tpu.memory_space<vmem>>
      %dma_wait3A_881 = arith.constant 0 : i32
      %dma_wait3A_882 = tpu.memref_slice %arg6[%squeeze3A_362, %dma_wait3A_881] : memref<1000000x32xf32, #tpu.memory_space<hbm>> -> memref<1x32xf32, #tpu.memory_space<hbm>>
      %dma_wait3A_883 = arith.constant 9 : i32
      %dma_wait3A_884 = arith.constant 0 : i32
      %dma_wait3A_885 = tpu.memref_slice %arg14[%dma_wait3A_883, %dma_wait3A_884] : memref<16x32xf32, #tpu.memory_space<vmem>> -> memref<1x32xf32, #tpu.memory_space<vmem>>
      %dma_wait3A_886 = arith.constant 0 : i32
      %dma_wait3A_887 = tpu.memref_slice %arg6[%squeeze3A_362, %dma_wait3A_886] : memref<1000000x32xf32, #tpu.memory_space<hbm>> -> memref<1x32xf32, #tpu.memory_space<hbm>>
      tpu.wait_dma2 semaphore(%arg17 : memref<!tpu.dma_semaphore, #tpu.memory_space<semaphore_mem>>) src(%dma_wait3A_887 : memref<1x32xf32, #tpu.memory_space<hbm>>) dst(%dma_wait3A_885 : memref<1x32xf32, #tpu.memory_space<vmem>>)
      %dma_wait3A_888 = arith.constant 10 : i32
      %dma_wait3A_889 = arith.constant 0 : i32
      %dma_wait3A_890 = tpu.memref_slice %arg12[%dma_wait3A_888, %dma_wait3A_889] : memref<16x32xf32, #tpu.memory_space<vmem>> -> memref<1x32xf32, #tpu.memory_space<vmem>>
      %dma_wait3A_891 = arith.constant 0 : i32
      %dma_wait3A_892 = tpu.memref_slice %arg5[%squeeze3A_374, %dma_wait3A_891] : memref<1000000x32xf32, #tpu.memory_space<hbm>> -> memref<1x32xf32, #tpu.memory_space<hbm>>
      %dma_wait3A_893 = arith.constant 10 : i32
      %dma_wait3A_894 = arith.constant 0 : i32
      %dma_wait3A_895 = tpu.memref_slice %arg12[%dma_wait3A_893, %dma_wait3A_894] : memref<16x32xf32, #tpu.memory_space<vmem>> -> memref<1x32xf32, #tpu.memory_space<vmem>>
      %dma_wait3A_896 = arith.constant 0 : i32
      %dma_wait3A_897 = tpu.memref_slice %arg5[%squeeze3A_374, %dma_wait3A_896] : memref<1000000x32xf32, #tpu.memory_space<hbm>> -> memref<1x32xf32, #tpu.memory_space<hbm>>
      tpu.wait_dma2 semaphore(%arg17 : memref<!tpu.dma_semaphore, #tpu.memory_space<semaphore_mem>>) src(%dma_wait3A_897 : memref<1x32xf32, #tpu.memory_space<hbm>>) dst(%dma_wait3A_895 : memref<1x32xf32, #tpu.memory_space<vmem>>)
      %dma_wait3A_898 = arith.constant 10 : i32
      %dma_wait3A_899 = arith.constant 0 : i32
      %dma_wait3A_900 = tpu.memref_slice %arg13[%dma_wait3A_898, %dma_wait3A_899] : memref<16x32xf32, #tpu.memory_space<vmem>> -> memref<1x32xf32, #tpu.memory_space<vmem>>
      %dma_wait3A_901 = arith.constant 0 : i32
      %dma_wait3A_902 = tpu.memref_slice %arg6[%squeeze3A_386, %dma_wait3A_901] : memref<1000000x32xf32, #tpu.memory_space<hbm>> -> memref<1x32xf32, #tpu.memory_space<hbm>>
      %dma_wait3A_903 = arith.constant 10 : i32
      %dma_wait3A_904 = arith.constant 0 : i32
      %dma_wait3A_905 = tpu.memref_slice %arg13[%dma_wait3A_903, %dma_wait3A_904] : memref<16x32xf32, #tpu.memory_space<vmem>> -> memref<1x32xf32, #tpu.memory_space<vmem>>
      %dma_wait3A_906 = arith.constant 0 : i32
      %dma_wait3A_907 = tpu.memref_slice %arg6[%squeeze3A_386, %dma_wait3A_906] : memref<1000000x32xf32, #tpu.memory_space<hbm>> -> memref<1x32xf32, #tpu.memory_space<hbm>>
      tpu.wait_dma2 semaphore(%arg17 : memref<!tpu.dma_semaphore, #tpu.memory_space<semaphore_mem>>) src(%dma_wait3A_907 : memref<1x32xf32, #tpu.memory_space<hbm>>) dst(%dma_wait3A_905 : memref<1x32xf32, #tpu.memory_space<vmem>>)
      %dma_wait3A_908 = arith.constant 10 : i32
      %dma_wait3A_909 = arith.constant 0 : i32
      %dma_wait3A_910 = tpu.memref_slice %arg14[%dma_wait3A_908, %dma_wait3A_909] : memref<16x32xf32, #tpu.memory_space<vmem>> -> memref<1x32xf32, #tpu.memory_space<vmem>>
      %dma_wait3A_911 = arith.constant 0 : i32
      %dma_wait3A_912 = tpu.memref_slice %arg6[%squeeze3A_398, %dma_wait3A_911] : memref<1000000x32xf32, #tpu.memory_space<hbm>> -> memref<1x32xf32, #tpu.memory_space<hbm>>
      %dma_wait3A_913 = arith.constant 10 : i32
      %dma_wait3A_914 = arith.constant 0 : i32
      %dma_wait3A_915 = tpu.memref_slice %arg14[%dma_wait3A_913, %dma_wait3A_914] : memref<16x32xf32, #tpu.memory_space<vmem>> -> memref<1x32xf32, #tpu.memory_space<vmem>>
      %dma_wait3A_916 = arith.constant 0 : i32
      %dma_wait3A_917 = tpu.memref_slice %arg6[%squeeze3A_398, %dma_wait3A_916] : memref<1000000x32xf32, #tpu.memory_space<hbm>> -> memref<1x32xf32, #tpu.memory_space<hbm>>
      tpu.wait_dma2 semaphore(%arg17 : memref<!tpu.dma_semaphore, #tpu.memory_space<semaphore_mem>>) src(%dma_wait3A_917 : memref<1x32xf32, #tpu.memory_space<hbm>>) dst(%dma_wait3A_915 : memref<1x32xf32, #tpu.memory_space<vmem>>)
      %dma_wait3A_918 = arith.constant 11 : i32
      %dma_wait3A_919 = arith.constant 0 : i32
      %dma_wait3A_920 = tpu.memref_slice %arg12[%dma_wait3A_918, %dma_wait3A_919] : memref<16x32xf32, #tpu.memory_space<vmem>> -> memref<1x32xf32, #tpu.memory_space<vmem>>
      %dma_wait3A_921 = arith.constant 0 : i32
      %dma_wait3A_922 = tpu.memref_slice %arg5[%squeeze3A_410, %dma_wait3A_921] : memref<1000000x32xf32, #tpu.memory_space<hbm>> -> memref<1x32xf32, #tpu.memory_space<hbm>>
      %dma_wait3A_923 = arith.constant 11 : i32
      %dma_wait3A_924 = arith.constant 0 : i32
      %dma_wait3A_925 = tpu.memref_slice %arg12[%dma_wait3A_923, %dma_wait3A_924] : memref<16x32xf32, #tpu.memory_space<vmem>> -> memref<1x32xf32, #tpu.memory_space<vmem>>
      %dma_wait3A_926 = arith.constant 0 : i32
      %dma_wait3A_927 = tpu.memref_slice %arg5[%squeeze3A_410, %dma_wait3A_926] : memref<1000000x32xf32, #tpu.memory_space<hbm>> -> memref<1x32xf32, #tpu.memory_space<hbm>>
      tpu.wait_dma2 semaphore(%arg17 : memref<!tpu.dma_semaphore, #tpu.memory_space<semaphore_mem>>) src(%dma_wait3A_927 : memref<1x32xf32, #tpu.memory_space<hbm>>) dst(%dma_wait3A_925 : memref<1x32xf32, #tpu.memory_space<vmem>>)
      %dma_wait3A_928 = arith.constant 11 : i32
      %dma_wait3A_929 = arith.constant 0 : i32
      %dma_wait3A_930 = tpu.memref_slice %arg13[%dma_wait3A_928, %dma_wait3A_929] : memref<16x32xf32, #tpu.memory_space<vmem>> -> memref<1x32xf32, #tpu.memory_space<vmem>>
      %dma_wait3A_931 = arith.constant 0 : i32
      %dma_wait3A_932 = tpu.memref_slice %arg6[%squeeze3A_422, %dma_wait3A_931] : memref<1000000x32xf32, #tpu.memory_space<hbm>> -> memref<1x32xf32, #tpu.memory_space<hbm>>
      %dma_wait3A_933 = arith.constant 11 : i32
      %dma_wait3A_934 = arith.constant 0 : i32
      %dma_wait3A_935 = tpu.memref_slice %arg13[%dma_wait3A_933, %dma_wait3A_934] : memref<16x32xf32, #tpu.memory_space<vmem>> -> memref<1x32xf32, #tpu.memory_space<vmem>>
      %dma_wait3A_936 = arith.constant 0 : i32
      %dma_wait3A_937 = tpu.memref_slice %arg6[%squeeze3A_422, %dma_wait3A_936] : memref<1000000x32xf32, #tpu.memory_space<hbm>> -> memref<1x32xf32, #tpu.memory_space<hbm>>
      tpu.wait_dma2 semaphore(%arg17 : memref<!tpu.dma_semaphore, #tpu.memory_space<semaphore_mem>>) src(%dma_wait3A_937 : memref<1x32xf32, #tpu.memory_space<hbm>>) dst(%dma_wait3A_935 : memref<1x32xf32, #tpu.memory_space<vmem>>)
      %dma_wait3A_938 = arith.constant 11 : i32
      %dma_wait3A_939 = arith.constant 0 : i32
      %dma_wait3A_940 = tpu.memref_slice %arg14[%dma_wait3A_938, %dma_wait3A_939] : memref<16x32xf32, #tpu.memory_space<vmem>> -> memref<1x32xf32, #tpu.memory_space<vmem>>
      %dma_wait3A_941 = arith.constant 0 : i32
      %dma_wait3A_942 = tpu.memref_slice %arg6[%squeeze3A_434, %dma_wait3A_941] : memref<1000000x32xf32, #tpu.memory_space<hbm>> -> memref<1x32xf32, #tpu.memory_space<hbm>>
      %dma_wait3A_943 = arith.constant 11 : i32
      %dma_wait3A_944 = arith.constant 0 : i32
      %dma_wait3A_945 = tpu.memref_slice %arg14[%dma_wait3A_943, %dma_wait3A_944] : memref<16x32xf32, #tpu.memory_space<vmem>> -> memref<1x32xf32, #tpu.memory_space<vmem>>
      %dma_wait3A_946 = arith.constant 0 : i32
      %dma_wait3A_947 = tpu.memref_slice %arg6[%squeeze3A_434, %dma_wait3A_946] : memref<1000000x32xf32, #tpu.memory_space<hbm>> -> memref<1x32xf32, #tpu.memory_space<hbm>>
      tpu.wait_dma2 semaphore(%arg17 : memref<!tpu.dma_semaphore, #tpu.memory_space<semaphore_mem>>) src(%dma_wait3A_947 : memref<1x32xf32, #tpu.memory_space<hbm>>) dst(%dma_wait3A_945 : memref<1x32xf32, #tpu.memory_space<vmem>>)
      %dma_wait3A_948 = arith.constant 12 : i32
      %dma_wait3A_949 = arith.constant 0 : i32
      %dma_wait3A_950 = tpu.memref_slice %arg12[%dma_wait3A_948, %dma_wait3A_949] : memref<16x32xf32, #tpu.memory_space<vmem>> -> memref<1x32xf32, #tpu.memory_space<vmem>>
      %dma_wait3A_951 = arith.constant 0 : i32
      %dma_wait3A_952 = tpu.memref_slice %arg5[%squeeze3A_446, %dma_wait3A_951] : memref<1000000x32xf32, #tpu.memory_space<hbm>> -> memref<1x32xf32, #tpu.memory_space<hbm>>
      %dma_wait3A_953 = arith.constant 12 : i32
      %dma_wait3A_954 = arith.constant 0 : i32
      %dma_wait3A_955 = tpu.memref_slice %arg12[%dma_wait3A_953, %dma_wait3A_954] : memref<16x32xf32, #tpu.memory_space<vmem>> -> memref<1x32xf32, #tpu.memory_space<vmem>>
      %dma_wait3A_956 = arith.constant 0 : i32
      %dma_wait3A_957 = tpu.memref_slice %arg5[%squeeze3A_446, %dma_wait3A_956] : memref<1000000x32xf32, #tpu.memory_space<hbm>> -> memref<1x32xf32, #tpu.memory_space<hbm>>
      tpu.wait_dma2 semaphore(%arg17 : memref<!tpu.dma_semaphore, #tpu.memory_space<semaphore_mem>>) src(%dma_wait3A_957 : memref<1x32xf32, #tpu.memory_space<hbm>>) dst(%dma_wait3A_955 : memref<1x32xf32, #tpu.memory_space<vmem>>)
      %dma_wait3A_958 = arith.constant 12 : i32
      %dma_wait3A_959 = arith.constant 0 : i32
      %dma_wait3A_960 = tpu.memref_slice %arg13[%dma_wait3A_958, %dma_wait3A_959] : memref<16x32xf32, #tpu.memory_space<vmem>> -> memref<1x32xf32, #tpu.memory_space<vmem>>
      %dma_wait3A_961 = arith.constant 0 : i32
      %dma_wait3A_962 = tpu.memref_slice %arg6[%squeeze3A_458, %dma_wait3A_961] : memref<1000000x32xf32, #tpu.memory_space<hbm>> -> memref<1x32xf32, #tpu.memory_space<hbm>>
      %dma_wait3A_963 = arith.constant 12 : i32
      %dma_wait3A_964 = arith.constant 0 : i32
      %dma_wait3A_965 = tpu.memref_slice %arg13[%dma_wait3A_963, %dma_wait3A_964] : memref<16x32xf32, #tpu.memory_space<vmem>> -> memref<1x32xf32, #tpu.memory_space<vmem>>
      %dma_wait3A_966 = arith.constant 0 : i32
      %dma_wait3A_967 = tpu.memref_slice %arg6[%squeeze3A_458, %dma_wait3A_966] : memref<1000000x32xf32, #tpu.memory_space<hbm>> -> memref<1x32xf32, #tpu.memory_space<hbm>>
      tpu.wait_dma2 semaphore(%arg17 : memref<!tpu.dma_semaphore, #tpu.memory_space<semaphore_mem>>) src(%dma_wait3A_967 : memref<1x32xf32, #tpu.memory_space<hbm>>) dst(%dma_wait3A_965 : memref<1x32xf32, #tpu.memory_space<vmem>>)
      %dma_wait3A_968 = arith.constant 12 : i32
      %dma_wait3A_969 = arith.constant 0 : i32
      %dma_wait3A_970 = tpu.memref_slice %arg14[%dma_wait3A_968, %dma_wait3A_969] : memref<16x32xf32, #tpu.memory_space<vmem>> -> memref<1x32xf32, #tpu.memory_space<vmem>>
      %dma_wait3A_971 = arith.constant 0 : i32
      %dma_wait3A_972 = tpu.memref_slice %arg6[%squeeze3A_470, %dma_wait3A_971] : memref<1000000x32xf32, #tpu.memory_space<hbm>> -> memref<1x32xf32, #tpu.memory_space<hbm>>
      %dma_wait3A_973 = arith.constant 12 : i32
      %dma_wait3A_974 = arith.constant 0 : i32
      %dma_wait3A_975 = tpu.memref_slice %arg14[%dma_wait3A_973, %dma_wait3A_974] : memref<16x32xf32, #tpu.memory_space<vmem>> -> memref<1x32xf32, #tpu.memory_space<vmem>>
      %dma_wait3A_976 = arith.constant 0 : i32
      %dma_wait3A_977 = tpu.memref_slice %arg6[%squeeze3A_470, %dma_wait3A_976] : memref<1000000x32xf32, #tpu.memory_space<hbm>> -> memref<1x32xf32, #tpu.memory_space<hbm>>
      tpu.wait_dma2 semaphore(%arg17 : memref<!tpu.dma_semaphore, #tpu.memory_space<semaphore_mem>>) src(%dma_wait3A_977 : memref<1x32xf32, #tpu.memory_space<hbm>>) dst(%dma_wait3A_975 : memref<1x32xf32, #tpu.memory_space<vmem>>)
      %dma_wait3A_978 = arith.constant 13 : i32
      %dma_wait3A_979 = arith.constant 0 : i32
      %dma_wait3A_980 = tpu.memref_slice %arg12[%dma_wait3A_978, %dma_wait3A_979] : memref<16x32xf32, #tpu.memory_space<vmem>> -> memref<1x32xf32, #tpu.memory_space<vmem>>
      %dma_wait3A_981 = arith.constant 0 : i32
      %dma_wait3A_982 = tpu.memref_slice %arg5[%squeeze3A_482, %dma_wait3A_981] : memref<1000000x32xf32, #tpu.memory_space<hbm>> -> memref<1x32xf32, #tpu.memory_space<hbm>>
      %dma_wait3A_983 = arith.constant 13 : i32
      %dma_wait3A_984 = arith.constant 0 : i32
      %dma_wait3A_985 = tpu.memref_slice %arg12[%dma_wait3A_983, %dma_wait3A_984] : memref<16x32xf32, #tpu.memory_space<vmem>> -> memref<1x32xf32, #tpu.memory_space<vmem>>
      %dma_wait3A_986 = arith.constant 0 : i32
      %dma_wait3A_987 = tpu.memref_slice %arg5[%squeeze3A_482, %dma_wait3A_986] : memref<1000000x32xf32, #tpu.memory_space<hbm>> -> memref<1x32xf32, #tpu.memory_space<hbm>>
      tpu.wait_dma2 semaphore(%arg17 : memref<!tpu.dma_semaphore, #tpu.memory_space<semaphore_mem>>) src(%dma_wait3A_987 : memref<1x32xf32, #tpu.memory_space<hbm>>) dst(%dma_wait3A_985 : memref<1x32xf32, #tpu.memory_space<vmem>>)
      %dma_wait3A_988 = arith.constant 13 : i32
      %dma_wait3A_989 = arith.constant 0 : i32
      %dma_wait3A_990 = tpu.memref_slice %arg13[%dma_wait3A_988, %dma_wait3A_989] : memref<16x32xf32, #tpu.memory_space<vmem>> -> memref<1x32xf32, #tpu.memory_space<vmem>>
      %dma_wait3A_991 = arith.constant 0 : i32
      %dma_wait3A_992 = tpu.memref_slice %arg6[%squeeze3A_494, %dma_wait3A_991] : memref<1000000x32xf32, #tpu.memory_space<hbm>> -> memref<1x32xf32, #tpu.memory_space<hbm>>
      %dma_wait3A_993 = arith.constant 13 : i32
      %dma_wait3A_994 = arith.constant 0 : i32
      %dma_wait3A_995 = tpu.memref_slice %arg13[%dma_wait3A_993, %dma_wait3A_994] : memref<16x32xf32, #tpu.memory_space<vmem>> -> memref<1x32xf32, #tpu.memory_space<vmem>>
      %dma_wait3A_996 = arith.constant 0 : i32
      %dma_wait3A_997 = tpu.memref_slice %arg6[%squeeze3A_494, %dma_wait3A_996] : memref<1000000x32xf32, #tpu.memory_space<hbm>> -> memref<1x32xf32, #tpu.memory_space<hbm>>
      tpu.wait_dma2 semaphore(%arg17 : memref<!tpu.dma_semaphore, #tpu.memory_space<semaphore_mem>>) src(%dma_wait3A_997 : memref<1x32xf32, #tpu.memory_space<hbm>>) dst(%dma_wait3A_995 : memref<1x32xf32, #tpu.memory_space<vmem>>)
      %dma_wait3A_998 = arith.constant 13 : i32
      %dma_wait3A_999 = arith.constant 0 : i32
      %dma_wait3A_1000 = tpu.memref_slice %arg14[%dma_wait3A_998, %dma_wait3A_999] : memref<16x32xf32, #tpu.memory_space<vmem>> -> memref<1x32xf32, #tpu.memory_space<vmem>>
      %dma_wait3A_1001 = arith.constant 0 : i32
      %dma_wait3A_1002 = tpu.memref_slice %arg6[%squeeze3A_506, %dma_wait3A_1001] : memref<1000000x32xf32, #tpu.memory_space<hbm>> -> memref<1x32xf32, #tpu.memory_space<hbm>>
      %dma_wait3A_1003 = arith.constant 13 : i32
      %dma_wait3A_1004 = arith.constant 0 : i32
      %dma_wait3A_1005 = tpu.memref_slice %arg14[%dma_wait3A_1003, %dma_wait3A_1004] : memref<16x32xf32, #tpu.memory_space<vmem>> -> memref<1x32xf32, #tpu.memory_space<vmem>>
      %dma_wait3A_1006 = arith.constant 0 : i32
      %dma_wait3A_1007 = tpu.memref_slice %arg6[%squeeze3A_506, %dma_wait3A_1006] : memref<1000000x32xf32, #tpu.memory_space<hbm>> -> memref<1x32xf32, #tpu.memory_space<hbm>>
      tpu.wait_dma2 semaphore(%arg17 : memref<!tpu.dma_semaphore, #tpu.memory_space<semaphore_mem>>) src(%dma_wait3A_1007 : memref<1x32xf32, #tpu.memory_space<hbm>>) dst(%dma_wait3A_1005 : memref<1x32xf32, #tpu.memory_space<vmem>>)
      %dma_wait3A_1008 = arith.constant 14 : i32
      %dma_wait3A_1009 = arith.constant 0 : i32
      %dma_wait3A_1010 = tpu.memref_slice %arg12[%dma_wait3A_1008, %dma_wait3A_1009] : memref<16x32xf32, #tpu.memory_space<vmem>> -> memref<1x32xf32, #tpu.memory_space<vmem>>
      %dma_wait3A_1011 = arith.constant 0 : i32
      %dma_wait3A_1012 = tpu.memref_slice %arg5[%squeeze3A_518, %dma_wait3A_1011] : memref<1000000x32xf32, #tpu.memory_space<hbm>> -> memref<1x32xf32, #tpu.memory_space<hbm>>
      %dma_wait3A_1013 = arith.constant 14 : i32
      %dma_wait3A_1014 = arith.constant 0 : i32
      %dma_wait3A_1015 = tpu.memref_slice %arg12[%dma_wait3A_1013, %dma_wait3A_1014] : memref<16x32xf32, #tpu.memory_space<vmem>> -> memref<1x32xf32, #tpu.memory_space<vmem>>
      %dma_wait3A_1016 = arith.constant 0 : i32
      %dma_wait3A_1017 = tpu.memref_slice %arg5[%squeeze3A_518, %dma_wait3A_1016] : memref<1000000x32xf32, #tpu.memory_space<hbm>> -> memref<1x32xf32, #tpu.memory_space<hbm>>
      tpu.wait_dma2 semaphore(%arg17 : memref<!tpu.dma_semaphore, #tpu.memory_space<semaphore_mem>>) src(%dma_wait3A_1017 : memref<1x32xf32, #tpu.memory_space<hbm>>) dst(%dma_wait3A_1015 : memref<1x32xf32, #tpu.memory_space<vmem>>)
      %dma_wait3A_1018 = arith.constant 14 : i32
      %dma_wait3A_1019 = arith.constant 0 : i32
      %dma_wait3A_1020 = tpu.memref_slice %arg13[%dma_wait3A_1018, %dma_wait3A_1019] : memref<16x32xf32, #tpu.memory_space<vmem>> -> memref<1x32xf32, #tpu.memory_space<vmem>>
      %dma_wait3A_1021 = arith.constant 0 : i32
      %dma_wait3A_1022 = tpu.memref_slice %arg6[%squeeze3A_530, %dma_wait3A_1021] : memref<1000000x32xf32, #tpu.memory_space<hbm>> -> memref<1x32xf32, #tpu.memory_space<hbm>>
      %dma_wait3A_1023 = arith.constant 14 : i32
      %dma_wait3A_1024 = arith.constant 0 : i32
      %dma_wait3A_1025 = tpu.memref_slice %arg13[%dma_wait3A_1023, %dma_wait3A_1024] : memref<16x32xf32, #tpu.memory_space<vmem>> -> memref<1x32xf32, #tpu.memory_space<vmem>>
      %dma_wait3A_1026 = arith.constant 0 : i32
      %dma_wait3A_1027 = tpu.memref_slice %arg6[%squeeze3A_530, %dma_wait3A_1026] : memref<1000000x32xf32, #tpu.memory_space<hbm>> -> memref<1x32xf32, #tpu.memory_space<hbm>>
      tpu.wait_dma2 semaphore(%arg17 : memref<!tpu.dma_semaphore, #tpu.memory_space<semaphore_mem>>) src(%dma_wait3A_1027 : memref<1x32xf32, #tpu.memory_space<hbm>>) dst(%dma_wait3A_1025 : memref<1x32xf32, #tpu.memory_space<vmem>>)
      %dma_wait3A_1028 = arith.constant 14 : i32
      %dma_wait3A_1029 = arith.constant 0 : i32
      %dma_wait3A_1030 = tpu.memref_slice %arg14[%dma_wait3A_1028, %dma_wait3A_1029] : memref<16x32xf32, #tpu.memory_space<vmem>> -> memref<1x32xf32, #tpu.memory_space<vmem>>
      %dma_wait3A_1031 = arith.constant 0 : i32
      %dma_wait3A_1032 = tpu.memref_slice %arg6[%squeeze3A_542, %dma_wait3A_1031] : memref<1000000x32xf32, #tpu.memory_space<hbm>> -> memref<1x32xf32, #tpu.memory_space<hbm>>
      %dma_wait3A_1033 = arith.constant 14 : i32
      %dma_wait3A_1034 = arith.constant 0 : i32
      %dma_wait3A_1035 = tpu.memref_slice %arg14[%dma_wait3A_1033, %dma_wait3A_1034] : memref<16x32xf32, #tpu.memory_space<vmem>> -> memref<1x32xf32, #tpu.memory_space<vmem>>
      %dma_wait3A_1036 = arith.constant 0 : i32
      %dma_wait3A_1037 = tpu.memref_slice %arg6[%squeeze3A_542, %dma_wait3A_1036] : memref<1000000x32xf32, #tpu.memory_space<hbm>> -> memref<1x32xf32, #tpu.memory_space<hbm>>
      tpu.wait_dma2 semaphore(%arg17 : memref<!tpu.dma_semaphore, #tpu.memory_space<semaphore_mem>>) src(%dma_wait3A_1037 : memref<1x32xf32, #tpu.memory_space<hbm>>) dst(%dma_wait3A_1035 : memref<1x32xf32, #tpu.memory_space<vmem>>)
      %dma_wait3A_1038 = arith.constant 15 : i32
      %dma_wait3A_1039 = arith.constant 0 : i32
      %dma_wait3A_1040 = tpu.memref_slice %arg12[%dma_wait3A_1038, %dma_wait3A_1039] : memref<16x32xf32, #tpu.memory_space<vmem>> -> memref<1x32xf32, #tpu.memory_space<vmem>>
      %dma_wait3A_1041 = arith.constant 0 : i32
      %dma_wait3A_1042 = tpu.memref_slice %arg5[%squeeze3A_554, %dma_wait3A_1041] : memref<1000000x32xf32, #tpu.memory_space<hbm>> -> memref<1x32xf32, #tpu.memory_space<hbm>>
      %dma_wait3A_1043 = arith.constant 15 : i32
      %dma_wait3A_1044 = arith.constant 0 : i32
      %dma_wait3A_1045 = tpu.memref_slice %arg12[%dma_wait3A_1043, %dma_wait3A_1044] : memref<16x32xf32, #tpu.memory_space<vmem>> -> memref<1x32xf32, #tpu.memory_space<vmem>>
      %dma_wait3A_1046 = arith.constant 0 : i32
      %dma_wait3A_1047 = tpu.memref_slice %arg5[%squeeze3A_554, %dma_wait3A_1046] : memref<1000000x32xf32, #tpu.memory_space<hbm>> -> memref<1x32xf32, #tpu.memory_space<hbm>>
      tpu.wait_dma2 semaphore(%arg17 : memref<!tpu.dma_semaphore, #tpu.memory_space<semaphore_mem>>) src(%dma_wait3A_1047 : memref<1x32xf32, #tpu.memory_space<hbm>>) dst(%dma_wait3A_1045 : memref<1x32xf32, #tpu.memory_space<vmem>>)
      %dma_wait3A_1048 = arith.constant 15 : i32
      %dma_wait3A_1049 = arith.constant 0 : i32
      %dma_wait3A_1050 = tpu.memref_slice %arg13[%dma_wait3A_1048, %dma_wait3A_1049] : memref<16x32xf32, #tpu.memory_space<vmem>> -> memref<1x32xf32, #tpu.memory_space<vmem>>
      %dma_wait3A_1051 = arith.constant 0 : i32
      %dma_wait3A_1052 = tpu.memref_slice %arg6[%squeeze3A_566, %dma_wait3A_1051] : memref<1000000x32xf32, #tpu.memory_space<hbm>> -> memref<1x32xf32, #tpu.memory_space<hbm>>
      %dma_wait3A_1053 = arith.constant 15 : i32
      %dma_wait3A_1054 = arith.constant 0 : i32
      %dma_wait3A_1055 = tpu.memref_slice %arg13[%dma_wait3A_1053, %dma_wait3A_1054] : memref<16x32xf32, #tpu.memory_space<vmem>> -> memref<1x32xf32, #tpu.memory_space<vmem>>
      %dma_wait3A_1056 = arith.constant 0 : i32
      %dma_wait3A_1057 = tpu.memref_slice %arg6[%squeeze3A_566, %dma_wait3A_1056] : memref<1000000x32xf32, #tpu.memory_space<hbm>> -> memref<1x32xf32, #tpu.memory_space<hbm>>
      tpu.wait_dma2 semaphore(%arg17 : memref<!tpu.dma_semaphore, #tpu.memory_space<semaphore_mem>>) src(%dma_wait3A_1057 : memref<1x32xf32, #tpu.memory_space<hbm>>) dst(%dma_wait3A_1055 : memref<1x32xf32, #tpu.memory_space<vmem>>)
      %dma_wait3A_1058 = arith.constant 15 : i32
      %dma_wait3A_1059 = arith.constant 0 : i32
      %dma_wait3A_1060 = tpu.memref_slice %arg14[%dma_wait3A_1058, %dma_wait3A_1059] : memref<16x32xf32, #tpu.memory_space<vmem>> -> memref<1x32xf32, #tpu.memory_space<vmem>>
      %dma_wait3A_1061 = arith.constant 0 : i32
      %dma_wait3A_1062 = tpu.memref_slice %arg6[%squeeze3A_578, %dma_wait3A_1061] : memref<1000000x32xf32, #tpu.memory_space<hbm>> -> memref<1x32xf32, #tpu.memory_space<hbm>>
      %dma_wait3A_1063 = arith.constant 15 : i32
      %dma_wait3A_1064 = arith.constant 0 : i32
      %dma_wait3A_1065 = tpu.memref_slice %arg14[%dma_wait3A_1063, %dma_wait3A_1064] : memref<16x32xf32, #tpu.memory_space<vmem>> -> memref<1x32xf32, #tpu.memory_space<vmem>>
      %dma_wait3A_1066 = arith.constant 0 : i32
      %dma_wait3A_1067 = tpu.memref_slice %arg6[%squeeze3A_578, %dma_wait3A_1066] : memref<1000000x32xf32, #tpu.memory_space<hbm>> -> memref<1x32xf32, #tpu.memory_space<hbm>>
      tpu.wait_dma2 semaphore(%arg17 : memref<!tpu.dma_semaphore, #tpu.memory_space<semaphore_mem>>) src(%dma_wait3A_1067 : memref<1x32xf32, #tpu.memory_space<hbm>>) dst(%dma_wait3A_1065 : memref<1x32xf32, #tpu.memory_space<vmem>>)
      %broadcast_in_dim3A_1068 = arith.constant 0 : i32
      %broadcast_in_dim3A_1069 = vector.broadcast %broadcast_in_dim3A_1068 : i32 to vector<16xi32>
      %gather3A = tpu.vector_load_idx %arg12[%iota3A, %broadcast_in_dim3A_1069] : memref<16x32xf32, #tpu.memory_space<vmem>>[vector<16xi32>, vector<16xi32>], vector<16xf32>,
      %gather3A_1070 = tpu.vector_load_idx %arg13[%iota3A, %broadcast_in_dim3A_1069] : memref<16x32xf32, #tpu.memory_space<vmem>>[vector<16xi32>, vector<16xi32>], vector<16xf32>,
      %gather3A_1071 = tpu.vector_load_idx %arg14[%iota3A, %broadcast_in_dim3A_1069] : memref<16x32xf32, #tpu.memory_space<vmem>>[vector<16xi32>, vector<16xi32>], vector<16xf32>,
      %sub3A = arith.subf %gather3A_1070, %gather3A_1071 : vector<16xf32>
      %mul3A_1072 = arith.mulf %gather3A, %sub3A : vector<16xf32>
      %add3A_1073 = arith.addf %broadcast_in_dim3A_3, %mul3A_1072 : vector<16xf32>
      %mul3A_1074 = arith.mulf %gather3A, %gather3A : vector<16xf32>
      %add3A_1075 = arith.addf %broadcast_in_dim3A_3, %mul3A_1074 : vector<16xf32>
      %mul3A_1076 = arith.mulf %gather3A_1070, %gather3A_1070 : vector<16xf32>
      %add3A_1077 = arith.addf %broadcast_in_dim3A_3, %mul3A_1076 : vector<16xf32>
      %mul3A_1078 = arith.mulf %gather3A_1071, %gather3A_1071 : vector<16xf32>
      %add3A_1079 = arith.addf %broadcast_in_dim3A_3, %mul3A_1078 : vector<16xf32>
      %broadcast_in_dim3A_1080 = arith.constant 1 : i32
      %broadcast_in_dim3A_1081 = vector.broadcast %broadcast_in_dim3A_1080 : i32 to vector<16xi32>
      %gather3A_1082 = tpu.vector_load_idx %arg12[%iota3A, %broadcast_in_dim3A_1081] : memref<16x32xf32, #tpu.memory_space<vmem>>[vector<16xi32>, vector<16xi32>], vector<16xf32>,
      %gather3A_1083 = tpu.vector_load_idx %arg13[%iota3A, %broadcast_in_dim3A_1081] : memref<16x32xf32, #tpu.memory_space<vmem>>[vector<16xi32>, vector<16xi32>], vector<16xf32>,
      %gather3A_1084 = tpu.vector_load_idx %arg14[%iota3A, %broadcast_in_dim3A_1081] : memref<16x32xf32, #tpu.memory_space<vmem>>[vector<16xi32>, vector<16xi32>], vector<16xf32>,
      %sub3A_1085 = arith.subf %gather3A_1083, %gather3A_1084 : vector<16xf32>
      %mul3A_1086 = arith.mulf %gather3A_1082, %sub3A_1085 : vector<16xf32>
      %add3A_1087 = arith.addf %add3A_1073, %mul3A_1086 : vector<16xf32>
      %mul3A_1088 = arith.mulf %gather3A_1082, %gather3A_1082 : vector<16xf32>
      %add3A_1089 = arith.addf %add3A_1075, %mul3A_1088 : vector<16xf32>
      %mul3A_1090 = arith.mulf %gather3A_1083, %gather3A_1083 : vector<16xf32>
      %add3A_1091 = arith.addf %add3A_1077, %mul3A_1090 : vector<16xf32>
      %mul3A_1092 = arith.mulf %gather3A_1084, %gather3A_1084 : vector<16xf32>
      %add3A_1093 = arith.addf %add3A_1079, %mul3A_1092 : vector<16xf32>
      %broadcast_in_dim3A_1094 = arith.constant 2 : i32
      %broadcast_in_dim3A_1095 = vector.broadcast %broadcast_in_dim3A_1094 : i32 to vector<16xi32>
      %gather3A_1096 = tpu.vector_load_idx %arg12[%iota3A, %broadcast_in_dim3A_1095] : memref<16x32xf32, #tpu.memory_space<vmem>>[vector<16xi32>, vector<16xi32>], vector<16xf32>,
      %gather3A_1097 = tpu.vector_load_idx %arg13[%iota3A, %broadcast_in_dim3A_1095] : memref<16x32xf32, #tpu.memory_space<vmem>>[vector<16xi32>, vector<16xi32>], vector<16xf32>,
      %gather3A_1098 = tpu.vector_load_idx %arg14[%iota3A, %broadcast_in_dim3A_1095] : memref<16x32xf32, #tpu.memory_space<vmem>>[vector<16xi32>, vector<16xi32>], vector<16xf32>,
      %sub3A_1099 = arith.subf %gather3A_1097, %gather3A_1098 : vector<16xf32>
      %mul3A_1100 = arith.mulf %gather3A_1096, %sub3A_1099 : vector<16xf32>
      %add3A_1101 = arith.addf %add3A_1087, %mul3A_1100 : vector<16xf32>
      %mul3A_1102 = arith.mulf %gather3A_1096, %gather3A_1096 : vector<16xf32>
      %add3A_1103 = arith.addf %add3A_1089, %mul3A_1102 : vector<16xf32>
      %mul3A_1104 = arith.mulf %gather3A_1097, %gather3A_1097 : vector<16xf32>
      %add3A_1105 = arith.addf %add3A_1091, %mul3A_1104 : vector<16xf32>
      %mul3A_1106 = arith.mulf %gather3A_1098, %gather3A_1098 : vector<16xf32>
      %add3A_1107 = arith.addf %add3A_1093, %mul3A_1106 : vector<16xf32>
      %broadcast_in_dim3A_1108 = arith.constant 3 : i32
      %broadcast_in_dim3A_1109 = vector.broadcast %broadcast_in_dim3A_1108 : i32 to vector<16xi32>
      %gather3A_1110 = tpu.vector_load_idx %arg12[%iota3A, %broadcast_in_dim3A_1109] : memref<16x32xf32, #tpu.memory_space<vmem>>[vector<16xi32>, vector<16xi32>], vector<16xf32>,
      %gather3A_1111 = tpu.vector_load_idx %arg13[%iota3A, %broadcast_in_dim3A_1109] : memref<16x32xf32, #tpu.memory_space<vmem>>[vector<16xi32>, vector<16xi32>], vector<16xf32>,
      %gather3A_1112 = tpu.vector_load_idx %arg14[%iota3A, %broadcast_in_dim3A_1109] : memref<16x32xf32, #tpu.memory_space<vmem>>[vector<16xi32>, vector<16xi32>], vector<16xf32>,
      %sub3A_1113 = arith.subf %gather3A_1111, %gather3A_1112 : vector<16xf32>
      %mul3A_1114 = arith.mulf %gather3A_1110, %sub3A_1113 : vector<16xf32>
      %add3A_1115 = arith.addf %add3A_1101, %mul3A_1114 : vector<16xf32>
      %mul3A_1116 = arith.mulf %gather3A_1110, %gather3A_1110 : vector<16xf32>
      %add3A_1117 = arith.addf %add3A_1103, %mul3A_1116 : vector<16xf32>
      %mul3A_1118 = arith.mulf %gather3A_1111, %gather3A_1111 : vector<16xf32>
      %add3A_1119 = arith.addf %add3A_1105, %mul3A_1118 : vector<16xf32>
      %mul3A_1120 = arith.mulf %gather3A_1112, %gather3A_1112 : vector<16xf32>
      %add3A_1121 = arith.addf %add3A_1107, %mul3A_1120 : vector<16xf32>
      %broadcast_in_dim3A_1122 = arith.constant 4 : i32
      %broadcast_in_dim3A_1123 = vector.broadcast %broadcast_in_dim3A_1122 : i32 to vector<16xi32>
      %gather3A_1124 = tpu.vector_load_idx %arg12[%iota3A, %broadcast_in_dim3A_1123] : memref<16x32xf32, #tpu.memory_space<vmem>>[vector<16xi32>, vector<16xi32>], vector<16xf32>,
      %gather3A_1125 = tpu.vector_load_idx %arg13[%iota3A, %broadcast_in_dim3A_1123] : memref<16x32xf32, #tpu.memory_space<vmem>>[vector<16xi32>, vector<16xi32>], vector<16xf32>,
      %gather3A_1126 = tpu.vector_load_idx %arg14[%iota3A, %broadcast_in_dim3A_1123] : memref<16x32xf32, #tpu.memory_space<vmem>>[vector<16xi32>, vector<16xi32>], vector<16xf32>,
      %sub3A_1127 = arith.subf %gather3A_1125, %gather3A_1126 : vector<16xf32>
      %mul3A_1128 = arith.mulf %gather3A_1124, %sub3A_1127 : vector<16xf32>
      %add3A_1129 = arith.addf %add3A_1115, %mul3A_1128 : vector<16xf32>
      %mul3A_1130 = arith.mulf %gather3A_1124, %gather3A_1124 : vector<16xf32>
      %add3A_1131 = arith.addf %add3A_1117, %mul3A_1130 : vector<16xf32>
      %mul3A_1132 = arith.mulf %gather3A_1125, %gather3A_1125 : vector<16xf32>
      %add3A_1133 = arith.addf %add3A_1119, %mul3A_1132 : vector<16xf32>
      %mul3A_1134 = arith.mulf %gather3A_1126, %gather3A_1126 : vector<16xf32>
      %add3A_1135 = arith.addf %add3A_1121, %mul3A_1134 : vector<16xf32>
      %broadcast_in_dim3A_1136 = arith.constant 5 : i32
      %broadcast_in_dim3A_1137 = vector.broadcast %broadcast_in_dim3A_1136 : i32 to vector<16xi32>
      %gather3A_1138 = tpu.vector_load_idx %arg12[%iota3A, %broadcast_in_dim3A_1137] : memref<16x32xf32, #tpu.memory_space<vmem>>[vector<16xi32>, vector<16xi32>], vector<16xf32>,
      %gather3A_1139 = tpu.vector_load_idx %arg13[%iota3A, %broadcast_in_dim3A_1137] : memref<16x32xf32, #tpu.memory_space<vmem>>[vector<16xi32>, vector<16xi32>], vector<16xf32>,
      %gather3A_1140 = tpu.vector_load_idx %arg14[%iota3A, %broadcast_in_dim3A_1137] : memref<16x32xf32, #tpu.memory_space<vmem>>[vector<16xi32>, vector<16xi32>], vector<16xf32>,
      %sub3A_1141 = arith.subf %gather3A_1139, %gather3A_1140 : vector<16xf32>
      %mul3A_1142 = arith.mulf %gather3A_1138, %sub3A_1141 : vector<16xf32>
      %add3A_1143 = arith.addf %add3A_1129, %mul3A_1142 : vector<16xf32>
      %mul3A_1144 = arith.mulf %gather3A_1138, %gather3A_1138 : vector<16xf32>
      %add3A_1145 = arith.addf %add3A_1131, %mul3A_1144 : vector<16xf32>
      %mul3A_1146 = arith.mulf %gather3A_1139, %gather3A_1139 : vector<16xf32>
      %add3A_1147 = arith.addf %add3A_1133, %mul3A_1146 : vector<16xf32>
      %mul3A_1148 = arith.mulf %gather3A_1140, %gather3A_1140 : vector<16xf32>
      %add3A_1149 = arith.addf %add3A_1135, %mul3A_1148 : vector<16xf32>
      %broadcast_in_dim3A_1150 = arith.constant 6 : i32
      %broadcast_in_dim3A_1151 = vector.broadcast %broadcast_in_dim3A_1150 : i32 to vector<16xi32>
      %gather3A_1152 = tpu.vector_load_idx %arg12[%iota3A, %broadcast_in_dim3A_1151] : memref<16x32xf32, #tpu.memory_space<vmem>>[vector<16xi32>, vector<16xi32>], vector<16xf32>,
      %gather3A_1153 = tpu.vector_load_idx %arg13[%iota3A, %broadcast_in_dim3A_1151] : memref<16x32xf32, #tpu.memory_space<vmem>>[vector<16xi32>, vector<16xi32>], vector<16xf32>,
      %gather3A_1154 = tpu.vector_load_idx %arg14[%iota3A, %broadcast_in_dim3A_1151] : memref<16x32xf32, #tpu.memory_space<vmem>>[vector<16xi32>, vector<16xi32>], vector<16xf32>,
      %sub3A_1155 = arith.subf %gather3A_1153, %gather3A_1154 : vector<16xf32>
      %mul3A_1156 = arith.mulf %gather3A_1152, %sub3A_1155 : vector<16xf32>
      %add3A_1157 = arith.addf %add3A_1143, %mul3A_1156 : vector<16xf32>
      %mul3A_1158 = arith.mulf %gather3A_1152, %gather3A_1152 : vector<16xf32>
      %add3A_1159 = arith.addf %add3A_1145, %mul3A_1158 : vector<16xf32>
      %mul3A_1160 = arith.mulf %gather3A_1153, %gather3A_1153 : vector<16xf32>
      %add3A_1161 = arith.addf %add3A_1147, %mul3A_1160 : vector<16xf32>
      %mul3A_1162 = arith.mulf %gather3A_1154, %gather3A_1154 : vector<16xf32>
      %add3A_1163 = arith.addf %add3A_1149, %mul3A_1162 : vector<16xf32>
      %broadcast_in_dim3A_1164 = arith.constant 7 : i32
      %broadcast_in_dim3A_1165 = vector.broadcast %broadcast_in_dim3A_1164 : i32 to vector<16xi32>
      %gather3A_1166 = tpu.vector_load_idx %arg12[%iota3A, %broadcast_in_dim3A_1165] : memref<16x32xf32, #tpu.memory_space<vmem>>[vector<16xi32>, vector<16xi32>], vector<16xf32>,
      %gather3A_1167 = tpu.vector_load_idx %arg13[%iota3A, %broadcast_in_dim3A_1165] : memref<16x32xf32, #tpu.memory_space<vmem>>[vector<16xi32>, vector<16xi32>], vector<16xf32>,
      %gather3A_1168 = tpu.vector_load_idx %arg14[%iota3A, %broadcast_in_dim3A_1165] : memref<16x32xf32, #tpu.memory_space<vmem>>[vector<16xi32>, vector<16xi32>], vector<16xf32>,
      %sub3A_1169 = arith.subf %gather3A_1167, %gather3A_1168 : vector<16xf32>
      %mul3A_1170 = arith.mulf %gather3A_1166, %sub3A_1169 : vector<16xf32>
      %add3A_1171 = arith.addf %add3A_1157, %mul3A_1170 : vector<16xf32>
      %mul3A_1172 = arith.mulf %gather3A_1166, %gather3A_1166 : vector<16xf32>
      %add3A_1173 = arith.addf %add3A_1159, %mul3A_1172 : vector<16xf32>
      %mul3A_1174 = arith.mulf %gather3A_1167, %gather3A_1167 : vector<16xf32>
      %add3A_1175 = arith.addf %add3A_1161, %mul3A_1174 : vector<16xf32>
      %mul3A_1176 = arith.mulf %gather3A_1168, %gather3A_1168 : vector<16xf32>
      %add3A_1177 = arith.addf %add3A_1163, %mul3A_1176 : vector<16xf32>
      %broadcast_in_dim3A_1178 = arith.constant 8 : i32
      %broadcast_in_dim3A_1179 = vector.broadcast %broadcast_in_dim3A_1178 : i32 to vector<16xi32>
      %gather3A_1180 = tpu.vector_load_idx %arg12[%iota3A, %broadcast_in_dim3A_1179] : memref<16x32xf32, #tpu.memory_space<vmem>>[vector<16xi32>, vector<16xi32>], vector<16xf32>,
      %gather3A_1181 = tpu.vector_load_idx %arg13[%iota3A, %broadcast_in_dim3A_1179] : memref<16x32xf32, #tpu.memory_space<vmem>>[vector<16xi32>, vector<16xi32>], vector<16xf32>,
      %gather3A_1182 = tpu.vector_load_idx %arg14[%iota3A, %broadcast_in_dim3A_1179] : memref<16x32xf32, #tpu.memory_space<vmem>>[vector<16xi32>, vector<16xi32>], vector<16xf32>,
      %sub3A_1183 = arith.subf %gather3A_1181, %gather3A_1182 : vector<16xf32>
      %mul3A_1184 = arith.mulf %gather3A_1180, %sub3A_1183 : vector<16xf32>
      %add3A_1185 = arith.addf %add3A_1171, %mul3A_1184 : vector<16xf32>
      %mul3A_1186 = arith.mulf %gather3A_1180, %gather3A_1180 : vector<16xf32>
      %add3A_1187 = arith.addf %add3A_1173, %mul3A_1186 : vector<16xf32>
      %mul3A_1188 = arith.mulf %gather3A_1181, %gather3A_1181 : vector<16xf32>
      %add3A_1189 = arith.addf %add3A_1175, %mul3A_1188 : vector<16xf32>
      %mul3A_1190 = arith.mulf %gather3A_1182, %gather3A_1182 : vector<16xf32>
      %add3A_1191 = arith.addf %add3A_1177, %mul3A_1190 : vector<16xf32>
      %broadcast_in_dim3A_1192 = arith.constant 9 : i32
      %broadcast_in_dim3A_1193 = vector.broadcast %broadcast_in_dim3A_1192 : i32 to vector<16xi32>
      %gather3A_1194 = tpu.vector_load_idx %arg12[%iota3A, %broadcast_in_dim3A_1193] : memref<16x32xf32, #tpu.memory_space<vmem>>[vector<16xi32>, vector<16xi32>], vector<16xf32>,
      %gather3A_1195 = tpu.vector_load_idx %arg13[%iota3A, %broadcast_in_dim3A_1193] : memref<16x32xf32, #tpu.memory_space<vmem>>[vector<16xi32>, vector<16xi32>], vector<16xf32>,
      %gather3A_1196 = tpu.vector_load_idx %arg14[%iota3A, %broadcast_in_dim3A_1193] : memref<16x32xf32, #tpu.memory_space<vmem>>[vector<16xi32>, vector<16xi32>], vector<16xf32>,
      %sub3A_1197 = arith.subf %gather3A_1195, %gather3A_1196 : vector<16xf32>
      %mul3A_1198 = arith.mulf %gather3A_1194, %sub3A_1197 : vector<16xf32>
      %add3A_1199 = arith.addf %add3A_1185, %mul3A_1198 : vector<16xf32>
      %mul3A_1200 = arith.mulf %gather3A_1194, %gather3A_1194 : vector<16xf32>
      %add3A_1201 = arith.addf %add3A_1187, %mul3A_1200 : vector<16xf32>
      %mul3A_1202 = arith.mulf %gather3A_1195, %gather3A_1195 : vector<16xf32>
      %add3A_1203 = arith.addf %add3A_1189, %mul3A_1202 : vector<16xf32>
      %mul3A_1204 = arith.mulf %gather3A_1196, %gather3A_1196 : vector<16xf32>
      %add3A_1205 = arith.addf %add3A_1191, %mul3A_1204 : vector<16xf32>
      %broadcast_in_dim3A_1206 = arith.constant 10 : i32
      %broadcast_in_dim3A_1207 = vector.broadcast %broadcast_in_dim3A_1206 : i32 to vector<16xi32>
      %gather3A_1208 = tpu.vector_load_idx %arg12[%iota3A, %broadcast_in_dim3A_1207] : memref<16x32xf32, #tpu.memory_space<vmem>>[vector<16xi32>, vector<16xi32>], vector<16xf32>,
      %gather3A_1209 = tpu.vector_load_idx %arg13[%iota3A, %broadcast_in_dim3A_1207] : memref<16x32xf32, #tpu.memory_space<vmem>>[vector<16xi32>, vector<16xi32>], vector<16xf32>,
      %gather3A_1210 = tpu.vector_load_idx %arg14[%iota3A, %broadcast_in_dim3A_1207] : memref<16x32xf32, #tpu.memory_space<vmem>>[vector<16xi32>, vector<16xi32>], vector<16xf32>,
      %sub3A_1211 = arith.subf %gather3A_1209, %gather3A_1210 : vector<16xf32>
      %mul3A_1212 = arith.mulf %gather3A_1208, %sub3A_1211 : vector<16xf32>
      %add3A_1213 = arith.addf %add3A_1199, %mul3A_1212 : vector<16xf32>
      %mul3A_1214 = arith.mulf %gather3A_1208, %gather3A_1208 : vector<16xf32>
      %add3A_1215 = arith.addf %add3A_1201, %mul3A_1214 : vector<16xf32>
      %mul3A_1216 = arith.mulf %gather3A_1209, %gather3A_1209 : vector<16xf32>
      %add3A_1217 = arith.addf %add3A_1203, %mul3A_1216 : vector<16xf32>
      %mul3A_1218 = arith.mulf %gather3A_1210, %gather3A_1210 : vector<16xf32>
      %add3A_1219 = arith.addf %add3A_1205, %mul3A_1218 : vector<16xf32>
      %broadcast_in_dim3A_1220 = arith.constant 11 : i32
      %broadcast_in_dim3A_1221 = vector.broadcast %broadcast_in_dim3A_1220 : i32 to vector<16xi32>
      %gather3A_1222 = tpu.vector_load_idx %arg12[%iota3A, %broadcast_in_dim3A_1221] : memref<16x32xf32, #tpu.memory_space<vmem>>[vector<16xi32>, vector<16xi32>], vector<16xf32>,
      %gather3A_1223 = tpu.vector_load_idx %arg13[%iota3A, %broadcast_in_dim3A_1221] : memref<16x32xf32, #tpu.memory_space<vmem>>[vector<16xi32>, vector<16xi32>], vector<16xf32>,
      %gather3A_1224 = tpu.vector_load_idx %arg14[%iota3A, %broadcast_in_dim3A_1221] : memref<16x32xf32, #tpu.memory_space<vmem>>[vector<16xi32>, vector<16xi32>], vector<16xf32>,
      %sub3A_1225 = arith.subf %gather3A_1223, %gather3A_1224 : vector<16xf32>
      %mul3A_1226 = arith.mulf %gather3A_1222, %sub3A_1225 : vector<16xf32>
      %add3A_1227 = arith.addf %add3A_1213, %mul3A_1226 : vector<16xf32>
      %mul3A_1228 = arith.mulf %gather3A_1222, %gather3A_1222 : vector<16xf32>
      %add3A_1229 = arith.addf %add3A_1215, %mul3A_1228 : vector<16xf32>
      %mul3A_1230 = arith.mulf %gather3A_1223, %gather3A_1223 : vector<16xf32>
      %add3A_1231 = arith.addf %add3A_1217, %mul3A_1230 : vector<16xf32>
      %mul3A_1232 = arith.mulf %gather3A_1224, %gather3A_1224 : vector<16xf32>
      %add3A_1233 = arith.addf %add3A_1219, %mul3A_1232 : vector<16xf32>
      %broadcast_in_dim3A_1234 = arith.constant 12 : i32
      %broadcast_in_dim3A_1235 = vector.broadcast %broadcast_in_dim3A_1234 : i32 to vector<16xi32>
      %gather3A_1236 = tpu.vector_load_idx %arg12[%iota3A, %broadcast_in_dim3A_1235] : memref<16x32xf32, #tpu.memory_space<vmem>>[vector<16xi32>, vector<16xi32>], vector<16xf32>,
      %gather3A_1237 = tpu.vector_load_idx %arg13[%iota3A, %broadcast_in_dim3A_1235] : memref<16x32xf32, #tpu.memory_space<vmem>>[vector<16xi32>, vector<16xi32>], vector<16xf32>,
      %gather3A_1238 = tpu.vector_load_idx %arg14[%iota3A, %broadcast_in_dim3A_1235] : memref<16x32xf32, #tpu.memory_space<vmem>>[vector<16xi32>, vector<16xi32>], vector<16xf32>,
      %sub3A_1239 = arith.subf %gather3A_1237, %gather3A_1238 : vector<16xf32>
      %mul3A_1240 = arith.mulf %gather3A_1236, %sub3A_1239 : vector<16xf32>
      %add3A_1241 = arith.addf %add3A_1227, %mul3A_1240 : vector<16xf32>
      %mul3A_1242 = arith.mulf %gather3A_1236, %gather3A_1236 : vector<16xf32>
      %add3A_1243 = arith.addf %add3A_1229, %mul3A_1242 : vector<16xf32>
      %mul3A_1244 = arith.mulf %gather3A_1237, %gather3A_1237 : vector<16xf32>
      %add3A_1245 = arith.addf %add3A_1231, %mul3A_1244 : vector<16xf32>
      %mul3A_1246 = arith.mulf %gather3A_1238, %gather3A_1238 : vector<16xf32>
      %add3A_1247 = arith.addf %add3A_1233, %mul3A_1246 : vector<16xf32>
      %broadcast_in_dim3A_1248 = arith.constant 13 : i32
      %broadcast_in_dim3A_1249 = vector.broadcast %broadcast_in_dim3A_1248 : i32 to vector<16xi32>
      %gather3A_1250 = tpu.vector_load_idx %arg12[%iota3A, %broadcast_in_dim3A_1249] : memref<16x32xf32, #tpu.memory_space<vmem>>[vector<16xi32>, vector<16xi32>], vector<16xf32>,
      %gather3A_1251 = tpu.vector_load_idx %arg13[%iota3A, %broadcast_in_dim3A_1249] : memref<16x32xf32, #tpu.memory_space<vmem>>[vector<16xi32>, vector<16xi32>], vector<16xf32>,
      %gather3A_1252 = tpu.vector_load_idx %arg14[%iota3A, %broadcast_in_dim3A_1249] : memref<16x32xf32, #tpu.memory_space<vmem>>[vector<16xi32>, vector<16xi32>], vector<16xf32>,
      %sub3A_1253 = arith.subf %gather3A_1251, %gather3A_1252 : vector<16xf32>
      %mul3A_1254 = arith.mulf %gather3A_1250, %sub3A_1253 : vector<16xf32>
      %add3A_1255 = arith.addf %add3A_1241, %mul3A_1254 : vector<16xf32>
      %mul3A_1256 = arith.mulf %gather3A_1250, %gather3A_1250 : vector<16xf32>
      %add3A_1257 = arith.addf %add3A_1243, %mul3A_1256 : vector<16xf32>
      %mul3A_1258 = arith.mulf %gather3A_1251, %gather3A_1251 : vector<16xf32>
      %add3A_1259 = arith.addf %add3A_1245, %mul3A_1258 : vector<16xf32>
      %mul3A_1260 = arith.mulf %gather3A_1252, %gather3A_1252 : vector<16xf32>
      %add3A_1261 = arith.addf %add3A_1247, %mul3A_1260 : vector<16xf32>
      %broadcast_in_dim3A_1262 = arith.constant 14 : i32
      %broadcast_in_dim3A_1263 = vector.broadcast %broadcast_in_dim3A_1262 : i32 to vector<16xi32>
      %gather3A_1264 = tpu.vector_load_idx %arg12[%iota3A, %broadcast_in_dim3A_1263] : memref<16x32xf32, #tpu.memory_space<vmem>>[vector<16xi32>, vector<16xi32>], vector<16xf32>,
      %gather3A_1265 = tpu.vector_load_idx %arg13[%iota3A, %broadcast_in_dim3A_1263] : memref<16x32xf32, #tpu.memory_space<vmem>>[vector<16xi32>, vector<16xi32>], vector<16xf32>,
      %gather3A_1266 = tpu.vector_load_idx %arg14[%iota3A, %broadcast_in_dim3A_1263] : memref<16x32xf32, #tpu.memory_space<vmem>>[vector<16xi32>, vector<16xi32>], vector<16xf32>,
      %sub3A_1267 = arith.subf %gather3A_1265, %gather3A_1266 : vector<16xf32>
      %mul3A_1268 = arith.mulf %gather3A_1264, %sub3A_1267 : vector<16xf32>
      %add3A_1269 = arith.addf %add3A_1255, %mul3A_1268 : vector<16xf32>
      %mul3A_1270 = arith.mulf %gather3A_1264, %gather3A_1264 : vector<16xf32>
      %add3A_1271 = arith.addf %add3A_1257, %mul3A_1270 : vector<16xf32>
      %mul3A_1272 = arith.mulf %gather3A_1265, %gather3A_1265 : vector<16xf32>
      %add3A_1273 = arith.addf %add3A_1259, %mul3A_1272 : vector<16xf32>
      %mul3A_1274 = arith.mulf %gather3A_1266, %gather3A_1266 : vector<16xf32>
      %add3A_1275 = arith.addf %add3A_1261, %mul3A_1274 : vector<16xf32>
      %broadcast_in_dim3A_1276 = arith.constant 15 : i32
      %broadcast_in_dim3A_1277 = vector.broadcast %broadcast_in_dim3A_1276 : i32 to vector<16xi32>
      %gather3A_1278 = tpu.vector_load_idx %arg12[%iota3A, %broadcast_in_dim3A_1277] : memref<16x32xf32, #tpu.memory_space<vmem>>[vector<16xi32>, vector<16xi32>], vector<16xf32>,
      %gather3A_1279 = tpu.vector_load_idx %arg13[%iota3A, %broadcast_in_dim3A_1277] : memref<16x32xf32, #tpu.memory_space<vmem>>[vector<16xi32>, vector<16xi32>], vector<16xf32>,
      %gather3A_1280 = tpu.vector_load_idx %arg14[%iota3A, %broadcast_in_dim3A_1277] : memref<16x32xf32, #tpu.memory_space<vmem>>[vector<16xi32>, vector<16xi32>], vector<16xf32>,
      %sub3A_1281 = arith.subf %gather3A_1279, %gather3A_1280 : vector<16xf32>
      %mul3A_1282 = arith.mulf %gather3A_1278, %sub3A_1281 : vector<16xf32>
      %add3A_1283 = arith.addf %add3A_1269, %mul3A_1282 : vector<16xf32>
      %mul3A_1284 = arith.mulf %gather3A_1278, %gather3A_1278 : vector<16xf32>
      %add3A_1285 = arith.addf %add3A_1271, %mul3A_1284 : vector<16xf32>
      %mul3A_1286 = arith.mulf %gather3A_1279, %gather3A_1279 : vector<16xf32>
      %add3A_1287 = arith.addf %add3A_1273, %mul3A_1286 : vector<16xf32>
      %mul3A_1288 = arith.mulf %gather3A_1280, %gather3A_1280 : vector<16xf32>
      %add3A_1289 = arith.addf %add3A_1275, %mul3A_1288 : vector<16xf32>
      %broadcast_in_dim3A_1290 = arith.constant 16 : i32
      %broadcast_in_dim3A_1291 = vector.broadcast %broadcast_in_dim3A_1290 : i32 to vector<16xi32>
      %gather3A_1292 = tpu.vector_load_idx %arg12[%iota3A, %broadcast_in_dim3A_1291] : memref<16x32xf32, #tpu.memory_space<vmem>>[vector<16xi32>, vector<16xi32>], vector<16xf32>,
      %gather3A_1293 = tpu.vector_load_idx %arg13[%iota3A, %broadcast_in_dim3A_1291] : memref<16x32xf32, #tpu.memory_space<vmem>>[vector<16xi32>, vector<16xi32>], vector<16xf32>,
      %gather3A_1294 = tpu.vector_load_idx %arg14[%iota3A, %broadcast_in_dim3A_1291] : memref<16x32xf32, #tpu.memory_space<vmem>>[vector<16xi32>, vector<16xi32>], vector<16xf32>,
      %sub3A_1295 = arith.subf %gather3A_1293, %gather3A_1294 : vector<16xf32>
      %mul3A_1296 = arith.mulf %gather3A_1292, %sub3A_1295 : vector<16xf32>
      %add3A_1297 = arith.addf %add3A_1283, %mul3A_1296 : vector<16xf32>
      %mul3A_1298 = arith.mulf %gather3A_1292, %gather3A_1292 : vector<16xf32>
      %add3A_1299 = arith.addf %add3A_1285, %mul3A_1298 : vector<16xf32>
      %mul3A_1300 = arith.mulf %gather3A_1293, %gather3A_1293 : vector<16xf32>
      %add3A_1301 = arith.addf %add3A_1287, %mul3A_1300 : vector<16xf32>
      %mul3A_1302 = arith.mulf %gather3A_1294, %gather3A_1294 : vector<16xf32>
      %add3A_1303 = arith.addf %add3A_1289, %mul3A_1302 : vector<16xf32>
      %broadcast_in_dim3A_1304 = arith.constant 17 : i32
      %broadcast_in_dim3A_1305 = vector.broadcast %broadcast_in_dim3A_1304 : i32 to vector<16xi32>
      %gather3A_1306 = tpu.vector_load_idx %arg12[%iota3A, %broadcast_in_dim3A_1305] : memref<16x32xf32, #tpu.memory_space<vmem>>[vector<16xi32>, vector<16xi32>], vector<16xf32>,
      %gather3A_1307 = tpu.vector_load_idx %arg13[%iota3A, %broadcast_in_dim3A_1305] : memref<16x32xf32, #tpu.memory_space<vmem>>[vector<16xi32>, vector<16xi32>], vector<16xf32>,
      %gather3A_1308 = tpu.vector_load_idx %arg14[%iota3A, %broadcast_in_dim3A_1305] : memref<16x32xf32, #tpu.memory_space<vmem>>[vector<16xi32>, vector<16xi32>], vector<16xf32>,
      %sub3A_1309 = arith.subf %gather3A_1307, %gather3A_1308 : vector<16xf32>
      %mul3A_1310 = arith.mulf %gather3A_1306, %sub3A_1309 : vector<16xf32>
      %add3A_1311 = arith.addf %add3A_1297, %mul3A_1310 : vector<16xf32>
      %mul3A_1312 = arith.mulf %gather3A_1306, %gather3A_1306 : vector<16xf32>
      %add3A_1313 = arith.addf %add3A_1299, %mul3A_1312 : vector<16xf32>
      %mul3A_1314 = arith.mulf %gather3A_1307, %gather3A_1307 : vector<16xf32>
      %add3A_1315 = arith.addf %add3A_1301, %mul3A_1314 : vector<16xf32>
      %mul3A_1316 = arith.mulf %gather3A_1308, %gather3A_1308 : vector<16xf32>
      %add3A_1317 = arith.addf %add3A_1303, %mul3A_1316 : vector<16xf32>
      %broadcast_in_dim3A_1318 = arith.constant 18 : i32
      %broadcast_in_dim3A_1319 = vector.broadcast %broadcast_in_dim3A_1318 : i32 to vector<16xi32>
      %gather3A_1320 = tpu.vector_load_idx %arg12[%iota3A, %broadcast_in_dim3A_1319] : memref<16x32xf32, #tpu.memory_space<vmem>>[vector<16xi32>, vector<16xi32>], vector<16xf32>,
      %gather3A_1321 = tpu.vector_load_idx %arg13[%iota3A, %broadcast_in_dim3A_1319] : memref<16x32xf32, #tpu.memory_space<vmem>>[vector<16xi32>, vector<16xi32>], vector<16xf32>,
      %gather3A_1322 = tpu.vector_load_idx %arg14[%iota3A, %broadcast_in_dim3A_1319] : memref<16x32xf32, #tpu.memory_space<vmem>>[vector<16xi32>, vector<16xi32>], vector<16xf32>,
      %sub3A_1323 = arith.subf %gather3A_1321, %gather3A_1322 : vector<16xf32>
      %mul3A_1324 = arith.mulf %gather3A_1320, %sub3A_1323 : vector<16xf32>
      %add3A_1325 = arith.addf %add3A_1311, %mul3A_1324 : vector<16xf32>
      %mul3A_1326 = arith.mulf %gather3A_1320, %gather3A_1320 : vector<16xf32>
      %add3A_1327 = arith.addf %add3A_1313, %mul3A_1326 : vector<16xf32>
      %mul3A_1328 = arith.mulf %gather3A_1321, %gather3A_1321 : vector<16xf32>
      %add3A_1329 = arith.addf %add3A_1315, %mul3A_1328 : vector<16xf32>
      %mul3A_1330 = arith.mulf %gather3A_1322, %gather3A_1322 : vector<16xf32>
      %add3A_1331 = arith.addf %add3A_1317, %mul3A_1330 : vector<16xf32>
      %broadcast_in_dim3A_1332 = arith.constant 19 : i32
      %broadcast_in_dim3A_1333 = vector.broadcast %broadcast_in_dim3A_1332 : i32 to vector<16xi32>
      %gather3A_1334 = tpu.vector_load_idx %arg12[%iota3A, %broadcast_in_dim3A_1333] : memref<16x32xf32, #tpu.memory_space<vmem>>[vector<16xi32>, vector<16xi32>], vector<16xf32>,
      %gather3A_1335 = tpu.vector_load_idx %arg13[%iota3A, %broadcast_in_dim3A_1333] : memref<16x32xf32, #tpu.memory_space<vmem>>[vector<16xi32>, vector<16xi32>], vector<16xf32>,
      %gather3A_1336 = tpu.vector_load_idx %arg14[%iota3A, %broadcast_in_dim3A_1333] : memref<16x32xf32, #tpu.memory_space<vmem>>[vector<16xi32>, vector<16xi32>], vector<16xf32>,
      %sub3A_1337 = arith.subf %gather3A_1335, %gather3A_1336 : vector<16xf32>
      %mul3A_1338 = arith.mulf %gather3A_1334, %sub3A_1337 : vector<16xf32>
      %add3A_1339 = arith.addf %add3A_1325, %mul3A_1338 : vector<16xf32>
      %mul3A_1340 = arith.mulf %gather3A_1334, %gather3A_1334 : vector<16xf32>
      %add3A_1341 = arith.addf %add3A_1327, %mul3A_1340 : vector<16xf32>
      %mul3A_1342 = arith.mulf %gather3A_1335, %gather3A_1335 : vector<16xf32>
      %add3A_1343 = arith.addf %add3A_1329, %mul3A_1342 : vector<16xf32>
      %mul3A_1344 = arith.mulf %gather3A_1336, %gather3A_1336 : vector<16xf32>
      %add3A_1345 = arith.addf %add3A_1331, %mul3A_1344 : vector<16xf32>
      %broadcast_in_dim3A_1346 = arith.constant 20 : i32
      %broadcast_in_dim3A_1347 = vector.broadcast %broadcast_in_dim3A_1346 : i32 to vector<16xi32>
      %gather3A_1348 = tpu.vector_load_idx %arg12[%iota3A, %broadcast_in_dim3A_1347] : memref<16x32xf32, #tpu.memory_space<vmem>>[vector<16xi32>, vector<16xi32>], vector<16xf32>,
      %gather3A_1349 = tpu.vector_load_idx %arg13[%iota3A, %broadcast_in_dim3A_1347] : memref<16x32xf32, #tpu.memory_space<vmem>>[vector<16xi32>, vector<16xi32>], vector<16xf32>,
      %gather3A_1350 = tpu.vector_load_idx %arg14[%iota3A, %broadcast_in_dim3A_1347] : memref<16x32xf32, #tpu.memory_space<vmem>>[vector<16xi32>, vector<16xi32>], vector<16xf32>,
      %sub3A_1351 = arith.subf %gather3A_1349, %gather3A_1350 : vector<16xf32>
      %mul3A_1352 = arith.mulf %gather3A_1348, %sub3A_1351 : vector<16xf32>
      %add3A_1353 = arith.addf %add3A_1339, %mul3A_1352 : vector<16xf32>
      %mul3A_1354 = arith.mulf %gather3A_1348, %gather3A_1348 : vector<16xf32>
      %add3A_1355 = arith.addf %add3A_1341, %mul3A_1354 : vector<16xf32>
      %mul3A_1356 = arith.mulf %gather3A_1349, %gather3A_1349 : vector<16xf32>
      %add3A_1357 = arith.addf %add3A_1343, %mul3A_1356 : vector<16xf32>
      %mul3A_1358 = arith.mulf %gather3A_1350, %gather3A_1350 : vector<16xf32>
      %add3A_1359 = arith.addf %add3A_1345, %mul3A_1358 : vector<16xf32>
      %broadcast_in_dim3A_1360 = arith.constant 21 : i32
      %broadcast_in_dim3A_1361 = vector.broadcast %broadcast_in_dim3A_1360 : i32 to vector<16xi32>
      %gather3A_1362 = tpu.vector_load_idx %arg12[%iota3A, %broadcast_in_dim3A_1361] : memref<16x32xf32, #tpu.memory_space<vmem>>[vector<16xi32>, vector<16xi32>], vector<16xf32>,
      %gather3A_1363 = tpu.vector_load_idx %arg13[%iota3A, %broadcast_in_dim3A_1361] : memref<16x32xf32, #tpu.memory_space<vmem>>[vector<16xi32>, vector<16xi32>], vector<16xf32>,
      %gather3A_1364 = tpu.vector_load_idx %arg14[%iota3A, %broadcast_in_dim3A_1361] : memref<16x32xf32, #tpu.memory_space<vmem>>[vector<16xi32>, vector<16xi32>], vector<16xf32>,
      %sub3A_1365 = arith.subf %gather3A_1363, %gather3A_1364 : vector<16xf32>
      %mul3A_1366 = arith.mulf %gather3A_1362, %sub3A_1365 : vector<16xf32>
      %add3A_1367 = arith.addf %add3A_1353, %mul3A_1366 : vector<16xf32>
      %mul3A_1368 = arith.mulf %gather3A_1362, %gather3A_1362 : vector<16xf32>
      %add3A_1369 = arith.addf %add3A_1355, %mul3A_1368 : vector<16xf32>
      %mul3A_1370 = arith.mulf %gather3A_1363, %gather3A_1363 : vector<16xf32>
      %add3A_1371 = arith.addf %add3A_1357, %mul3A_1370 : vector<16xf32>
      %mul3A_1372 = arith.mulf %gather3A_1364, %gather3A_1364 : vector<16xf32>
      %add3A_1373 = arith.addf %add3A_1359, %mul3A_1372 : vector<16xf32>
      %broadcast_in_dim3A_1374 = arith.constant 22 : i32
      %broadcast_in_dim3A_1375 = vector.broadcast %broadcast_in_dim3A_1374 : i32 to vector<16xi32>
      %gather3A_1376 = tpu.vector_load_idx %arg12[%iota3A, %broadcast_in_dim3A_1375] : memref<16x32xf32, #tpu.memory_space<vmem>>[vector<16xi32>, vector<16xi32>], vector<16xf32>,
      %gather3A_1377 = tpu.vector_load_idx %arg13[%iota3A, %broadcast_in_dim3A_1375] : memref<16x32xf32, #tpu.memory_space<vmem>>[vector<16xi32>, vector<16xi32>], vector<16xf32>,
      %gather3A_1378 = tpu.vector_load_idx %arg14[%iota3A, %broadcast_in_dim3A_1375] : memref<16x32xf32, #tpu.memory_space<vmem>>[vector<16xi32>, vector<16xi32>], vector<16xf32>,
      %sub3A_1379 = arith.subf %gather3A_1377, %gather3A_1378 : vector<16xf32>
      %mul3A_1380 = arith.mulf %gather3A_1376, %sub3A_1379 : vector<16xf32>
      %add3A_1381 = arith.addf %add3A_1367, %mul3A_1380 : vector<16xf32>
      %mul3A_1382 = arith.mulf %gather3A_1376, %gather3A_1376 : vector<16xf32>
      %add3A_1383 = arith.addf %add3A_1369, %mul3A_1382 : vector<16xf32>
      %mul3A_1384 = arith.mulf %gather3A_1377, %gather3A_1377 : vector<16xf32>
      %add3A_1385 = arith.addf %add3A_1371, %mul3A_1384 : vector<16xf32>
      %mul3A_1386 = arith.mulf %gather3A_1378, %gather3A_1378 : vector<16xf32>
      %add3A_1387 = arith.addf %add3A_1373, %mul3A_1386 : vector<16xf32>
      %broadcast_in_dim3A_1388 = arith.constant 23 : i32
      %broadcast_in_dim3A_1389 = vector.broadcast %broadcast_in_dim3A_1388 : i32 to vector<16xi32>
      %gather3A_1390 = tpu.vector_load_idx %arg12[%iota3A, %broadcast_in_dim3A_1389] : memref<16x32xf32, #tpu.memory_space<vmem>>[vector<16xi32>, vector<16xi32>], vector<16xf32>,
      %gather3A_1391 = tpu.vector_load_idx %arg13[%iota3A, %broadcast_in_dim3A_1389] : memref<16x32xf32, #tpu.memory_space<vmem>>[vector<16xi32>, vector<16xi32>], vector<16xf32>,
      %gather3A_1392 = tpu.vector_load_idx %arg14[%iota3A, %broadcast_in_dim3A_1389] : memref<16x32xf32, #tpu.memory_space<vmem>>[vector<16xi32>, vector<16xi32>], vector<16xf32>,
      %sub3A_1393 = arith.subf %gather3A_1391, %gather3A_1392 : vector<16xf32>
      %mul3A_1394 = arith.mulf %gather3A_1390, %sub3A_1393 : vector<16xf32>
      %add3A_1395 = arith.addf %add3A_1381, %mul3A_1394 : vector<16xf32>
      %mul3A_1396 = arith.mulf %gather3A_1390, %gather3A_1390 : vector<16xf32>
      %add3A_1397 = arith.addf %add3A_1383, %mul3A_1396 : vector<16xf32>
      %mul3A_1398 = arith.mulf %gather3A_1391, %gather3A_1391 : vector<16xf32>
      %add3A_1399 = arith.addf %add3A_1385, %mul3A_1398 : vector<16xf32>
      %mul3A_1400 = arith.mulf %gather3A_1392, %gather3A_1392 : vector<16xf32>
      %add3A_1401 = arith.addf %add3A_1387, %mul3A_1400 : vector<16xf32>
      %broadcast_in_dim3A_1402 = arith.constant 24 : i32
      %broadcast_in_dim3A_1403 = vector.broadcast %broadcast_in_dim3A_1402 : i32 to vector<16xi32>
      %gather3A_1404 = tpu.vector_load_idx %arg12[%iota3A, %broadcast_in_dim3A_1403] : memref<16x32xf32, #tpu.memory_space<vmem>>[vector<16xi32>, vector<16xi32>], vector<16xf32>,
      %gather3A_1405 = tpu.vector_load_idx %arg13[%iota3A, %broadcast_in_dim3A_1403] : memref<16x32xf32, #tpu.memory_space<vmem>>[vector<16xi32>, vector<16xi32>], vector<16xf32>,
      %gather3A_1406 = tpu.vector_load_idx %arg14[%iota3A, %broadcast_in_dim3A_1403] : memref<16x32xf32, #tpu.memory_space<vmem>>[vector<16xi32>, vector<16xi32>], vector<16xf32>,
      %sub3A_1407 = arith.subf %gather3A_1405, %gather3A_1406 : vector<16xf32>
      %mul3A_1408 = arith.mulf %gather3A_1404, %sub3A_1407 : vector<16xf32>
      %add3A_1409 = arith.addf %add3A_1395, %mul3A_1408 : vector<16xf32>
      %mul3A_1410 = arith.mulf %gather3A_1404, %gather3A_1404 : vector<16xf32>
      %add3A_1411 = arith.addf %add3A_1397, %mul3A_1410 : vector<16xf32>
      %mul3A_1412 = arith.mulf %gather3A_1405, %gather3A_1405 : vector<16xf32>
      %add3A_1413 = arith.addf %add3A_1399, %mul3A_1412 : vector<16xf32>
      %mul3A_1414 = arith.mulf %gather3A_1406, %gather3A_1406 : vector<16xf32>
      %add3A_1415 = arith.addf %add3A_1401, %mul3A_1414 : vector<16xf32>
      %broadcast_in_dim3A_1416 = arith.constant 25 : i32
      %broadcast_in_dim3A_1417 = vector.broadcast %broadcast_in_dim3A_1416 : i32 to vector<16xi32>
      %gather3A_1418 = tpu.vector_load_idx %arg12[%iota3A, %broadcast_in_dim3A_1417] : memref<16x32xf32, #tpu.memory_space<vmem>>[vector<16xi32>, vector<16xi32>], vector<16xf32>,
      %gather3A_1419 = tpu.vector_load_idx %arg13[%iota3A, %broadcast_in_dim3A_1417] : memref<16x32xf32, #tpu.memory_space<vmem>>[vector<16xi32>, vector<16xi32>], vector<16xf32>,
      %gather3A_1420 = tpu.vector_load_idx %arg14[%iota3A, %broadcast_in_dim3A_1417] : memref<16x32xf32, #tpu.memory_space<vmem>>[vector<16xi32>, vector<16xi32>], vector<16xf32>,
      %sub3A_1421 = arith.subf %gather3A_1419, %gather3A_1420 : vector<16xf32>
      %mul3A_1422 = arith.mulf %gather3A_1418, %sub3A_1421 : vector<16xf32>
      %add3A_1423 = arith.addf %add3A_1409, %mul3A_1422 : vector<16xf32>
      %mul3A_1424 = arith.mulf %gather3A_1418, %gather3A_1418 : vector<16xf32>
      %add3A_1425 = arith.addf %add3A_1411, %mul3A_1424 : vector<16xf32>
      %mul3A_1426 = arith.mulf %gather3A_1419, %gather3A_1419 : vector<16xf32>
      %add3A_1427 = arith.addf %add3A_1413, %mul3A_1426 : vector<16xf32>
      %mul3A_1428 = arith.mulf %gather3A_1420, %gather3A_1420 : vector<16xf32>
      %add3A_1429 = arith.addf %add3A_1415, %mul3A_1428 : vector<16xf32>
      %broadcast_in_dim3A_1430 = arith.constant 26 : i32
      %broadcast_in_dim3A_1431 = vector.broadcast %broadcast_in_dim3A_1430 : i32 to vector<16xi32>
      %gather3A_1432 = tpu.vector_load_idx %arg12[%iota3A, %broadcast_in_dim3A_1431] : memref<16x32xf32, #tpu.memory_space<vmem>>[vector<16xi32>, vector<16xi32>], vector<16xf32>,
      %gather3A_1433 = tpu.vector_load_idx %arg13[%iota3A, %broadcast_in_dim3A_1431] : memref<16x32xf32, #tpu.memory_space<vmem>>[vector<16xi32>, vector<16xi32>], vector<16xf32>,
      %gather3A_1434 = tpu.vector_load_idx %arg14[%iota3A, %broadcast_in_dim3A_1431] : memref<16x32xf32, #tpu.memory_space<vmem>>[vector<16xi32>, vector<16xi32>], vector<16xf32>,
      %sub3A_1435 = arith.subf %gather3A_1433, %gather3A_1434 : vector<16xf32>
      %mul3A_1436 = arith.mulf %gather3A_1432, %sub3A_1435 : vector<16xf32>
      %add3A_1437 = arith.addf %add3A_1423, %mul3A_1436 : vector<16xf32>
      %mul3A_1438 = arith.mulf %gather3A_1432, %gather3A_1432 : vector<16xf32>
      %add3A_1439 = arith.addf %add3A_1425, %mul3A_1438 : vector<16xf32>
      %mul3A_1440 = arith.mulf %gather3A_1433, %gather3A_1433 : vector<16xf32>
      %add3A_1441 = arith.addf %add3A_1427, %mul3A_1440 : vector<16xf32>
      %mul3A_1442 = arith.mulf %gather3A_1434, %gather3A_1434 : vector<16xf32>
      %add3A_1443 = arith.addf %add3A_1429, %mul3A_1442 : vector<16xf32>
      %broadcast_in_dim3A_1444 = arith.constant 27 : i32
      %broadcast_in_dim3A_1445 = vector.broadcast %broadcast_in_dim3A_1444 : i32 to vector<16xi32>
      %gather3A_1446 = tpu.vector_load_idx %arg12[%iota3A, %broadcast_in_dim3A_1445] : memref<16x32xf32, #tpu.memory_space<vmem>>[vector<16xi32>, vector<16xi32>], vector<16xf32>,
      %gather3A_1447 = tpu.vector_load_idx %arg13[%iota3A, %broadcast_in_dim3A_1445] : memref<16x32xf32, #tpu.memory_space<vmem>>[vector<16xi32>, vector<16xi32>], vector<16xf32>,
      %gather3A_1448 = tpu.vector_load_idx %arg14[%iota3A, %broadcast_in_dim3A_1445] : memref<16x32xf32, #tpu.memory_space<vmem>>[vector<16xi32>, vector<16xi32>], vector<16xf32>,
      %sub3A_1449 = arith.subf %gather3A_1447, %gather3A_1448 : vector<16xf32>
      %mul3A_1450 = arith.mulf %gather3A_1446, %sub3A_1449 : vector<16xf32>
      %add3A_1451 = arith.addf %add3A_1437, %mul3A_1450 : vector<16xf32>
      %mul3A_1452 = arith.mulf %gather3A_1446, %gather3A_1446 : vector<16xf32>
      %add3A_1453 = arith.addf %add3A_1439, %mul3A_1452 : vector<16xf32>
      %mul3A_1454 = arith.mulf %gather3A_1447, %gather3A_1447 : vector<16xf32>
      %add3A_1455 = arith.addf %add3A_1441, %mul3A_1454 : vector<16xf32>
      %mul3A_1456 = arith.mulf %gather3A_1448, %gather3A_1448 : vector<16xf32>
      %add3A_1457 = arith.addf %add3A_1443, %mul3A_1456 : vector<16xf32>
      %broadcast_in_dim3A_1458 = arith.constant 28 : i32
      %broadcast_in_dim3A_1459 = vector.broadcast %broadcast_in_dim3A_1458 : i32 to vector<16xi32>
      %gather3A_1460 = tpu.vector_load_idx %arg12[%iota3A, %broadcast_in_dim3A_1459] : memref<16x32xf32, #tpu.memory_space<vmem>>[vector<16xi32>, vector<16xi32>], vector<16xf32>,
      %gather3A_1461 = tpu.vector_load_idx %arg13[%iota3A, %broadcast_in_dim3A_1459] : memref<16x32xf32, #tpu.memory_space<vmem>>[vector<16xi32>, vector<16xi32>], vector<16xf32>,
      %gather3A_1462 = tpu.vector_load_idx %arg14[%iota3A, %broadcast_in_dim3A_1459] : memref<16x32xf32, #tpu.memory_space<vmem>>[vector<16xi32>, vector<16xi32>], vector<16xf32>,
      %sub3A_1463 = arith.subf %gather3A_1461, %gather3A_1462 : vector<16xf32>
      %mul3A_1464 = arith.mulf %gather3A_1460, %sub3A_1463 : vector<16xf32>
      %add3A_1465 = arith.addf %add3A_1451, %mul3A_1464 : vector<16xf32>
      %mul3A_1466 = arith.mulf %gather3A_1460, %gather3A_1460 : vector<16xf32>
      %add3A_1467 = arith.addf %add3A_1453, %mul3A_1466 : vector<16xf32>
      %mul3A_1468 = arith.mulf %gather3A_1461, %gather3A_1461 : vector<16xf32>
      %add3A_1469 = arith.addf %add3A_1455, %mul3A_1468 : vector<16xf32>
      %mul3A_1470 = arith.mulf %gather3A_1462, %gather3A_1462 : vector<16xf32>
      %add3A_1471 = arith.addf %add3A_1457, %mul3A_1470 : vector<16xf32>
      %broadcast_in_dim3A_1472 = arith.constant 29 : i32
      %broadcast_in_dim3A_1473 = vector.broadcast %broadcast_in_dim3A_1472 : i32 to vector<16xi32>
      %gather3A_1474 = tpu.vector_load_idx %arg12[%iota3A, %broadcast_in_dim3A_1473] : memref<16x32xf32, #tpu.memory_space<vmem>>[vector<16xi32>, vector<16xi32>], vector<16xf32>,
      %gather3A_1475 = tpu.vector_load_idx %arg13[%iota3A, %broadcast_in_dim3A_1473] : memref<16x32xf32, #tpu.memory_space<vmem>>[vector<16xi32>, vector<16xi32>], vector<16xf32>,
      %gather3A_1476 = tpu.vector_load_idx %arg14[%iota3A, %broadcast_in_dim3A_1473] : memref<16x32xf32, #tpu.memory_space<vmem>>[vector<16xi32>, vector<16xi32>], vector<16xf32>,
      %sub3A_1477 = arith.subf %gather3A_1475, %gather3A_1476 : vector<16xf32>
      %mul3A_1478 = arith.mulf %gather3A_1474, %sub3A_1477 : vector<16xf32>
      %add3A_1479 = arith.addf %add3A_1465, %mul3A_1478 : vector<16xf32>
      %mul3A_1480 = arith.mulf %gather3A_1474, %gather3A_1474 : vector<16xf32>
      %add3A_1481 = arith.addf %add3A_1467, %mul3A_1480 : vector<16xf32>
      %mul3A_1482 = arith.mulf %gather3A_1475, %gather3A_1475 : vector<16xf32>
      %add3A_1483 = arith.addf %add3A_1469, %mul3A_1482 : vector<16xf32>
      %mul3A_1484 = arith.mulf %gather3A_1476, %gather3A_1476 : vector<16xf32>
      %add3A_1485 = arith.addf %add3A_1471, %mul3A_1484 : vector<16xf32>
      %broadcast_in_dim3A_1486 = arith.constant 30 : i32
      %broadcast_in_dim3A_1487 = vector.broadcast %broadcast_in_dim3A_1486 : i32 to vector<16xi32>
      %gather3A_1488 = tpu.vector_load_idx %arg12[%iota3A, %broadcast_in_dim3A_1487] : memref<16x32xf32, #tpu.memory_space<vmem>>[vector<16xi32>, vector<16xi32>], vector<16xf32>,
      %gather3A_1489 = tpu.vector_load_idx %arg13[%iota3A, %broadcast_in_dim3A_1487] : memref<16x32xf32, #tpu.memory_space<vmem>>[vector<16xi32>, vector<16xi32>], vector<16xf32>,
      %gather3A_1490 = tpu.vector_load_idx %arg14[%iota3A, %broadcast_in_dim3A_1487] : memref<16x32xf32, #tpu.memory_space<vmem>>[vector<16xi32>, vector<16xi32>], vector<16xf32>,
      %sub3A_1491 = arith.subf %gather3A_1489, %gather3A_1490 : vector<16xf32>
      %mul3A_1492 = arith.mulf %gather3A_1488, %sub3A_1491 : vector<16xf32>
      %add3A_1493 = arith.addf %add3A_1479, %mul3A_1492 : vector<16xf32>
      %mul3A_1494 = arith.mulf %gather3A_1488, %gather3A_1488 : vector<16xf32>
      %add3A_1495 = arith.addf %add3A_1481, %mul3A_1494 : vector<16xf32>
      %mul3A_1496 = arith.mulf %gather3A_1489, %gather3A_1489 : vector<16xf32>
      %add3A_1497 = arith.addf %add3A_1483, %mul3A_1496 : vector<16xf32>
      %mul3A_1498 = arith.mulf %gather3A_1490, %gather3A_1490 : vector<16xf32>
      %add3A_1499 = arith.addf %add3A_1485, %mul3A_1498 : vector<16xf32>
      %broadcast_in_dim3A_1500 = arith.constant 31 : i32
      %broadcast_in_dim3A_1501 = vector.broadcast %broadcast_in_dim3A_1500 : i32 to vector<16xi32>
      %gather3A_1502 = tpu.vector_load_idx %arg12[%iota3A, %broadcast_in_dim3A_1501] : memref<16x32xf32, #tpu.memory_space<vmem>>[vector<16xi32>, vector<16xi32>], vector<16xf32>,
      %gather3A_1503 = tpu.vector_load_idx %arg13[%iota3A, %broadcast_in_dim3A_1501] : memref<16x32xf32, #tpu.memory_space<vmem>>[vector<16xi32>, vector<16xi32>], vector<16xf32>,
      %gather3A_1504 = tpu.vector_load_idx %arg14[%iota3A, %broadcast_in_dim3A_1501] : memref<16x32xf32, #tpu.memory_space<vmem>>[vector<16xi32>, vector<16xi32>], vector<16xf32>,
      %sub3A_1505 = arith.subf %gather3A_1503, %gather3A_1504 : vector<16xf32>
      %mul3A_1506 = arith.mulf %gather3A_1502, %sub3A_1505 : vector<16xf32>
      %add3A_1507 = arith.addf %add3A_1493, %mul3A_1506 : vector<16xf32>
      %mul3A_1508 = arith.mulf %gather3A_1502, %gather3A_1502 : vector<16xf32>
      %add3A_1509 = arith.addf %add3A_1495, %mul3A_1508 : vector<16xf32>
      %mul3A_1510 = arith.mulf %gather3A_1503, %gather3A_1503 : vector<16xf32>
      %add3A_1511 = arith.addf %add3A_1497, %mul3A_1510 : vector<16xf32>
      %mul3A_1512 = arith.mulf %gather3A_1504, %gather3A_1504 : vector<16xf32>
      %add3A_1513 = arith.addf %add3A_1499, %mul3A_1512 : vector<16xf32>
      %swap3A = arith.index_cast %mul3A_10 : i32 to index
      %swap3A_1514 = tpu.vector_load %arg15[%swap3A] {strides = array<i32>} : memref<512xf32, #tpu.memory_space<vmem>>, vector<16xf32>,
      tpu.vector_store %arg15[%swap3A], %add3A_1507 {strides = array<i32>} : memref<512xf32, #tpu.memory_space<vmem>>, vector<16xf32>,
      %add3A_1515 = arith.addf %add3A_1511, %add3A_1513 : vector<16xf32>
      %mul3A_1516 = arith.constant 0.00999999977 : f32
      %mul3A_1517 = vector.broadcast %mul3A_1516 : f32 to vector<16xf32>
      %mul3A_1518 = arith.mulf %add3A_1515, %mul3A_1517 : vector<16xf32>
      %mul3A_1519 = arith.constant 0.00999999977 : f32
      %mul3A_1520 = vector.broadcast %mul3A_1519 : f32 to vector<16xf32>
      %mul3A_1521 = arith.mulf %add3A_1509, %mul3A_1520 : vector<16xf32>
      %add3A_1522 = arith.addf %mul3A_1518, %mul3A_1521 : vector<16xf32>
      %swap3A_1523 = arith.index_cast %mul3A_10 : i32 to index
      %swap3A_1524 = tpu.vector_load %arg16[%swap3A_1523] {strides = array<i32>} : memref<512xf32, #tpu.memory_space<vmem>>, vector<16xf32>,
      tpu.vector_store %arg16[%swap3A_1523], %add3A_1522 {strides = array<i32>} : memref<512xf32, #tpu.memory_space<vmem>>, vector<16xf32>,
    }
    %scan3A_7 = arith.constant 32 : i32
    "tpu.region"() ({
      %run_scoped3A = tpu.sem_alloc : memref<!tpu.dma_semaphore, #tpu.memory_space<semaphore_mem>>
      %dma_start3A = tpu.memref_slice %arg7[%mul3A_2] : memref<16384xf32, #tpu.memory_space<hbm>> -> memref<512xf32, #tpu.memory_space<hbm>>
      %dma_start3A_8 = tpu.memref_slice %arg7[%mul3A_2] : memref<16384xf32, #tpu.memory_space<hbm>> -> memref<512xf32, #tpu.memory_space<hbm>>
      tpu.enqueue_dma source(%arg15 : memref<512xf32, #tpu.memory_space<vmem>>) target(%dma_start3A_8 : memref<512xf32, #tpu.memory_space<hbm>>) target_semaphore(%run_scoped3A : memref<!tpu.dma_semaphore, #tpu.memory_space<semaphore_mem>>)
      %dma_wait3A = tpu.memref_slice %arg7[%mul3A_2] : memref<16384xf32, #tpu.memory_space<hbm>> -> memref<512xf32, #tpu.memory_space<hbm>>
      %dma_wait3A_9 = tpu.memref_slice %arg7[%mul3A_2] : memref<16384xf32, #tpu.memory_space<hbm>> -> memref<512xf32, #tpu.memory_space<hbm>>
      tpu.wait_dma2 semaphore(%run_scoped3A : memref<!tpu.dma_semaphore, #tpu.memory_space<semaphore_mem>>) src(%arg15 : memref<512xf32, #tpu.memory_space<vmem>>) dst(%dma_wait3A_9 : memref<512xf32, #tpu.memory_space<hbm>>)
      tpu.yield
    }) : () -> ()
    "tpu.region"() ({
      %run_scoped3A = tpu.sem_alloc : memref<!tpu.dma_semaphore, #tpu.memory_space<semaphore_mem>>
      %dma_start3A = tpu.memref_slice %arg8[%mul3A_2] : memref<16384xf32, #tpu.memory_space<hbm>> -> memref<512xf32, #tpu.memory_space<hbm>>
      %dma_start3A_8 = tpu.memref_slice %arg8[%mul3A_2] : memref<16384xf32, #tpu.memory_space<hbm>> -> memref<512xf32, #tpu.memory_space<hbm>>
      tpu.enqueue_dma source(%arg16 : memref<512xf32, #tpu.memory_space<vmem>>) target(%dma_start3A_8 : memref<512xf32, #tpu.memory_space<hbm>>) target_semaphore(%run_scoped3A : memref<!tpu.dma_semaphore, #tpu.memory_space<semaphore_mem>>)
      %dma_wait3A = tpu.memref_slice %arg8[%mul3A_2] : memref<16384xf32, #tpu.memory_space<hbm>> -> memref<512xf32, #tpu.memory_space<hbm>>
      %dma_wait3A_9 = tpu.memref_slice %arg8[%mul3A_2] : memref<16384xf32, #tpu.memory_space<hbm>> -> memref<512xf32, #tpu.memory_space<hbm>>
      tpu.wait_dma2 semaphore(%run_scoped3A : memref<!tpu.dma_semaphore, #tpu.memory_space<semaphore_mem>>) src(%arg16 : memref<512xf32, #tpu.memory_space<vmem>>) dst(%dma_wait3A_9 : memref<512xf32, #tpu.memory_space<hbm>>)
      tpu.yield
    }) : () -> ()
    return
  }
}

module attributes {stable_mosaic.version = 14 : i64} {
  func.func @_tp_body(%arg0: i32, %arg1: memref<32x2048xf32, #tpu.memory_space<vmem>>, %arg2: memref<2048x32xf32, #tpu.memory_space<vmem>>) attributes {dimension_semantics = [#tpu.dimension_semantics<arbitrary>], iteration_bounds = array<i64: 489>, scalar_prefetch = 0 : i64, scratch_operands = 0 : i64, tpu.core_type = #tpu.core_type<tc>, window_params = [{transform_indices = @transform_0, window_bounds = array<i64: 32, 2048>}, {transform_indices = @transform_1, window_bounds = array<i64: 2048, 32>}]} {
    %get3A = arith.constant 0 : index
    %get3A_0 = arith.constant 0 : index
    %get3A_1 = vector.load %arg1[%get3A, %get3A_0] : memref<32x2048xf32, #tpu.memory_space<vmem>>, vector<32x2048xf32>
    %transpose3A = tpu.transpose %get3A_1, [1, 0] : vector<32x2048xf32> -> vector<2048x32xf32>
    %swap3A = arith.constant 0 : index
    %swap3A_2 = arith.constant 0 : index
    %swap3A_3 = vector.load %arg2[%swap3A, %swap3A_2] : memref<2048x32xf32, #tpu.memory_space<vmem>>, vector<2048x32xf32>
    tpu.vector_store %arg2[%swap3A, %swap3A_2], %transpose3A {strides = array<i32>} : memref<2048x32xf32, #tpu.memory_space<vmem>>, vector<2048x32xf32>,
    return
  }
  func.func @transform_0(%arg0: i32) -> (i32, i32) {
    %c0_i32 = arith.constant 0 : i32
    %c0_i32_0 = arith.constant 0 : i32
    return %c0_i32, %arg0 : i32, i32
  }
  func.func @transform_1(%arg0: i32) -> (i32, i32) {
    %c0_i32 = arith.constant 0 : i32
    %c0_i32_0 = arith.constant 0 : i32
    return %arg0, %c0_i32 : i32, i32
  }
}

module attributes {stable_mosaic.version = 14 : i64} {
  func.func @_tc_body(%arg0: memref<128x128xf32, #tpu.memory_space<vmem>>, %arg1: memref<128x128xf32, #tpu.memory_space<vmem>>, %arg2: memref<128x128xf32, #tpu.memory_space<vmem>>, %arg3: memref<1x1xf32, #tpu.memory_space<smem>>) attributes {dimension_semantics = [], scalar_prefetch = 0 : i64, scratch_operands = 0 : i64, tpu.core_type = #tpu.core_type<tc>} {
    %get3A = arith.constant 0 : index
    %get3A_0 = arith.constant 0 : index
    %get3A_1 = vector.load %arg0[%get3A, %get3A_0] : memref<128x128xf32, #tpu.memory_space<vmem>>, vector<128x128xf32>
    %neg3A = arith.constant 0.000000e+00 : f32
    %neg3A_2 = vector.broadcast %neg3A : f32 to vector<128x128xf32>
    %neg3A_3 = arith.subf %neg3A_2, %get3A_1 : vector<128x128xf32>
    %max3A = arith.constant 0.000000e+00 : f32
    %max3A_4 = vector.broadcast %max3A : f32 to vector<128x128xf32>
    %max3A_5 = arith.maximumf %neg3A_3, %max3A_4 : vector<128x128xf32>
    %abs3A = math.absf %get3A_1 : vector<128x128xf32>
    %neg3A_6 = arith.constant 0.000000e+00 : f32
    %neg3A_7 = vector.broadcast %neg3A_6 : f32 to vector<128x128xf32>
    %neg3A_8 = arith.subf %neg3A_7, %abs3A : vector<128x128xf32>
    %exp3A = math.exp %neg3A_8 : vector<128x128xf32>
    %log1p3A = math.log1p %exp3A : vector<128x128xf32>
    %add3A = arith.addf %max3A_5, %log1p3A : vector<128x128xf32>
    %swap3A = arith.constant 0 : index
    %swap3A_9 = arith.constant 0 : index
    %swap3A_10 = vector.load %arg2[%swap3A, %swap3A_9] : memref<128x128xf32, #tpu.memory_space<vmem>>, vector<128x128xf32>
    tpu.vector_store %arg2[%swap3A, %swap3A_9], %add3A {strides = array<i32>} : memref<128x128xf32, #tpu.memory_space<vmem>>, vector<128x128xf32>,
    %get3A_11 = arith.constant 0 : index
    %get3A_12 = arith.constant 0 : index
    %get3A_13 = vector.load %arg1[%get3A_11, %get3A_12] : memref<128x128xf32, #tpu.memory_space<vmem>>, vector<128x128xf32>
    %add3A_14 = arith.addf %add3A, %get3A_13 : vector<128x128xf32>
    %reduce_sum3A = vector.shape_cast %add3A_14 : vector<128x128xf32> to vector<1x128x128xf32>
    %reduce_sum3A_15 = arith.constant dense<0.000000e+00> : vector<1xf32>
    %reduce_sum3A_16 = vector.multi_reduction <add>, %reduce_sum3A, %reduce_sum3A_15 [1, 2] : vector<1x128x128xf32> to vector<1xf32>
    %reduce_sum3A_17 = vector.shape_cast %reduce_sum3A_16 : vector<1xf32> to vector<1x1x1xf32>
    %reduce_sum3A_18 = vector.extract %reduce_sum3A_17[0, 0, 0] : f32 from vector<1x1x1xf32>
    %mul3A = arith.constant 6.10351563E-5 : f32
    %mul3A_19 = arith.mulf %reduce_sum3A_18, %mul3A : f32
    %swap3A_20 = arith.constant 0 : index
    %swap3A_21 = arith.constant 0 : index
    %swap3A_22 = memref.load %arg3[%swap3A_20, %swap3A_21] : memref<1x1xf32, #tpu.memory_space<smem>>
    memref.store %mul3A_19, %arg3[%swap3A_20, %swap3A_21] : memref<1x1xf32, #tpu.memory_space<smem>>
    return
  }
}

</mosaic_0001>

<sc_bundles>
// kernel: kernel.6.cloned.1.call-start
scs
__scs_entry_jumppad:
0x0: {  	(pc) =	sbr.rel $0x88, $3  }
0x1: {  	(tag) =	ssettag $0x0;
	lr =	simm.s32 $0x1  }
0x2: {  	[smem:$0x3F9C] =	sst lr;
	_ =	strace $0xD0000000  }
0x3: {  	_ = 	snop  }
0x4: {  	_ = 	snop  }
0x5: {  	_ = 	snop  }
0x6: {  	_ = 	snop  }
0x7: {  	_ = 	snop  }
__scs_overlays_trampoline_lowered:
0x8: {  	[smem:$0x3FAB] =	sst s0  }
0x9: {  	[smem:$0x3FAC] =	sst s1  }
0xa: {  	[smem:$0x3FAD] =	sst s2  }
0xb: {  	[smem:$0x3FAE] =	sst s3  }
0xc: {  	[smem:$0x3FAF] =	sst s4  }
0xd: {  	[smem:$0x3FB0] =	sst s5  }
0xe: {  	[smem:$0x3FB1] =	sst s6  }
0xf: {  	[smem:$0x3FB2] =	sst s7  }
0x10: {  	[smem:$0x3FB3] =	sst s8  }
0x11: {  	[smem:$0x3FB4] =	sst s9;
	s0 =	simm.s32 @!p0 $0x0  }
0x12: {  	s1 =	sld [smem:$0x3F9A];
	s0 =	simm.s32 @p0 $0x1  }
0x13: {  	[smem:$0x3FB5] =	sst s0;
	s0 =	simm.s32 @!p1 $0x0  }
0x14: {  	s2 =	sld [smem:$0x3F99];
	s0 =	simm.s32 @p1 $0x1  }
0x15: {  	[smem:$0x3FB6] =	sst s0;
	s0 =	simm.s32 @!p2 $0x0  }
0x16: {  	s3 =	sld [smem:$0x3FDB];
	s0 =	simm.s32 @p2 $0x1  }
0x17: {  	s4 =	simm.s32 $0x1BF5;
	[smem:$0x3FB8] =	sst s0  }
0x18: {  	s0 =	sld [smem:$0x3F9B];
	_ =	swait.ge [sflag:s4], $0x0  }
0x19: {  	s7 =	sld [smem:$0x3F9C]  }
0x1a: {  	s8 =	sadd.s32 $0xFFFFE003, lr  }
0x1b: {  	s9 =	sadd.s32 $0xFFFFFEF7, lr;
	s5 =	simm.s32 $0xFFFFFFFF;
	p2 =	slt.u32 s8, $0xFFFFF086  }
0x1c: {  	p1 =	slt.u32 s9, $0xF7A;
	s5 =	simm.s32 @!p2 $0x0  }
0x1d: {  	s5 =	simm.s32 @p1 $0x1;
	p0 =	seq.s32 s7, s2  }
0x1e: {  	s7 =	smul.u32 @!p0 $0xF7A, s2;
	p2 =	seq.s32 @!p0 s5, $0x0  }
0x1f: {  	s9 =	smul.u32 $0xF7A, s1;
	s8 =	simm.s32 @!p0 $0x1BF5;
	p2 =	por !p2, p0  }
0x20: {  	[sflag:s8] =	ssyncset.s32 @!p0 $0xFFFFF086;
	s6 =	sadd.s32 @!p0 s3, s7;
	s7 =	simm.s32 @!p0 $0x108  }
0x21: {  	s3 =	sadd.s32 s3, s9;
	s6 =	sadd.s32 @!p0 $0x88, s6;
	s7 =	simm.s32 @p2 $0x1082  }
0x22: {  	[simem:s7], [sflag:s8] =	dma.local @!p0 [hbm:s6], $0xF7A  }
0x23: {  	s9 =	sor.u32 $0xD0000000, s2;
	s6 =	simm.s32 $0x108;
	_ =	swait.ge @!p0 [sflag:s8], $0x0  }
0x24: {  	s3 =	sadd.s32 $0x88, s3;
	s6 =	simm.s32 @!p1 $0x1082;
	[sflag:s4] =	ssyncset.s32 $0xFFFFF086  }
0x25: {  	[simem:s6], [sflag:s4] =	dma.local [hbm:s3], $0xF7A  }
0x26: {  	[smem:$0x3F9C] =	sst s1;
	(tag) =	ssettag s2;
	_ =	strace s9  }
0x27: {  	s1 =	sld [smem:$0x3FAC]  }
0x28: {  	s2 =	sld [smem:$0x3FAD]  }
0x29: {  	s4 =	sld [smem:$0x3FAF]  }
0x2a: {  	p0 =	seq.s32 s5, $0x0;
	s5 =	sld [smem:$0x3FB0]  }
0x2b: {  	s6 =	sld [smem:$0x3FB1]  }
0x2c: {  	s7 =	sld [smem:$0x3FB2]  }
0x2d: {  	s3 =	simm.s32 $0x108;
	s8 =	sld [smem:$0x3FB3]  }
0x2e: {  	s3 =	simm.s32 @!p0 $0x1082;
	s9 =	sld [smem:$0x3FB4]  }
0x2f: {  	lr =	sadd.s32 s0, s3;
	s0 =	sld [smem:$0x3FAB]  }
0x30: {  	s3 =	sld [smem:$0x3FAE]  }
0x31: {  	[smem:$0x3FB7] =	sst s10  }
0x32: {  	s10 =	sld [smem:$0x3FB5];
	_ =	sdelay $0x3  }
0x33: {  	p0 =	seq.s32 s10, $0x1;
	s10 =	sld [smem:$0x3FB7];
	_ =	sdelay $0x3  }
0x34: {  	[smem:$0x3FB7] =	sst s10  }
0x35: {  	s10 =	sld [smem:$0x3FB6];
	_ =	sdelay $0x3  }
0x36: {  	p1 =	seq.s32 s10, $0x1;
	s10 =	sld [smem:$0x3FB7];
	_ =	sdelay $0x3  }
0x37: {  	[smem:$0x3FB7] =	sst s10  }
0x38: {  	s10 =	sld [smem:$0x3FB8]  }
0x39: {  	_ = 	snop;
	(pc) =	sbr.ind lr, $3  }
0x3a: {  	_ = 	snop  }
0x3b: {  	_ = 	snop  }
0x3c: {  	p2 =	seq.s32 s10, $0x1;
	s10 =	sld [smem:$0x3FB7]  }
0x3d: {  	_ =	shalt  }
0x3e: {  	_ =	shalt  }
0x3f: {  	_ =	shalt  }
0x40: {  	_ =	shalt  }
0x41: {  	_ =	shalt  }
0x42: {  	_ =	shalt  }
0x43: {  	_ =	shalt  }
0x44: {  	_ =	shalt  }
0x45: {  	_ =	shalt  }
0x46: {  	_ =	shalt  }
0x47: {  	_ =	shalt  }
0x48: {  	_ =	shalt  }
0x49: {  	_ =	shalt  }
0x4a: {  	_ =	shalt  }
0x4b: {  	_ =	shalt  }
0x4c: {  	_ =	shalt  }
0x4d: {  	_ =	shalt  }
0x4e: {  	_ =	shalt  }
0x4f: {  	_ =	shalt  }
0x50: {  	_ =	shalt  }
0x51: {  	_ =	shalt  }
0x52: {  	_ =	shalt  }
0x53: {  	_ =	shalt  }
0x54: {  	_ =	shalt  }
0x55: {  	_ =	shalt  }
0x56: {  	_ =	shalt  }
0x57: {  	_ =	shalt  }
0x58: {  	_ =	shalt  }
0x59: {  	_ =	shalt  }
0x5a: {  	_ =	shalt  }
0x5b: {  	_ =	shalt  }
0x5c: {  	_ =	shalt  }
0x5d: {  	_ =	shalt  }
0x5e: {  	_ =	shalt  }
0x5f: {  	_ =	shalt  }
0x60: {  	_ =	shalt  }
0x61: {  	_ =	shalt  }
0x62: {  	_ =	shalt  }
0x63: {  	_ =	shalt  }
0x64: {  	_ =	shalt  }
0x65: {  	_ =	shalt  }
0x66: {  	_ =	shalt  }
0x67: {  	_ =	shalt  }
0x68: {  	_ =	shalt  }
0x69: {  	_ =	shalt  }
0x6a: {  	_ =	shalt  }
0x6b: {  	_ =	shalt  }
0x6c: {  	_ =	shalt  }
0x6d: {  	_ =	shalt  }
0x6e: {  	_ =	shalt  }
0x6f: {  	_ =	shalt  }
0x70: {  	_ =	shalt  }
0x71: {  	_ =	shalt  }
0x72: {  	_ =	shalt  }
0x73: {  	_ =	shalt  }
0x74: {  	_ =	shalt  }
0x75: {  	_ =	shalt  }
0x76: {  	_ =	shalt  }
0x77: {  	_ =	shalt  }
0x78: {  	_ =	shalt  }
0x79: {  	_ =	shalt  }
0x7a: {  	_ =	shalt  }
0x7b: {  	_ =	shalt  }
0x7c: {  	_ =	shalt  }
0x7d: {  	_ =	shalt  }
0x7e: {  	_ =	shalt  }
0x7f: {  	_ =	shalt  }
0x80: {  	_ =	shalt  }
0x81: {  	_ =	shalt  }
0x82: {  	_ =	shalt  }
0x83: {  	_ =	shalt  }
0x84: {  	_ =	shalt  }
0x85: {  	_ =	shalt  }
0x86: {  	_ =	shalt  }
0x87: {  	_ =	shalt  }
.Lfunc_end0:
.L_simem_size_0:
called_computation_lowered:
.L_overlay_start_0:
0x88: {  	s2 =	sld [smem:$0x3FD9]  }
0x89: {  	s3 =	sld [smem:$0x3FFE];
	_ =	sdelay $0x1  }
0x8a: {  	s1 =	srdreg.scid  }
0x8b: {  	s0 =	sand.u32 $0x1, s1  }
0x8c: {  	s14 =	sshll.u32 s0, $0xA;
	s2 =	sadd.s32 s3, s2  }
0x8d: {  	s2 =	sadd.s32 s2, s14  }
0x8e: {  	[smem:$0x3FC3] =	sst s2  }
0x8f: {  	_ = 	snop  }
0x90: {  	s2 =	sld [smem:$0x3FD0];
	_ =	sdelay $0x2  }
0x91: {  	s15 =	simm.s32 $0xA;
	s4 =	simm.s32 $0x10  }
0x92: {  	[smem:s4], [sflag:s15] =	dma.local [hbm:s2], $0x1  }
0x93: {  	_ =	swait.eq [sflag:s15], $0x1  }
0x94: {  	[sflag:s15] =	ssyncset.done $0x0  }
0x95: {  	[sflag:s15] =	ssyncadd.s32 $0xFFFFFFFF  }
0x96: {  	s16 =	sld [smem:$0x11];
	(tm) =	ssettm $0x1  }
0x97: {  	s17 =	sld [smem:$0x3FFB];
	_ =	sdelay $0x3  }
0x98: {  	_ =	strace s17  }
0x99: {  	s3 =	sld [smem:$0x3FFC];
	_ =	sdelay $0x3  }
0x9a: {  	_ =	strace s3  }
0x9b: {  	s3 =	sld [smem:$0x3FFD];
	_ =	sdelay $0x3  }
0x9c: {  	_ =	strace s3  }
0x9d: {  	_ =	strace $0x8FFFFFFF  }
0x9e: {  	s18 =	sld [smem:$0x3FDB];
	_ =	sdelay $0x1  }
0x9f: {  	s19 =	simm.s32 $_scs_section_size  }
0xa0: {  	s5 =	simm.s32 $_size__tile_overlayer_lowered;
	s6 =	simm.s32 $_tile_overlayer_lowered  }
0xa1: {  	s22 =	simm.s32 $0x1BFF;
	s21 =	sshll.u32 s6, $0x1;
	s3 =	sadd.s32 s19, s18  }
0xa2: {  	s7 =	simm.s32 $0x0;
	s20 =	sshll.u32 s5, $0x1;
	s5 =	sadd.s32 s21, s3  }
0xa3: {  	[timem:s7], [sflag:s22] =	dma.local [hbm:s5], s20  }
0xa4: {  	_ =	swait.ge [sflag:s22], s20  }
0xa5: {  	s4 =	ssub.s32 $0x0, s20;
	[sflag:s22] =	ssyncset.done $0x0  }
0xa6: {  	[sflag:s22] =	ssyncadd.s32 s4;
	_ =	sdelay $0x1  }
0xa7: {  	s23 =	simm.s32 $0x1B8B  }
0xa8: {  	_ =	swait.ge [sflag:s23], $0x1  }
0xa9: {  	[sflag:s23] =	ssyncset.done $0x0  }
0xaa: {  	s25 =	simm.s32 $0x1B8E;
	s24 =	sld [smem:$0x3FFE];
	[sflag:s23] =	ssyncadd.s32 $0xFFFFFFFF  }
0xab: {  	s26 =	simm.s32 $execute0_lowered;
	[smem:$0x3FD2] =	sst s25  }
0xac: {  	s5 =	sshll.u32 s26, $0x1;
	_ =	strace $0x80000046;
	[dreg:$0x1] =	wrdreg $0xFFFFFFFF  }
0xad: {  	s28 =	simm.s32 $_size_execute0_lowered;
	s3 =	sadd.s32 s3, s5;
	[dreg:$0x0] =	wrdreg $0x0  }
0xae: {  	s5 =	sshll.u32 s28, $0x1;
	[dreg:$0x2] =	wrdreg s3  }
0xaf: {  	[dreg:$0x3] =	wrdreg s5  }
0xb0: {  	[dreg:$0x4] =	wrdreg $0xC0  }
0xb1: {  	_ =	task [dreg:s7], $0x5FFFF  }
0xb2: {  	[dreg:$0x1] =	wrdreg $0xFFFFFFFF  }
0xb3: {  	[dreg:$0x0] =	wrdreg $0x60  }
0xb4: {  	[dreg:$0x2] =	wrdreg s16  }
0xb5: {  	[dreg:$0x3] =	wrdreg s24  }
0xb6: {  	[dreg:$0x4] =	wrdreg $0x9  }
0xb7: {  	_ =	task.clear_ibuf [dreg:s7], $0x5FFFF;
	_ =	strace $0x90000046  }
0xb8: {  	s29 =	simm.s32 $0x9;
	_ =	strace $0x80000048  }
0xb9: {  	_ =	swait.ge [sflag:s29], $0x1  }
0xba: {  	[sflag:s29] =	ssyncadd.s32 $0xFFFFFFFF  }
0xbb: {  	_ =	strace $0x90000048  }
0xbc: {  	_ =	sfence  }
0xbd: {  	s30 =	sld [smem:$0x0];
	_ =	sdelay $0x2  }
0xbe: {  	s31 =	sshll.u32 s1, $0xD;
	s1 =	sshrl.u32 s1, $0x2  }
0xbf: {  	s3 =	sand.u32 $0x4000, s31;
	s1 =	sadd.s32 s1, s30  }
0xc0: {  	s0 =	sor.u32 s3, s0;
	s1 =	sshll.u32 s1, $0x11  }
0xc1: {  	s0 =	sor.u32 s1, s0  }
0xc2: {  	s0 =	sadd.s32 $0x8F2B, s0  }
0xc3: {  	[sflag:s0] =	ssyncadd.remote.s32 $0x1  }
0xc4: {  	_ =	sfence.sel $0xFFFF  }
0xc5: {  	[dreg:$0x0] =	wrdreg $0xFFFFFFFF;
	(pc) =	sbr.abs _section_cstart, $3  }
0xc6: {  	[dreg:$0x1] =	wrdreg $0xFFFFFFFF  }
0xc7: {  	_ =	task.clear_ibuf [dreg:s7], $0x2FFFF;
	_ =	strace $0x9FFFFFFF  }
0xc8: {  	(tm) =	ssettm $0x7FFFFFFF  }
0xc9: {  	_ =	shalt  }
tec
execute0_lowered:
.L_overlay_start_1:
0x0: {  	(tag) =	ssettag $0x1  }
0x1: {  	s5 =	rddreg [dreg:$0x0]  }
0x2: {  	s6 =	rddreg [dreg:$0x1]  }
0x3: {  	s0 =	rddreg [dreg:$0x2];
	s1 =	simm.s32 $0x0  }
0x4: {  	s2 =	simm.s32 $0x680;
	[smem:$0x7FF] =	sst s1  }
0x5: {  	s15 =	simm.s32 $0xE80;
	_ =	strace $0x80000047;
	[dreg:$0x3] =	wrdreg s2  }
0x6: {  	s16 =	simm.s32 $0x1680;
	[dreg:$0x4] =	wrdreg s15  }
0x7: {  	s17 =	simm.s32 $0x700;
	[dreg:$0x5] =	wrdreg s16  }
0x8: {  	s18 =	simm.s32 $0xF00;
	[dreg:$0x6] =	wrdreg s17  }
0x9: {  	s19 =	simm.s32 $0x1700;
	[dreg:$0x7] =	wrdreg s18  }
0xa: {  	s20 =	simm.s32 $0x780;
	[dreg:$0x8] =	wrdreg s19  }
0xb: {  	s21 =	simm.s32 $0xF80;
	[dreg:$0x9] =	wrdreg s20  }
0xc: {  	s22 =	simm.s32 $0x1780;
	[dreg:$0xa] =	wrdreg s21  }
0xd: {  	s23 =	simm.s32 $0x800;
	[dreg:$0xb] =	wrdreg s22  }
0xe: {  	s24 =	simm.s32 $0x1000;
	[dreg:$0xc] =	wrdreg s23  }
0xf: {  	s25 =	simm.s32 $0x1800;
	[dreg:$0xd] =	wrdreg s24  }
0x10: {  	s26 =	simm.s32 $0x880;
	[dreg:$0xe] =	wrdreg s25  }
0x11: {  	s28 =	simm.s32 $0x1080;
	[dreg:$0xf] =	wrdreg s26  }
0x12: {  	s29 =	simm.s32 $0x1880;
	[dreg:$0x10] =	wrdreg s28  }
0x13: {  	s30 =	simm.s32 $0x900;
	[dreg:$0x11] =	wrdreg s29  }
0x14: {  	s4 =	simm.s32 $0x1100;
	[dreg:$0x12] =	wrdreg s30  }
0x15: {  	s31 =	simm.s32 $0x1900;
	[dreg:$0x13] =	wrdreg s4  }
0x16: {  	s9 =	simm.s32 $0x1180;
	[dreg:$0x14] =	wrdreg s31  }
0x17: {  	s10 =	simm.s32 $0x1980;
	[dreg:$0x16] =	wrdreg s9  }
0x18: {  	s12 =	simm.s32 $0xA00;
	[dreg:$0x17] =	wrdreg s10  }
0x19: {  	s13 =	simm.s32 $0x1200;
	[dreg:$0x18] =	wrdreg s12  }
0x1a: {  	s14 =	simm.s32 $0x1A00;
	[dreg:$0x19] =	wrdreg s13  }
0x1b: {  	s4 =	simm.s32 $0x980;
	[dreg:$0x1a] =	wrdreg s14  }
0x1c: {  	s15 =	simm.s32 $0xA80;
	[dreg:$0x15] =	wrdreg s4  }
0x1d: {  	s16 =	simm.s32 $0x1280;
	[dreg:$0x1b] =	wrdreg s15  }
0x1e: {  	s17 =	simm.s32 $0xB00;
	[dreg:$0x1c] =	wrdreg s16  }
0x1f: {  	s18 =	simm.s32 $0x1300;
	[dreg:$0x1e] =	wrdreg s17  }
0x20: {  	s19 =	simm.s32 $0x1B00;
	[dreg:$0x1f] =	wrdreg s18  }
0x21: {  	s20 =	simm.s32 $0xB80;
	[smem:$0x7EE] =	sst s19  }
0x22: {  	s22 =	simm.s32 $0x1380;
	[smem:$0x7EF] =	sst s20  }
0x23: {  	s24 =	simm.s32 $0x1B80;
	[smem:$0x7F0] =	sst s22  }
0x24: {  	s25 =	simm.s32 $0xC00;
	[smem:$0x7F1] =	sst s24  }
0x25: {  	s26 =	simm.s32 $0x1400;
	[smem:$0x7F2] =	sst s25  }
0x26: {  	s3 =	srdreg.scid;
	s28 =	simm.s32 $0x1C00;
	[smem:$0x7F3] =	sst s26  }
0x27: {  	s7 =	sand.u32 $0x1, s3;
	s29 =	simm.s32 $0xC80;
	[smem:$0x7F4] =	sst s28  }
0x28: {  	s3 =	sadd.s32 $0x1E00, s6;
	s30 =	simm.s32 $0x1480;
	[smem:$0x7F5] =	sst s29  }
0x29: {  	s2 =	stileid.u32;
	s31 =	simm.s32 $0x1C80;
	[smem:$0x7F6] =	sst s30  }
0x2a: {  	s13 =	simm.s32 $0xD00;
	s14 =	simm.s32 $0x1500;
	[smem:$0x7F7] =	sst s31  }
0x2b: {  	v0 =	vlaneseq.u32;
	s8 =	sshll.u32 s2, $0x1;
	s11 =	sshll.u32 s2, $0x7;
	[smem:$0x7F8] =	sst s13  }
0x2c: {  	v0 =	vmul.u32 $0x80, v0;
	s13 =	simm.s32 $0x2;
	[smem:$0x7F9] =	sst s14;
	s15 =	simm.s32 $0x1D00  }
0x2d: {  	s14 =	simm.s32 $0x200;
	s16 =	simm.s32 $0xD80;
	s17 =	simm.s32 $0x1580  }
0x2e: {  	v1 =	vor.u32 $0x1, v0;
	s18 =	simm.s32 $0x1D80;
	s19 =	simm.s32 $0x1E00;
	[smem:$0x7FA] =	sst s15  }
0x2f: {  	v2 =	vor.u32 $0x2, v0;
	v3 =	vor.u32 $0x3, v0;
	v4 =	vor.u32 $0x4, v0;
	s20 =	simm.s32 $0x2000;
	s8 =	sor.u32 s7, s8;
	[smem:$0x7FB] =	sst s16  }
0x30: {  	v5 =	vor.u32 $0x5, v0;
	v6 =	vor.u32 $0x6, v0;
	v7 =	vor.u32 $0x7, v0;
	s7 =	ssub.s32 $0x2, s7;
	s15 =	simm.s32 $0x600;
	[smem:$0x7FC] =	sst s17  }
0x31: {  	v8 =	vor.u32 $0x8, v0;
	v9 =	vor.u32 $0x9, v0;
	v10 =	vor.u32 $0xA, v0;
	s16 =	simm.s32 $0xE00;
	s17 =	simm.s32 $0x1600;
	[smem:$0x7FD] =	sst s18  }
0x32: {  	v11 =	vor.u32 $0xB, v0;
	v12 =	vor.u32 $0xC, v0;
	v13 =	vor.u32 $0xD, v0;
	s18 =	simm.s32 $0x1;
	s9 =	sshll.u32 s8, $0x4;
	s8 =	sshll.u32 s8, $0x6  }
0x33: {  	v14 =	vor.u32 $0xE, v0;
	v15 =	vor.u32 $0xF, v0;
	v16 =	vor.u32 $0x10, v0;
	s21 =	sshrl.u32 s7, $0x1;
	s4 =	sor.u32 s11, s9;
	s11 =	simm.s32 $0x1A80  }
0x34: {  	v17 =	vor.u32 $0x11, v0;
	v18 =	vor.u32 $0x12, v0;
	v19 =	vor.u32 $0x13, v0;
	s12 =	sadd.s32 s8, s6;
	s23 =	ssub.s32 s7, s21;
	s21 =	simm.s32 $0x0  }
0x35: {  	v20 =	vor.u32 $0x14, v0;
	v21 =	vor.u32 $0x15, v0;
	v22 =	vor.u32 $0x16, v0;
	s9 =	sand.u32 $0x670, s4;
	s4 =	sadd.s32 $0xF44200, s6;
	[dreg:$0x1d] =	wrdreg s11  }
0x36: {  	v23 =	vor.u32 $0x17, v0;
	v24 =	vor.u32 $0x18, v0;
	v25 =	vor.u32 $0x19, v0;
	s8 =	sadd.s32 $0x1E86600, s12;
	s11 =	simm.s32 $0x80;
	s10 =	sadd.s32 s9, s6  }
0x37: {  	v26 =	vor.u32 $0x1A, v0;
	v27 =	vor.u32 $0x1B, v0;
	v28 =	vor.u32 $0x1C, v0;
	s5 =	sadd.s32 s5, s9;
	s9 =	sadd.s32 $0x1E86E00, s12;
	s12 =	simm.s32 $0x400  }
0x38: {  	v29 =	vor.u32 $0x1D, v0;
	v30 =	vor.u32 $0x1E, v0;
	v31 =	vor.u32 $0x1F, v0;
	s6 =	sadd.s32 $0xE00, s10;
	s7 =	sadd.s32 $0x1600, s10;
	s10 =	smax.u32 s23, $0x1  }
.LBB2_1:
0x39: {  	[tilespmem:s1], [sflag:$0x2] =	stream.strided.gather [hbm4b:s5+s11], $0x200, s12, s11, $0x38;
	[tilespmem:$0x2200] =	vst v63  }
0x3a: {  	_ =	swait.ge [sflag:s13], $0x200  }
0x3b: {  	[sflag:s13] =	ssyncset.done $0x0  }
0x3c: {  	[sflag:s13] =	ssyncadd.s32 $0xFFFFFE00  }
0x3d: {  	[tilespmem:s14], [sflag:$0x2] =	stream.strided.gather [hbm4b:s6+s11], $0x200, s12, s11, $0x38;
	[tilespmem:$0x2200] =	vst v63  }
0x3e: {  	_ =	swait.ge [sflag:s13], $0x200  }
0x3f: {  	[sflag:s13] =	ssyncset.done $0x0  }
0x40: {  	[sflag:s13] =	ssyncadd.s32 $0xFFFFFE00  }
0x41: {  	[tilespmem:s12], [sflag:$0x2] =	stream.strided.gather [hbm4b:s7+s11], $0x200, s12, s11, $0x38;
	[tilespmem:$0x2200] =	vst v63  }
0x42: {  	_ =	swait.ge [sflag:s13], $0x200  }
0x43: {  	[sflag:s13] =	ssyncset.done $0x0  }
0x44: {  	s22 =	simm.s32 $0x0;
	[sflag:s13] =	ssyncadd.s32 $0xFFFFFE00  }
.LBB2_2:
0x45: {  	s23 =	sshra.s32 s22, $0x2  }
0x46: {  	v32 =	vld [tilespmem:s23+$0x0];
	_ =	sdelay $0x1  }
0x47: {  	v33 =	vld [tilespmem:s23+$0x200];
	_ =	sdelay $0x1  }
0x48: {  	v60 =	vld [tilespmem:s23+$0x400]  }
0x49: {  	v34 =	vshll.u32 v32, $0x4  }
0x4a: {  	(v2sf) =	vpush v34, $0x0  }
0x4b: {  	v33 =	vshll.u32 v33, $0x4  }
0x4c: {  	(v2sf) =	vpush v33, $0x0  }
0x4d: {  	v32 =	vshll.u32 v60, $0x4  }
0x4e: {  	(v2sf) =	vpush v32, $0x0;
	_ =	sdelay $0x2  }
0x4f: {  	(v2sf) =	vpush v34, $0x1;
	_ =	sdelay $0x7  }
0x50: {  	s24 =	spop (v2sf);
	(v2sf) =	vpush v33, $0x1;
	_ =	sdelay $0x1  }
0x51: {  	s31 =	spop (v2sf);
	(v2sf) =	vpush v32, $0x1;
	_ =	sdelay $0x1  }
0x52: {  	s25 =	spop (v2sf);
	(v2sf) =	vpush v34, $0x2;
	_ =	sdelay $0x1  }
0x53: {  	s24 =	sand.u32 $0x1FFFFFF0, s24  }
0x54: {  	s24 =	sadd.s32 s3, s24;
	s26 =	spop (v2sf);
	(v2sf) =	vpush v33, $0x2  }
0x55: {  	[tilespmem:s15], [sflag:$0x1] =	stream.linear.gather [hbm4b:s24+s1], $0x80, $0x38;
	[tilespmem:$0x2200] =	vst v63  }
0x56: {  	s24 =	sand.u32 $0x1FFFFFF0, s31  }
0x57: {  	s24 =	sadd.s32 s4, s24  }
0x58: {  	[tilespmem:s16], [sflag:$0x1] =	stream.linear.gather [hbm4b:s24+s1], $0x80, $0x38;
	[tilespmem:$0x2200] =	vst v63  }
0x59: {  	s24 =	sand.u32 $0x1FFFFFF0, s25  }
0x5a: {  	s24 =	sadd.s32 s4, s24  }
0x5b: {  	[tilespmem:s17], [sflag:$0x1] =	stream.linear.gather [hbm4b:s24+s1], $0x80, $0x38;
	[tilespmem:$0x2200] =	vst v63  }
0x5c: {  	s28 =	spop (v2sf);
	(v2sf) =	vpush v32, $0x2  }
0x5d: {  	s24 =	sand.u32 $0x1FFFFFF0, s26  }
0x5e: {  	s25 =	rddreg [dreg:$0x3];
	s24 =	sadd.s32 s3, s24;
	s30 =	spop (v2sf);
	(v2sf) =	vpush v34, $0x3  }
0x5f: {  	[tilespmem:s25], [sflag:$0x1] =	stream.linear.gather [hbm4b:s24+s1], $0x80, $0x38;
	[tilespmem:$0x2200] =	vst v63  }
0x60: {  	s25 =	spop (v2sf);
	(v2sf) =	vpush v33, $0x3;
	_ =	sdelay $0x2  }
0x61: {  	s24 =	sand.u32 $0x1FFFFFF0, s28;
	s28 =	spop (v2sf);
	(v2sf) =	vpush v32, $0x3;
	_ =	sdelay $0x2  }
0x62: {  	s29 =	rddreg [dreg:$0x4];
	s24 =	sadd.s32 s4, s24  }
0x63: {  	[tilespmem:s29], [sflag:$0x1] =	stream.linear.gather [hbm4b:s24+s1], $0x80, $0x38;
	[tilespmem:$0x2200] =	vst v63  }
0x64: {  	s24 =	sand.u32 $0x1FFFFFF0, s30  }
0x65: {  	s31 =	rddreg [dreg:$0x5];
	s24 =	sadd.s32 s4, s24  }
0x66: {  	[tilespmem:s31], [sflag:$0x1] =	stream.linear.gather [hbm4b:s24+s1], $0x80, $0x38;
	[tilespmem:$0x2200] =	vst v63  }
0x67: {  	s30 =	spop (v2sf);
	(v2sf) =	vpush v34, $0x4  }
0x68: {  	s24 =	sand.u32 $0x1FFFFFF0, s25  }
0x69: {  	s26 =	rddreg [dreg:$0x6];
	s24 =	sadd.s32 s3, s24;
	s25 =	spop (v2sf);
	(v2sf) =	vpush v33, $0x4  }
0x6a: {  	[tilespmem:s26], [sflag:$0x1] =	stream.linear.gather [hbm4b:s24+s1], $0x80, $0x38;
	[tilespmem:$0x2200] =	vst v63  }
0x6b: {  	s24 =	sand.u32 $0x1FFFFFF0, s28;
	s28 =	spop (v2sf);
	(v2sf) =	vpush v32, $0x4  }
0x6c: {  	s29 =	rddreg [dreg:$0x7];
	s24 =	sadd.s32 s4, s24  }
0x6d: {  	[tilespmem:s29], [sflag:$0x1] =	stream.linear.gather [hbm4b:s24+s1], $0x80, $0x38;
	[tilespmem:$0x2200] =	vst v63  }
0x6e: {  	s24 =	sand.u32 $0x1FFFFFF0, s30;
	s30 =	spop (v2sf);
	(v2sf) =	vpush v34, $0x5;
	_ =	sdelay $0x2  }
0x6f: {  	s31 =	rddreg [dreg:$0x8];
	s24 =	sadd.s32 s4, s24  }
0x70: {  	[tilespmem:s31], [sflag:$0x1] =	stream.linear.gather [hbm4b:s24+s1], $0x80, $0x38;
	[tilespmem:$0x2200] =	vst v63  }
0x71: {  	s24 =	sand.u32 $0x1FFFFFF0, s25  }
0x72: {  	s26 =	rddreg [dreg:$0x9];
	s24 =	sadd.s32 s3, s24  }
0x73: {  	[tilespmem:s26], [sflag:$0x1] =	stream.linear.gather [hbm4b:s24+s1], $0x80, $0x38;
	[tilespmem:$0x2200] =	vst v63  }
0x74: {  	s25 =	spop (v2sf);
	(v2sf) =	vpush v33, $0x5  }
0x75: {  	s24 =	sand.u32 $0x1FFFFFF0, s28  }
0x76: {  	s29 =	rddreg [dreg:$0xa];
	s24 =	sadd.s32 s4, s24;
	s28 =	spop (v2sf);
	(v2sf) =	vpush v32, $0x5  }
0x77: {  	[tilespmem:s29], [sflag:$0x1] =	stream.linear.gather [hbm4b:s24+s1], $0x80, $0x38;
	[tilespmem:$0x2200] =	vst v63  }
0x78: {  	s24 =	sand.u32 $0x1FFFFFF0, s30;
	s30 =	spop (v2sf);
	(v2sf) =	vpush v34, $0x6  }
0x79: {  	s31 =	rddreg [dreg:$0xb];
	s24 =	sadd.s32 s4, s24  }
0x7a: {  	[tilespmem:s31], [sflag:$0x1] =	stream.linear.gather [hbm4b:s24+s1], $0x80, $0x38;
	[tilespmem:$0x2200] =	vst v63  }
0x7b: {  	s24 =	sand.u32 $0x1FFFFFF0, s25;
	s25 =	spop (v2sf);
	(v2sf) =	vpush v33, $0x6;
	_ =	sdelay $0x2  }
0x7c: {  	s26 =	rddreg [dreg:$0xc];
	s24 =	sadd.s32 s3, s24  }
0x7d: {  	[tilespmem:s26], [sflag:$0x1] =	stream.linear.gather [hbm4b:s24+s1], $0x80, $0x38;
	[tilespmem:$0x2200] =	vst v63  }
0x7e: {  	s24 =	sand.u32 $0x1FFFFFF0, s28  }
0x7f: {  	s29 =	rddreg [dreg:$0xd];
	s24 =	sadd.s32 s4, s24  }
0x80: {  	[tilespmem:s29], [sflag:$0x1] =	stream.linear.gather [hbm4b:s24+s1], $0x80, $0x38;
	[tilespmem:$0x2200] =	vst v63  }
0x81: {  	s28 =	spop (v2sf);
	(v2sf) =	vpush v32, $0x6  }
0x82: {  	s24 =	sand.u32 $0x1FFFFFF0, s30  }
0x83: {  	s31 =	rddreg [dreg:$0xe];
	s24 =	sadd.s32 s4, s24;
	s30 =	spop (v2sf);
	(v2sf) =	vpush v34, $0x7  }
0x84: {  	[tilespmem:s31], [sflag:$0x1] =	stream.linear.gather [hbm4b:s24+s1], $0x80, $0x38;
	[tilespmem:$0x2200] =	vst v63  }
0x85: {  	s24 =	sand.u32 $0x1FFFFFF0, s25;
	s25 =	spop (v2sf);
	(v2sf) =	vpush v33, $0x7  }
0x86: {  	s26 =	rddreg [dreg:$0xf];
	s24 =	sadd.s32 s3, s24  }
0x87: {  	[tilespmem:s26], [sflag:$0x1] =	stream.linear.gather [hbm4b:s24+s1], $0x80, $0x38;
	[tilespmem:$0x2200] =	vst v63  }
0x88: {  	s24 =	sand.u32 $0x1FFFFFF0, s28;
	s28 =	spop (v2sf);
	(v2sf) =	vpush v32, $0x7;
	_ =	sdelay $0x2  }
0x89: {  	s29 =	rddreg [dreg:$0x10];
	s24 =	sadd.s32 s4, s24  }
0x8a: {  	[tilespmem:s29], [sflag:$0x1] =	stream.linear.gather [hbm4b:s24+s1], $0x80, $0x38;
	[tilespmem:$0x2200] =	vst v63  }
0x8b: {  	s24 =	sand.u32 $0x1FFFFFF0, s30  }
0x8c: {  	s31 =	rddreg [dreg:$0x11];
	s24 =	sadd.s32 s4, s24  }
0x8d: {  	[tilespmem:s31], [sflag:$0x1] =	stream.linear.gather [hbm4b:s24+s1], $0x80, $0x38;
	[tilespmem:$0x2200] =	vst v63  }
0x8e: {  	s30 =	spop (v2sf);
	(v2sf) =	vpush v34, $0x8  }
0x8f: {  	s24 =	sand.u32 $0x1FFFFFF0, s25  }
0x90: {  	s26 =	rddreg [dreg:$0x12];
	s24 =	sadd.s32 s3, s24;
	s25 =	spop (v2sf);
	(v2sf) =	vpush v33, $0x8  }
0x91: {  	[tilespmem:s26], [sflag:$0x1] =	stream.linear.gather [hbm4b:s24+s1], $0x80, $0x38;
	[tilespmem:$0x2200] =	vst v63  }
0x92: {  	s24 =	sand.u32 $0x1FFFFFF0, s28;
	s28 =	spop (v2sf);
	(v2sf) =	vpush v32, $0x8  }
0x93: {  	s29 =	rddreg [dreg:$0x13];
	s24 =	sadd.s32 s4, s24  }
0x94: {  	[tilespmem:s29], [sflag:$0x1] =	stream.linear.gather [hbm4b:s24+s1], $0x80, $0x38;
	[tilespmem:$0x2200] =	vst v63  }
0x95: {  	s24 =	sand.u32 $0x1FFFFFF0, s30;
	s30 =	spop (v2sf);
	(v2sf) =	vpush v34, $0x9;
	_ =	sdelay $0x2  }
0x96: {  	s31 =	rddreg [dreg:$0x14];
	s24 =	sadd.s32 s4, s24  }
0x97: {  	[tilespmem:s31], [sflag:$0x1] =	stream.linear.gather [hbm4b:s24+s1], $0x80, $0x38;
	[tilespmem:$0x2200] =	vst v63  }
0x98: {  	s24 =	sand.u32 $0x1FFFFFF0, s25  }
0x99: {  	s26 =	rddreg [dreg:$0x15];
	s24 =	sadd.s32 s3, s24  }
0x9a: {  	[tilespmem:s26], [sflag:$0x1] =	stream.linear.gather [hbm4b:s24+s1], $0x80, $0x38;
	[tilespmem:$0x2200] =	vst v63  }
0x9b: {  	s25 =	spop (v2sf);
	(v2sf) =	vpush v33, $0x9  }
0x9c: {  	s24 =	sand.u32 $0x1FFFFFF0, s28  }
0x9d: {  	s29 =	rddreg [dreg:$0x16];
	s24 =	sadd.s32 s4, s24;
	s28 =	spop (v2sf);
	(v2sf) =	vpush v32, $0x9  }
0x9e: {  	[tilespmem:s29], [sflag:$0x1] =	stream.linear.gather [hbm4b:s24+s1], $0x80, $0x38;
	[tilespmem:$0x2200] =	vst v63  }
0x9f: {  	s24 =	sand.u32 $0x1FFFFFF0, s30;
	s30 =	spop (v2sf);
	(v2sf) =	vpush v34, $0xA  }
0xa0: {  	s31 =	rddreg [dreg:$0x17];
	s24 =	sadd.s32 s4, s24  }
0xa1: {  	[tilespmem:s31], [sflag:$0x1] =	stream.linear.gather [hbm4b:s24+s1], $0x80, $0x38;
	[tilespmem:$0x2200] =	vst v63  }
0xa2: {  	s24 =	sand.u32 $0x1FFFFFF0, s25;
	s25 =	spop (v2sf);
	(v2sf) =	vpush v33, $0xA;
	_ =	sdelay $0x2  }
0xa3: {  	s26 =	rddreg [dreg:$0x18];
	s24 =	sadd.s32 s3, s24  }
0xa4: {  	[tilespmem:s26], [sflag:$0x1] =	stream.linear.gather [hbm4b:s24+s1], $0x80, $0x38;
	[tilespmem:$0x2200] =	vst v63  }
0xa5: {  	s24 =	sand.u32 $0x1FFFFFF0, s28  }
0xa6: {  	s29 =	rddreg [dreg:$0x19];
	s24 =	sadd.s32 s4, s24  }
0xa7: {  	[tilespmem:s29], [sflag:$0x1] =	stream.linear.gather [hbm4b:s24+s1], $0x80, $0x38;
	[tilespmem:$0x2200] =	vst v63  }
0xa8: {  	s28 =	spop (v2sf);
	(v2sf) =	vpush v32, $0xA  }
0xa9: {  	s24 =	sand.u32 $0x1FFFFFF0, s30  }
0xaa: {  	s31 =	rddreg [dreg:$0x1a];
	s24 =	sadd.s32 s4, s24;
	s30 =	spop (v2sf);
	(v2sf) =	vpush v34, $0xB  }
0xab: {  	[tilespmem:s31], [sflag:$0x1] =	stream.linear.gather [hbm4b:s24+s1], $0x80, $0x38;
	[tilespmem:$0x2200] =	vst v63  }
0xac: {  	s24 =	sand.u32 $0x1FFFFFF0, s25;
	s25 =	spop (v2sf);
	(v2sf) =	vpush v33, $0xB  }
0xad: {  	s26 =	rddreg [dreg:$0x1b];
	s24 =	sadd.s32 s3, s24  }
0xae: {  	[tilespmem:s26], [sflag:$0x1] =	stream.linear.gather [hbm4b:s24+s1], $0x80, $0x38;
	[tilespmem:$0x2200] =	vst v63  }
0xaf: {  	s24 =	sand.u32 $0x1FFFFFF0, s28;
	s28 =	spop (v2sf);
	(v2sf) =	vpush v32, $0xB;
	_ =	sdelay $0x1  }
0xb0: {  	s29 =	rddreg [dreg:$0x1c];
	s24 =	sadd.s32 s4, s24  }
0xb1: {  	[tilespmem:s29], [sflag:$0x1] =	stream.linear.gather [hbm4b:s24+s1], $0x80, $0x38;
	[tilespmem:$0x2200] =	vst v63  }
0xb2: {  	s24 =	sand.u32 $0x1FFFFFF0, s30  }
0xb3: {  	s31 =	rddreg [dreg:$0x1d];
	s24 =	sadd.s32 s4, s24  }
0xb4: {  	[tilespmem:s31], [sflag:$0x1] =	stream.linear.gather [hbm4b:s24+s1], $0x80, $0x38;
	[tilespmem:$0x2200] =	vst v63  }
0xb5: {  	s24 =	sand.u32 $0x1FFFFFF0, s25  }
0xb6: {  	s26 =	rddreg [dreg:$0x1e];
	s24 =	sadd.s32 s3, s24;
	s30 =	spop (v2sf);
	(v2sf) =	vpush v34, $0xC  }
0xb7: {  	[tilespmem:s26], [sflag:$0x1] =	stream.linear.gather [hbm4b:s24+s1], $0x80, $0x38;
	[tilespmem:$0x2200] =	vst v63  }
0xb8: {  	s25 =	spop (v2sf);
	(v2sf) =	vpush v33, $0xC  }
0xb9: {  	s29 =	rddreg [dreg:$0x1f];
	s24 =	sand.u32 $0x1FFFFFF0, s28  }
0xba: {  	s31 =	sld [smem:$0x7EE];
	s24 =	sadd.s32 s4, s24;
	s28 =	spop (v2sf);
	(v2sf) =	vpush v32, $0xC  }
0xbb: {  	[tilespmem:s29], [sflag:$0x1] =	stream.linear.gather [hbm4b:s24+s1], $0x80, $0x38;
	[tilespmem:$0x2200] =	vst v63  }
0xbc: {  	s24 =	sand.u32 $0x1FFFFFF0, s30  }
0xbd: {  	s26 =	sld [smem:$0x7EF];
	s24 =	sadd.s32 s4, s24;
	s30 =	spop (v2sf);
	(v2sf) =	vpush v34, $0xD  }
0xbe: {  	[tilespmem:s31], [sflag:$0x1] =	stream.linear.gather [hbm4b:s24+s1], $0x80, $0x38;
	[tilespmem:$0x2200] =	vst v63  }
0xbf: {  	s24 =	sand.u32 $0x1FFFFFF0, s25  }
0xc0: {  	s29 =	sld [smem:$0x7F0];
	s24 =	sadd.s32 s3, s24  }
0xc1: {  	[tilespmem:s26], [sflag:$0x1] =	stream.linear.gather [hbm4b:s24+s1], $0x80, $0x38;
	[tilespmem:$0x2200] =	vst v63  }
0xc2: {  	s24 =	sand.u32 $0x1FFFFFF0, s28  }
0xc3: {  	s24 =	sadd.s32 s4, s24  }
0xc4: {  	[tilespmem:s29], [sflag:$0x1] =	stream.linear.gather [hbm4b:s24+s1], $0x80, $0x38;
	[tilespmem:$0x2200] =	vst v63  }
0xc5: {  	s31 =	sld [smem:$0x7F1];
	s25 =	spop (v2sf);
	(v2sf) =	vpush v33, $0xD  }
0xc6: {  	s24 =	sand.u32 $0x1FFFFFF0, s30  }
0xc7: {  	s26 =	sld [smem:$0x7F2];
	s24 =	sadd.s32 s4, s24;
	s28 =	spop (v2sf);
	(v2sf) =	vpush v32, $0xD  }
0xc8: {  	[tilespmem:s31], [sflag:$0x1] =	stream.linear.gather [hbm4b:s24+s1], $0x80, $0x38;
	[tilespmem:$0x2200] =	vst v63  }
0xc9: {  	s24 =	sand.u32 $0x1FFFFFF0, s25;
	s30 =	spop (v2sf);
	(v2sf) =	vpush v34, $0xE  }
0xca: {  	s24 =	sadd.s32 s3, s24  }
0xcb: {  	[tilespmem:s26], [sflag:$0x1] =	stream.linear.gather [hbm4b:s24+s1], $0x80, $0x38;
	[tilespmem:$0x2200] =	vst v63  }
0xcc: {  	s29 =	sld [smem:$0x7F3];
	s25 =	spop (v2sf);
	(v2sf) =	vpush v33, $0xE  }
0xcd: {  	s24 =	sand.u32 $0x1FFFFFF0, s28  }
0xce: {  	s31 =	sld [smem:$0x7F4];
	s24 =	sadd.s32 s4, s24  }
0xcf: {  	[tilespmem:s29], [sflag:$0x1] =	stream.linear.gather [hbm4b:s24+s1], $0x80, $0x38;
	[tilespmem:$0x2200] =	vst v63  }
0xd0: {  	s24 =	sand.u32 $0x1FFFFFF0, s30  }
0xd1: {  	s26 =	sld [smem:$0x7F5];
	s24 =	sadd.s32 s4, s24  }
0xd2: {  	[tilespmem:s31], [sflag:$0x1] =	stream.linear.gather [hbm4b:s24+s1], $0x80, $0x38;
	[tilespmem:$0x2200] =	vst v63  }
0xd3: {  	s24 =	sand.u32 $0x1FFFFFF0, s25  }
0xd4: {  	s24 =	sadd.s32 s3, s24;
	s28 =	spop (v2sf);
	(v2sf) =	vpush v32, $0xE  }
0xd5: {  	[tilespmem:s26], [sflag:$0x1] =	stream.linear.gather [hbm4b:s24+s1], $0x80, $0x38;
	[tilespmem:$0x2200] =	vst v63  }
0xd6: {  	s29 =	sld [smem:$0x7F6];
	s30 =	spop (v2sf);
	(v2sf) =	vpush v34, $0xF  }
0xd7: {  	s24 =	sand.u32 $0x1FFFFFF0, s28  }
0xd8: {  	s31 =	sld [smem:$0x7F7];
	s24 =	sadd.s32 s4, s24;
	s25 =	spop (v2sf)  }
0xd9: {  	(v2sf) =	vpush v33, $0xF;
	[tilespmem:s29], [sflag:$0x1] =	stream.linear.gather [hbm4b:s24+s1], $0x80, $0x38;
	[tilespmem:$0x2200] =	vst v63  }
0xda: {  	s24 =	sand.u32 $0x1FFFFFF0, s30  }
0xdb: {  	s26 =	sld [smem:$0x7F8];
	s28 =	spop (v2sf);
	s24 =	sadd.s32 s4, s24  }
0xdc: {  	(v2sf) =	vpush v32, $0xF;
	[tilespmem:s31], [sflag:$0x1] =	stream.linear.gather [hbm4b:s24+s1], $0x80, $0x38;
	[tilespmem:$0x2200] =	vst v63  }
0xdd: {  	s24 =	sand.u32 $0x1FFFFFF0, s25  }
0xde: {  	s29 =	sld [smem:$0x7F9];
	s24 =	sadd.s32 s3, s24  }
0xdf: {  	[tilespmem:s26], [sflag:$0x1] =	stream.linear.gather [hbm4b:s24+s1], $0x80, $0x38;
	[tilespmem:$0x2200] =	vst v63  }
0xe0: {  	s24 =	sand.u32 $0x1FFFFFF0, s28  }
0xe1: {  	s24 =	sadd.s32 s4, s24  }
0xe2: {  	[tilespmem:s29], [sflag:$0x1] =	stream.linear.gather [hbm4b:s24+s1], $0x80, $0x38;
	[tilespmem:$0x2200] =	vst v63  }
0xe3: {  	s31 =	sld [smem:$0x7FA];
	s30 =	spop (v2sf)  }
0xe4: {  	s24 =	sand.u32 $0x1FFFFFF0, s30  }
0xe5: {  	s26 =	sld [smem:$0x7FB];
	s25 =	spop (v2sf);
	s24 =	sadd.s32 s4, s24  }
0xe6: {  	[tilespmem:s31], [sflag:$0x1] =	stream.linear.gather [hbm4b:s24+s1], $0x80, $0x38;
	[tilespmem:$0x2200] =	vst v63  }
0xe7: {  	s24 =	sand.u32 $0x1FFFFFF0, s25  }
0xe8: {  	s29 =	sld [smem:$0x7FC];
	s28 =	spop (v2sf);
	s24 =	sadd.s32 s3, s24  }
0xe9: {  	[tilespmem:s26], [sflag:$0x1] =	stream.linear.gather [hbm4b:s24+s1], $0x80, $0x38;
	[tilespmem:$0x2200] =	vst v63  }
0xea: {  	s24 =	sand.u32 $0x1FFFFFF0, s28  }
0xeb: {  	s30 =	spop (v2sf);
	s31 =	sld [smem:$0x7FD];
	s24 =	sadd.s32 s4, s24  }
0xec: {  	[tilespmem:s29], [sflag:$0x1] =	stream.linear.gather [hbm4b:s24+s1], $0x80, $0x38;
	[tilespmem:$0x2200] =	vst v63  }
0xed: {  	s24 =	sand.u32 $0x1FFFFFF0, s30  }
0xee: {  	s24 =	sadd.s32 s4, s24  }
0xef: {  	[tilespmem:s31], [sflag:$0x1] =	stream.linear.gather [hbm4b:s24+s1], $0x80, $0x38;
	[tilespmem:$0x2200] =	vst v63  }
0xf0: {  	_ =	swait.ge [sflag:s18], $0x80  }
0xf1: {  	[sflag:s18] =	ssyncset.done $0x0  }
0xf2: {  	[sflag:s18] =	ssyncadd.s32 $0xFFFFFF80  }
0xf3: {  	_ =	swait.ge [sflag:s18], $0x80  }
0xf4: {  	[sflag:s18] =	ssyncset.done $0x0  }
0xf5: {  	[sflag:s18] =	ssyncadd.s32 $0xFFFFFF80  }
0xf6: {  	_ =	swait.ge [sflag:s18], $0x80  }
0xf7: {  	[sflag:s18] =	ssyncset.done $0x0  }
0xf8: {  	[sflag:s18] =	ssyncadd.s32 $0xFFFFFF80  }
0xf9: {  	_ =	swait.ge [sflag:s18], $0x80  }
0xfa: {  	[sflag:s18] =	ssyncset.done $0x0  }
0xfb: {  	[sflag:s18] =	ssyncadd.s32 $0xFFFFFF80  }
0xfc: {  	_ =	swait.ge [sflag:s18], $0x80  }
0xfd: {  	[sflag:s18] =	ssyncset.done $0x0  }
0xfe: {  	[sflag:s18] =	ssyncadd.s32 $0xFFFFFF80  }
0xff: {  	_ =	swait.ge [sflag:s18], $0x80  }
0x100: {  	[sflag:s18] =	ssyncset.done $0x0  }
0x101: {  	[sflag:s18] =	ssyncadd.s32 $0xFFFFFF80  }
0x102: {  	_ =	swait.ge [sflag:s18], $0x80  }
0x103: {  	[sflag:s18] =	ssyncset.done $0x0  }
0x104: {  	[sflag:s18] =	ssyncadd.s32 $0xFFFFFF80  }
0x105: {  	_ =	swait.ge [sflag:s18], $0x80  }
0x106: {  	[sflag:s18] =	ssyncset.done $0x0  }
0x107: {  	[sflag:s18] =	ssyncadd.s32 $0xFFFFFF80  }
0x108: {  	_ =	swait.ge [sflag:s18], $0x80  }
0x109: {  	[sflag:s18] =	ssyncset.done $0x0  }
0x10a: {  	[sflag:s18] =	ssyncadd.s32 $0xFFFFFF80  }
0x10b: {  	_ =	swait.ge [sflag:s18], $0x80  }
0x10c: {  	[sflag:s18] =	ssyncset.done $0x0  }
0x10d: {  	[sflag:s18] =	ssyncadd.s32 $0xFFFFFF80  }
0x10e: {  	_ =	swait.ge [sflag:s18], $0x80  }
0x10f: {  	[sflag:s18] =	ssyncset.done $0x0  }
0x110: {  	[sflag:s18] =	ssyncadd.s32 $0xFFFFFF80  }
0x111: {  	_ =	swait.ge [sflag:s18], $0x80  }
0x112: {  	[sflag:s18] =	ssyncset.done $0x0  }
0x113: {  	[sflag:s18] =	ssyncadd.s32 $0xFFFFFF80  }
0x114: {  	_ =	swait.ge [sflag:s18], $0x80  }
0x115: {  	[sflag:s18] =	ssyncset.done $0x0  }
0x116: {  	[sflag:s18] =	ssyncadd.s32 $0xFFFFFF80  }
0x117: {  	_ =	swait.ge [sflag:s18], $0x80  }
0x118: {  	[sflag:s18] =	ssyncset.done $0x0  }
0x119: {  	[sflag:s18] =	ssyncadd.s32 $0xFFFFFF80  }
0x11a: {  	_ =	swait.ge [sflag:s18], $0x80  }
0x11b: {  	[sflag:s18] =	ssyncset.done $0x0  }
0x11c: {  	[sflag:s18] =	ssyncadd.s32 $0xFFFFFF80  }
0x11d: {  	_ =	swait.ge [sflag:s18], $0x80  }
0x11e: {  	[sflag:s18] =	ssyncset.done $0x0  }
0x11f: {  	[sflag:s18] =	ssyncadd.s32 $0xFFFFFF80  }
0x120: {  	_ =	swait.ge [sflag:s18], $0x80  }
0x121: {  	[sflag:s18] =	ssyncset.done $0x0  }
0x122: {  	[sflag:s18] =	ssyncadd.s32 $0xFFFFFF80  }
0x123: {  	_ =	swait.ge [sflag:s18], $0x80  }
0x124: {  	[sflag:s18] =	ssyncset.done $0x0  }
0x125: {  	[sflag:s18] =	ssyncadd.s32 $0xFFFFFF80  }
0x126: {  	_ =	swait.ge [sflag:s18], $0x80  }
0x127: {  	[sflag:s18] =	ssyncset.done $0x0  }
0x128: {  	[sflag:s18] =	ssyncadd.s32 $0xFFFFFF80  }
0x129: {  	_ =	swait.ge [sflag:s18], $0x80  }
0x12a: {  	[sflag:s18] =	ssyncset.done $0x0  }
0x12b: {  	[sflag:s18] =	ssyncadd.s32 $0xFFFFFF80  }
0x12c: {  	_ =	swait.ge [sflag:s18], $0x80  }
0x12d: {  	[sflag:s18] =	ssyncset.done $0x0  }
0x12e: {  	[sflag:s18] =	ssyncadd.s32 $0xFFFFFF80  }
0x12f: {  	_ =	swait.ge [sflag:s18], $0x80  }
0x130: {  	[sflag:s18] =	ssyncset.done $0x0  }
0x131: {  	[sflag:s18] =	ssyncadd.s32 $0xFFFFFF80  }
0x132: {  	_ =	swait.ge [sflag:s18], $0x80  }
0x133: {  	[sflag:s18] =	ssyncset.done $0x0  }
0x134: {  	[sflag:s18] =	ssyncadd.s32 $0xFFFFFF80  }
0x135: {  	_ =	swait.ge [sflag:s18], $0x80  }
0x136: {  	[sflag:s18] =	ssyncset.done $0x0  }
0x137: {  	[sflag:s18] =	ssyncadd.s32 $0xFFFFFF80  }
0x138: {  	_ =	swait.ge [sflag:s18], $0x80  }
0x139: {  	[sflag:s18] =	ssyncset.done $0x0  }
0x13a: {  	[sflag:s18] =	ssyncadd.s32 $0xFFFFFF80  }
0x13b: {  	_ =	swait.ge [sflag:s18], $0x80  }
0x13c: {  	[sflag:s18] =	ssyncset.done $0x0  }
0x13d: {  	[sflag:s18] =	ssyncadd.s32 $0xFFFFFF80  }
0x13e: {  	_ =	swait.ge [sflag:s18], $0x80  }
0x13f: {  	[sflag:s18] =	ssyncset.done $0x0  }
0x140: {  	[sflag:s18] =	ssyncadd.s32 $0xFFFFFF80  }
0x141: {  	_ =	swait.ge [sflag:s18], $0x80  }
0x142: {  	[sflag:s18] =	ssyncset.done $0x0  }
0x143: {  	[sflag:s18] =	ssyncadd.s32 $0xFFFFFF80  }
0x144: {  	_ =	swait.ge [sflag:s18], $0x80  }
0x145: {  	[sflag:s18] =	ssyncset.done $0x0  }
0x146: {  	[sflag:s18] =	ssyncadd.s32 $0xFFFFFF80  }
0x147: {  	_ =	swait.ge [sflag:s18], $0x80  }
0x148: {  	[sflag:s18] =	ssyncset.done $0x0  }
0x149: {  	[sflag:s18] =	ssyncadd.s32 $0xFFFFFF80  }
0x14a: {  	_ =	swait.ge [sflag:s18], $0x80  }
0x14b: {  	[sflag:s18] =	ssyncset.done $0x0  }
0x14c: {  	[sflag:s18] =	ssyncadd.s32 $0xFFFFFF80  }
0x14d: {  	_ =	swait.ge [sflag:s18], $0x80  }
0x14e: {  	[sflag:s18] =	ssyncset.done $0x0  }
0x14f: {  	[sflag:s18] =	ssyncadd.s32 $0xFFFFFF80  }
0x150: {  	_ =	swait.ge [sflag:s18], $0x80  }
0x151: {  	[sflag:s18] =	ssyncset.done $0x0  }
0x152: {  	[sflag:s18] =	ssyncadd.s32 $0xFFFFFF80  }
0x153: {  	_ =	swait.ge [sflag:s18], $0x80  }
0x154: {  	[sflag:s18] =	ssyncset.done $0x0  }
0x155: {  	[sflag:s18] =	ssyncadd.s32 $0xFFFFFF80  }
0x156: {  	_ =	swait.ge [sflag:s18], $0x80  }
0x157: {  	[sflag:s18] =	ssyncset.done $0x0  }
0x158: {  	[sflag:s18] =	ssyncadd.s32 $0xFFFFFF80  }
0x159: {  	_ =	swait.ge [sflag:s18], $0x80  }
0x15a: {  	[sflag:s18] =	ssyncset.done $0x0  }
0x15b: {  	[sflag:s18] =	ssyncadd.s32 $0xFFFFFF80  }
0x15c: {  	_ =	swait.ge [sflag:s18], $0x80  }
0x15d: {  	[sflag:s18] =	ssyncset.done $0x0  }
0x15e: {  	[sflag:s18] =	ssyncadd.s32 $0xFFFFFF80  }
0x15f: {  	_ =	swait.ge [sflag:s18], $0x80  }
0x160: {  	[sflag:s18] =	ssyncset.done $0x0  }
0x161: {  	[sflag:s18] =	ssyncadd.s32 $0xFFFFFF80  }
0x162: {  	_ =	swait.ge [sflag:s18], $0x80  }
0x163: {  	[sflag:s18] =	ssyncset.done $0x0  }
0x164: {  	[sflag:s18] =	ssyncadd.s32 $0xFFFFFF80  }
0x165: {  	_ =	swait.ge [sflag:s18], $0x80  }
0x166: {  	[sflag:s18] =	ssyncset.done $0x0  }
0x167: {  	[sflag:s18] =	ssyncadd.s32 $0xFFFFFF80  }
0x168: {  	_ =	swait.ge [sflag:s18], $0x80  }
0x169: {  	[sflag:s18] =	ssyncset.done $0x0  }
0x16a: {  	[sflag:s18] =	ssyncadd.s32 $0xFFFFFF80  }
0x16b: {  	_ =	swait.ge [sflag:s18], $0x80  }
0x16c: {  	[sflag:s18] =	ssyncset.done $0x0  }
0x16d: {  	[sflag:s18] =	ssyncadd.s32 $0xFFFFFF80  }
0x16e: {  	_ =	swait.ge [sflag:s18], $0x80  }
0x16f: {  	[sflag:s18] =	ssyncset.done $0x0  }
0x170: {  	[sflag:s18] =	ssyncadd.s32 $0xFFFFFF80  }
0x171: {  	_ =	swait.ge [sflag:s18], $0x80  }
0x172: {  	[sflag:s18] =	ssyncset.done $0x0  }
0x173: {  	[sflag:s18] =	ssyncadd.s32 $0xFFFFFF80  }
0x174: {  	_ =	swait.ge [sflag:s18], $0x80  }
0x175: {  	[sflag:s18] =	ssyncset.done $0x0  }
0x176: {  	[sflag:s18] =	ssyncadd.s32 $0xFFFFFF80  }
0x177: {  	_ =	swait.ge [sflag:s18], $0x80  }
0x178: {  	[sflag:s18] =	ssyncset.done $0x0  }
0x179: {  	[sflag:s18] =	ssyncadd.s32 $0xFFFFFF80  }
0x17a: {  	_ =	swait.ge [sflag:s18], $0x80  }
0x17b: {  	[sflag:s18] =	ssyncset.done $0x0  }
0x17c: {  	[sflag:s18] =	ssyncadd.s32 $0xFFFFFF80  }
0x17d: {  	_ =	swait.ge [sflag:s18], $0x80  }
0x17e: {  	[sflag:s18] =	ssyncset.done $0x0  }
0x17f: {  	[sflag:s18] =	ssyncadd.s32 $0xFFFFFF80  }
0x180: {  	v61 =	vld.idx.msk [tilespmem:v0+s15+$0x0], $0xffff  }
0x181: {  	v62 =	vld.idx.msk [tilespmem:v0+s16+$0x0], $0xffff  }
0x182: {  	v63 =	vld.idx.msk [tilespmem:v0+s17+$0x0], $0xffff  }
0x183: {  	v35 =	vld.idx.msk [tilespmem:v1+s16+$0x0], $0xffff  }
0x184: {  	v36 =	vld.idx.msk [tilespmem:v1+s17+$0x0], $0xffff  }
0x185: {  	v37 =	vld.idx.msk [tilespmem:v1+s15+$0x0], $0xffff  }
0x186: {  	v38 =	vld.idx.msk [tilespmem:v2+s16+$0x0], $0xffff  }
0x187: {  	v40 =	vld.idx.msk [tilespmem:v2+s17+$0x0], $0xffff  }
0x188: {  	v43 =	vld.idx.msk [tilespmem:v3+s16+$0x0], $0xffff  }
0x189: {  	v45 =	vld.idx.msk [tilespmem:v3+s15+$0x0], $0xffff  }
0x18a: {  	v44 =	vld.idx.msk [tilespmem:v3+s17+$0x0], $0xffff;
	v32 =	vmul.f32 v61, v61  }
0x18b: {  	v41 =	vld.idx.msk [tilespmem:v2+s15+$0x0], $0xffff;
	v33 =	vmul.f32 v62, v62;
	v34 =	vmul.f32 v63, v63  }
0x18c: {  	v47 =	vld.idx.msk [tilespmem:v4+s16+$0x0], $0xffff;
	v42 =	vsub.f32 v35, v36;
	v35 =	vmul.f32 v35, v35;
	v36 =	vmul.f32 v36, v36  }
0x18d: {  	v49 =	vld.idx.msk [tilespmem:v4+s15+$0x0], $0xffff;
	v39 =	vsub.f32 v62, v63;
	v50 =	vmul.f32 v38, v38;
	v52 =	vmul.f32 v40, v40  }
0x18e: {  	v55 =	vld.idx.msk [tilespmem:v5+s15+$0x0], $0xffff;
	v54 =	vmul.f32 v45, v45;
	v56 =	vmul.f32 v43, v43  }
0x18f: {  	v58 =	vld.idx.msk [tilespmem:v6+s16+$0x0], $0xffff;
	v46 =	vsub.f32 v38, v40;
	v59 =	vmul.f32 v44, v44;
	v39 =	vmul.f32 v39, v61  }
0x190: {  	v51 =	vsub.f32 v43, v44;
	v40 =	vld.idx.msk [tilespmem:v5+s17+$0x0], $0xffff;
	v42 =	vmul.f32 v42, v37;
	v37 =	vmul.f32 v37, v37  }
0x191: {  	v62 =	vld.idx.msk [tilespmem:v6+s15+$0x0], $0xffff;
	v33 =	vadd.f32 v35, v33;
	v48 =	vmul.f32 v46, v41;
	v34 =	vadd.f32 v36, v34  }
0x192: {  	v41 =	vmul.f32 v41, v41;
	v46 =	vld.idx.msk [tilespmem:v5+s16+$0x0], $0xffff;
	v39 =	vadd.f32 $0.0e+00, v39;
	v32 =	vadd.f32 v37, v32  }
0x193: {  	v63 =	vmul.f32 v47, v47;
	v37 =	vld.idx.msk [tilespmem:v4+s17+$0x0], $0xffff;
	v33 =	vadd.f32 v50, v33;
	v34 =	vadd.f32 v52, v34  }
0x194: {  	v60 =	vld.idx.msk [tilespmem:v6+s17+$0x0], $0xffff;
	v53 =	vmul.f32 v51, v45;
	v39 =	vadd.f32 v42, v39;
	v32 =	vadd.f32 v41, v32  }
0x195: {  	v38 =	vld.idx.msk [tilespmem:v9+s17+$0x0], $0xffff;
	v33 =	vadd.f32 v56, v33;
	v42 =	vmul.f32 v49, v49;
	v34 =	vadd.f32 v59, v34  }
0x196: {  	v51 =	vld.idx.msk [tilespmem:v7+s15+$0x0], $0xffff;
	v41 =	vmul.f32 v55, v55;
	v56 =	vmul.f32 v62, v62;
	v35 =	vadd.f32 v48, v39  }
0x197: {  	v52 =	vmul.f32 v46, v46;
	v32 =	vadd.f32 v54, v32;
	v48 =	vsub.f32 v46, v40;
	v39 =	vld.idx.msk [tilespmem:v7+s17+$0x0], $0xffff  }
0x198: {  	v33 =	vadd.f32 v63, v33;
	v46 =	vld.idx.msk [tilespmem:v8+s16+$0x0], $0xffff;
	v54 =	vmul.f32 v40, v40;
	v57 =	vsub.f32 v47, v37  }
0x199: {  	v63 =	vld.idx.msk [tilespmem:v9+s15+$0x0], $0xffff;
	v37 =	vmul.f32 v37, v37;
	v35 =	vadd.f32 v53, v35;
	v32 =	vadd.f32 v42, v32  }
0x19a: {  	v40 =	vld.idx.msk [tilespmem:v8+s17+$0x0], $0xffff;
	v50 =	vmul.f32 v48, v55;
	v53 =	vsub.f32 v58, v60;
	v58 =	vmul.f32 v58, v58  }
0x19b: {  	v33 =	vadd.f32 v52, v33;
	v60 =	vmul.f32 v60, v60;
	v61 =	vmul.f32 v57, v49;
	v49 =	vld.idx.msk [tilespmem:v7+s16+$0x0], $0xffff  }
0x19c: {  	v45 =	vld.idx.msk [tilespmem:v9+s16+$0x0], $0xffff;
	v34 =	vadd.f32 v37, v34;
	v32 =	vadd.f32 v41, v32;
	v55 =	vmul.f32 v53, v62  }
0x19d: {  	v57 =	vld.idx.msk [tilespmem:v8+s15+$0x0], $0xffff;
	v33 =	vadd.f32 v58, v33;
	v62 =	vmul.f32 v51, v51;
	v35 =	vadd.f32 v61, v35  }
0x19e: {  	v47 =	vld.idx.msk [tilespmem:v10+s16+$0x0], $0xffff;
	v34 =	vadd.f32 v54, v34;
	v54 =	vmul.f32 v46, v46;
	v58 =	vmul.f32 v63, v63  }
0x19f: {  	v53 =	vld.idx.msk [tilespmem:v10+s15+$0x0], $0xffff;
	v32 =	vadd.f32 v56, v32;
	v56 =	vmul.f32 v40, v40;
	v35 =	vadd.f32 v50, v35  }
0x1a0: {  	v34 =	vadd.f32 v60, v34;
	v50 =	vmul.f32 v39, v39;
	v59 =	vsub.f32 v49, v39;
	v39 =	vld.idx.msk [tilespmem:v10+s17+$0x0], $0xffff  }
0x1a1: {  	v60 =	vmul.f32 v45, v45;
	v48 =	vmul.f32 v49, v49;
	v49 =	vsub.f32 v46, v40;
	v46 =	vld.idx.msk [tilespmem:v11+s16+$0x0], $0xffff  }
0x1a2: {  	v32 =	vadd.f32 v62, v32;
	v52 =	vmul.f32 v57, v57;
	v40 =	vld.idx.msk [tilespmem:v11+s17+$0x0], $0xffff;
	v35 =	vadd.f32 v55, v35  }
0x1a3: {  	v62 =	vmul.f32 v38, v38;
	v34 =	vadd.f32 v50, v34;
	v55 =	vsub.f32 v45, v38;
	v45 =	vld.idx.msk [tilespmem:v12+s16+$0x0], $0xffff  }
0x1a4: {  	v38 =	vld.idx.msk [tilespmem:v12+s17+$0x0], $0xffff;
	v50 =	vmul.f32 v47, v47;
	v61 =	vmul.f32 v59, v51;
	v33 =	vadd.f32 v48, v33  }
0x1a5: {  	v51 =	vmul.f32 v49, v57;
	v32 =	vadd.f32 v52, v32;
	v59 =	vld.idx.msk [tilespmem:v11+s15+$0x0], $0xffff;
	v34 =	vadd.f32 v56, v34  }
0x1a6: {  	v48 =	vmul.f32 v53, v53;
	v49 =	vld.idx.msk [tilespmem:v12+s15+$0x0], $0xffff;
	v35 =	vadd.f32 v61, v35;
	v33 =	vadd.f32 v54, v33  }
0x1a7: {  	v57 =	vmul.f32 v55, v63;
	v55 =	vld.idx.msk [tilespmem:v13+s15+$0x0], $0xffff;
	v32 =	vadd.f32 v58, v32;
	v61 =	vsub.f32 v47, v39  }
0x1a8: {  	v34 =	vadd.f32 v62, v34;
	v47 =	vld.idx.msk [tilespmem:v13+s16+$0x0], $0xffff;
	v52 =	vmul.f32 v39, v39;
	v56 =	vmul.f32 v46, v46  }
0x1a9: {  	v39 =	vld.idx.msk [tilespmem:v13+s17+$0x0], $0xffff;
	v58 =	vmul.f32 v40, v40;
	v35 =	vadd.f32 v51, v35;
	v51 =	vsub.f32 v46, v40  }
0x1aa: {  	v32 =	vadd.f32 v48, v32;
	v46 =	vld.idx.msk [tilespmem:v14+s16+$0x0], $0xffff;
	v62 =	vmul.f32 v45, v45;
	v48 =	vmul.f32 v38, v38  }
0x1ab: {  	v33 =	vadd.f32 v60, v33;
	v40 =	vld.idx.msk [tilespmem:v14+s17+$0x0], $0xffff;
	v63 =	vmul.f32 v61, v53;
	v54 =	vmul.f32 v59, v59  }
0x1ac: {  	v34 =	vadd.f32 v52, v34;
	v60 =	vmul.f32 v49, v49;
	v61 =	vld.idx.msk [tilespmem:v14+s15+$0x0], $0xffff;
	v35 =	vadd.f32 v57, v35  }
0x1ad: {  	v33 =	vadd.f32 v50, v33;
	v53 =	vmul.f32 v51, v59;
	v57 =	vsub.f32 v45, v38;
	v45 =	vld.idx.msk [tilespmem:v15+s16+$0x0], $0xffff  }
0x1ae: {  	v38 =	vld.idx.msk [tilespmem:v15+s17+$0x0], $0xffff;
	v50 =	vmul.f32 v55, v55;
	v32 =	vadd.f32 v54, v32;
	v34 =	vadd.f32 v58, v34  }
0x1af: {  	v51 =	vld.idx.msk [tilespmem:v15+s15+$0x0], $0xffff;
	v35 =	vadd.f32 v63, v35;
	v33 =	vadd.f32 v56, v33;
	v59 =	vmul.f32 v57, v49  }
0x1b0: {  	v63 =	vsub.f32 v47, v39;
	v52 =	vmul.f32 v47, v47;
	v47 =	vld.idx.msk [tilespmem:v16+s16+$0x0], $0xffff;
	v54 =	vmul.f32 v39, v39  }
0x1b1: {  	v39 =	vld.idx.msk [tilespmem:v16+s17+$0x0], $0xffff;
	v32 =	vadd.f32 v60, v32;
	v34 =	vadd.f32 v48, v34;
	v58 =	vmul.f32 v46, v46  }
0x1b2: {  	v57 =	vld.idx.msk [tilespmem:v16+s15+$0x0], $0xffff;
	v60 =	vmul.f32 v40, v40;
	v35 =	vadd.f32 v53, v35;
	v33 =	vadd.f32 v62, v33  }
0x1b3: {  	v49 =	vmul.f32 v63, v55;
	v53 =	vsub.f32 v46, v40;
	v56 =	vmul.f32 v61, v61;
	v46 =	vld.idx.msk [tilespmem:v17+s16+$0x0], $0xffff  }
0x1b4: {  	v40 =	vld.idx.msk [tilespmem:v17+s17+$0x0], $0xffff;
	v32 =	vadd.f32 v50, v32;
	v34 =	vadd.f32 v54, v34;
	v62 =	vmul.f32 v51, v51  }
0x1b5: {  	v63 =	vld.idx.msk [tilespmem:v17+s15+$0x0], $0xffff;
	v48 =	vmul.f32 v45, v45;
	v50 =	vmul.f32 v38, v38;
	v35 =	vadd.f32 v59, v35  }
0x1b6: {  	v33 =	vadd.f32 v52, v33;
	v55 =	vmul.f32 v53, v61;
	v59 =	vsub.f32 v45, v38;
	v45 =	vld.idx.msk [tilespmem:v18+s16+$0x0], $0xffff  }
0x1b7: {  	v38 =	vld.idx.msk [tilespmem:v18+s17+$0x0], $0xffff;
	v32 =	vadd.f32 v56, v32;
	v34 =	vadd.f32 v60, v34;
	v52 =	vmul.f32 v57, v57  }
0x1b8: {  	v53 =	vld.idx.msk [tilespmem:v18+s15+$0x0], $0xffff;
	v54 =	vmul.f32 v47, v47;
	v56 =	vmul.f32 v39, v39;
	v35 =	vadd.f32 v49, v35  }
0x1b9: {  	v33 =	vadd.f32 v58, v33;
	v61 =	vmul.f32 v59, v51;
	v49 =	vsub.f32 v47, v39;
	v47 =	vld.idx.msk [tilespmem:v19+s16+$0x0], $0xffff  }
0x1ba: {  	v39 =	vld.idx.msk [tilespmem:v19+s17+$0x0], $0xffff;
	v32 =	vadd.f32 v62, v32;
	v34 =	vadd.f32 v50, v34;
	v58 =	vmul.f32 v63, v63  }
0x1bb: {  	v59 =	vld.idx.msk [tilespmem:v19+s15+$0x0], $0xffff;
	v60 =	vmul.f32 v46, v46;
	v62 =	vmul.f32 v40, v40;
	v35 =	vadd.f32 v55, v35  }
0x1bc: {  	v33 =	vadd.f32 v48, v33;
	v51 =	vmul.f32 v49, v57;
	v55 =	vsub.f32 v46, v40;
	v46 =	vld.idx.msk [tilespmem:v20+s16+$0x0], $0xffff  }
0x1bd: {  	v40 =	vld.idx.msk [tilespmem:v20+s17+$0x0], $0xffff;
	v32 =	vadd.f32 v52, v32;
	v34 =	vadd.f32 v56, v34;
	v48 =	vmul.f32 v53, v53  }
0x1be: {  	v49 =	vld.idx.msk [tilespmem:v20+s15+$0x0], $0xffff;
	v50 =	vmul.f32 v45, v45;
	v52 =	vmul.f32 v38, v38;
	v35 =	vadd.f32 v61, v35  }
0x1bf: {  	v33 =	vadd.f32 v54, v33;
	v57 =	vmul.f32 v55, v63;
	v61 =	vsub.f32 v45, v38;
	v45 =	vld.idx.msk [tilespmem:v21+s16+$0x0], $0xffff  }
0x1c0: {  	v38 =	vld.idx.msk [tilespmem:v21+s17+$0x0], $0xffff;
	v32 =	vadd.f32 v58, v32;
	v34 =	vadd.f32 v62, v34;
	v54 =	vmul.f32 v59, v59  }
0x1c1: {  	v55 =	vld.idx.msk [tilespmem:v21+s15+$0x0], $0xffff;
	v56 =	vmul.f32 v47, v47;
	v58 =	vmul.f32 v39, v39;
	v35 =	vadd.f32 v51, v35  }
0x1c2: {  	v33 =	vadd.f32 v60, v33;
	v63 =	vmul.f32 v61, v53;
	v51 =	vsub.f32 v47, v39;
	v47 =	vld.idx.msk [tilespmem:v22+s16+$0x0], $0xffff  }
0x1c3: {  	v39 =	vld.idx.msk [tilespmem:v22+s17+$0x0], $0xffff;
	v32 =	vadd.f32 v48, v32;
	v34 =	vadd.f32 v52, v34;
	v60 =	vmul.f32 v49, v49  }
0x1c4: {  	v61 =	vld.idx.msk [tilespmem:v22+s15+$0x0], $0xffff;
	v62 =	vmul.f32 v46, v46;
	v48 =	vmul.f32 v40, v40;
	v35 =	vadd.f32 v57, v35  }
0x1c5: {  	v33 =	vadd.f32 v50, v33;
	v53 =	vmul.f32 v51, v59;
	v57 =	vsub.f32 v46, v40;
	v46 =	vld.idx.msk [tilespmem:v23+s16+$0x0], $0xffff  }
0x1c6: {  	v40 =	vld.idx.msk [tilespmem:v23+s17+$0x0], $0xffff;
	v32 =	vadd.f32 v54, v32;
	v34 =	vadd.f32 v58, v34;
	v50 =	vmul.f32 v55, v55  }
0x1c7: {  	v51 =	vld.idx.msk [tilespmem:v23+s15+$0x0], $0xffff;
	v52 =	vmul.f32 v45, v45;
	v54 =	vmul.f32 v38, v38;
	v35 =	vadd.f32 v63, v35  }
0x1c8: {  	v33 =	vadd.f32 v56, v33;
	v59 =	vmul.f32 v57, v49;
	v63 =	vsub.f32 v45, v38;
	v45 =	vld.idx.msk [tilespmem:v24+s16+$0x0], $0xffff  }
0x1c9: {  	v38 =	vld.idx.msk [tilespmem:v24+s17+$0x0], $0xffff;
	v32 =	vadd.f32 v60, v32;
	v34 =	vadd.f32 v48, v34;
	v56 =	vmul.f32 v61, v61  }
0x1ca: {  	v57 =	vld.idx.msk [tilespmem:v24+s15+$0x0], $0xffff;
	v58 =	vmul.f32 v47, v47;
	v60 =	vmul.f32 v39, v39;
	v35 =	vadd.f32 v53, v35  }
0x1cb: {  	v33 =	vadd.f32 v62, v33;
	v49 =	vmul.f32 v63, v55;
	v53 =	vsub.f32 v47, v39;
	v47 =	vld.idx.msk [tilespmem:v25+s16+$0x0], $0xffff  }
0x1cc: {  	v39 =	vld.idx.msk [tilespmem:v25+s17+$0x0], $0xffff;
	v32 =	vadd.f32 v50, v32;
	v34 =	vadd.f32 v54, v34;
	v62 =	vmul.f32 v51, v51  }
0x1cd: {  	v63 =	vld.idx.msk [tilespmem:v25+s15+$0x0], $0xffff;
	v48 =	vmul.f32 v46, v46;
	v50 =	vmul.f32 v40, v40;
	v35 =	vadd.f32 v59, v35  }
0x1ce: {  	v33 =	vadd.f32 v52, v33;
	v55 =	vmul.f32 v53, v61;
	v59 =	vsub.f32 v46, v40;
	v46 =	vld.idx.msk [tilespmem:v26+s16+$0x0], $0xffff  }
0x1cf: {  	v40 =	vld.idx.msk [tilespmem:v26+s17+$0x0], $0xffff;
	v32 =	vadd.f32 v56, v32;
	v34 =	vadd.f32 v60, v34;
	v52 =	vmul.f32 v57, v57  }
0x1d0: {  	v53 =	vld.idx.msk [tilespmem:v26+s15+$0x0], $0xffff;
	v54 =	vmul.f32 v45, v45;
	v56 =	vmul.f32 v38, v38;
	v35 =	vadd.f32 v49, v35  }
0x1d1: {  	v33 =	vadd.f32 v58, v33;
	v61 =	vmul.f32 v59, v51;
	v49 =	vsub.f32 v45, v38;
	v45 =	vld.idx.msk [tilespmem:v27+s16+$0x0], $0xffff  }
0x1d2: {  	v38 =	vld.idx.msk [tilespmem:v27+s17+$0x0], $0xffff;
	v32 =	vadd.f32 v62, v32;
	v34 =	vadd.f32 v50, v34;
	v58 =	vmul.f32 v63, v63  }
0x1d3: {  	v59 =	vld.idx.msk [tilespmem:v27+s15+$0x0], $0xffff;
	v60 =	vmul.f32 v47, v47;
	v35 =	vadd.f32 v55, v35;
	v33 =	vadd.f32 v48, v33  }
0x1d4: {  	v51 =	vmul.f32 v49, v57;
	v55 =	vsub.f32 v47, v39;
	v32 =	vadd.f32 v52, v32  }
0x1d5: {  	v50 =	vld.idx.msk [tilespmem:v28+s15+$0x0], $0xffff;
	v34 =	vadd.f32 v56, v34;
	v49 =	vmul.f32 v53, v53;
	v35 =	vadd.f32 v61, v35  }
0x1d6: {  	v62 =	vld.idx.msk [tilespmem:v28+s16+$0x0], $0xffff;
	v33 =	vadd.f32 v54, v33;
	v57 =	vmul.f32 v55, v63;
	v61 =	vsub.f32 v46, v40  }
0x1d7: {  	v56 =	vld.idx.msk [tilespmem:v29+s17+$0x0], $0xffff;
	v63 =	vmul.f32 v39, v39;
	v32 =	vadd.f32 v58, v32;
	v52 =	vsub.f32 v45, v38  }
0x1d8: {  	v39 =	vld.idx.msk [tilespmem:v28+s17+$0x0], $0xffff;
	v55 =	vmul.f32 v59, v59;
	v35 =	vadd.f32 v51, v35;
	v33 =	vadd.f32 v60, v33  }
0x1d9: {  	v48 =	vmul.f32 v61, v53;
	v34 =	vadd.f32 v63, v34;
	v51 =	vmul.f32 v46, v46  }
0x1da: {  	v46 =	vld.idx.msk [tilespmem:v29+s15+$0x0], $0xffff;
	v53 =	vmul.f32 v40, v40;
	v47 =	vmul.f32 v50, v50;
	v32 =	vadd.f32 v49, v32  }
0x1db: {  	v40 =	vld.idx.msk [tilespmem:v29+s16+$0x0], $0xffff;
	v54 =	vmul.f32 v52, v59;
	v59 =	vmul.f32 v38, v38;
	v35 =	vadd.f32 v57, v35  }
0x1dc: {  	v60 =	vld.idx.msk [tilespmem:v30+s16+$0x0], $0xffff;
	v33 =	vadd.f32 v51, v33;
	v34 =	vadd.f32 v53, v34;
	v57 =	vmul.f32 v45, v45  }
0x1dd: {  	v63 =	vld.idx.msk [tilespmem:v30+s17+$0x0], $0xffff;
	v51 =	vmul.f32 v56, v56;
	v58 =	vsub.f32 v62, v39;
	v32 =	vadd.f32 v55, v32  }
0x1de: {  	v45 =	vld.idx.msk [tilespmem:v30+s15+$0x0], $0xffff;
	v62 =	vmul.f32 v62, v62;
	v39 =	vmul.f32 v39, v39;
	v35 =	vadd.f32 v48, v35  }
0x1df: {  	v33 =	vadd.f32 v57, v33;
	v34 =	vadd.f32 v59, v34;
	v48 =	vld.idx.msk [tilespmem:v31+s16+$0x0], $0xffff;
	v61 =	vmul.f32 v58, v50  }
0x1e0: {  	v49 =	vmul.f32 v40, v40;
	v50 =	vld.idx.msk [tilespmem:v31+s17+$0x0], $0xffff;
	v32 =	vadd.f32 v47, v32;
	v40 =	vsub.f32 v40, v56  }
0x1e1: {  	v52 =	vmul.f32 v46, v46;
	v33 =	vadd.f32 v62, v33;
	v34 =	vadd.f32 v39, v34  }
0x1e2: {  	v53 =	vmul.f32 v60, v60;
	v38 =	vsub.f32 v60, v63;
	v35 =	vadd.f32 v54, v35;
	v54 =	vld.idx.msk [tilespmem:v31+s15+$0x0], $0xffff  }
0x1e3: {  	v55 =	vmul.f32 v63, v63;
	v33 =	vadd.f32 v49, v33;
	v34 =	vadd.f32 v51, v34  }
0x1e4: {  	v32 =	vadd.f32 v52, v32;
	v56 =	vmul.f32 v45, v45;
	v57 =	vmul.f32 v48, v48  }
0x1e5: {  	v33 =	vadd.f32 v53, v33;
	v34 =	vadd.f32 v55, v34;
	v58 =	vmul.f32 v50, v50  }
0x1e6: {  	v40 =	vmul.f32 v40, v46;
	v35 =	vadd.f32 v61, v35;
	v32 =	vadd.f32 v56, v32  }
0x1e7: {  	v59 =	vmul.f32 v54, v54;
	v33 =	vadd.f32 v57, v33;
	v34 =	vadd.f32 v58, v34  }
0x1e8: {  	v60 =	vmul.f32 v38, v45;
	v35 =	vadd.f32 v40, v35;
	v61 =	vsub.f32 v48, v50  }
0x1e9: {  	v32 =	vadd.f32 v59, v32;
	v33 =	vadd.f32 v34, v33  }
0x1ea: {  	p0 =	sne.s32 s22, $0x7C0;
	v62 =	vadd.f32 v60, v35;
	v63 =	vmul.f32 v61, v54  }
.Ltmp0:
0x1eb: {  	v32 =	vmul.f32 $9.999999770e-03, v32;
	v33 =	vmul.f32 $9.999999770e-03, v33;
	(pc) =	sbr.rel @p0 .LBB2_2-.Ltmp0, $4  }
0x1ec: {  	v34 =	vadd.f32 v63, v62  }
0x1ed: {  	v32 =	vadd.f32 v33, v32  }
0x1ee: {  	[tilespmem:s23+$0x1E00] =	vst v34  }
0x1ef: {  	s22 =	sadd.s32 $0x40, s22;
	[tilespmem:s23+$0x2000] =	vst v32  }
0x1f0: {  	[hbm4b:s8+s1] =	stream.linear.scatter [tilespmem:s19], [sflag:$0x2], $0x200, $0x38;
	[tilespmem:$0x2200] =	vst v63  }
0x1f1: {  	s21 =	sadd.s32 $0x1, s21;
	_ =	swait.ge [sflag:s13], $0x200  }
0x1f2: {  	p0 =	sne.s32 s21, s10;
	[sflag:s13] =	ssyncset.done $0x0  }
.Ltmp1:
0x1f3: {  	[sflag:s13] =	ssyncadd.s32 $0xFFFFFE00;
	(pc) =	sbr.rel @p0 .LBB2_1-.Ltmp1, $4  }
0x1f4: {  	[hbm4b:s9+s1] =	stream.linear.scatter [tilespmem:s20], [sflag:$0x2], $0x200, $0x38;
	[tilespmem:$0x2200] =	vst v63  }
0x1f5: {  	_ =	swait.ge [sflag:s13], $0x200  }
0x1f6: {  	[sflag:s13] =	ssyncset.done $0x0  }
0x1f7: {  	[sflag:s13] =	ssyncadd.s32 $0xFFFFFE00  }
0x1f8: {  	_ =	sfence.sel $0x180000  }
0x1f9: {  	[bflag:$0x0] =	sbarrier.arrive $0xFFFF  }
0x1fa: {  	p0 =	sne.s32 s2, $0x0;
	_ =	strace $0x90000047  }
0x1fb: {  	s0 =	sadd.s32 @!p0 $0x100000, s0;
	[bflag:$0x2] =	sbarrier.arrive $0xFFFF  }
0x1fc: {  	[sflag:s0] =	ssyncadd.tile.s32 @!p0 $0x1;
	_ =	shalt  }
.Lfunc_end2:
_tile_overlayer_lowered:
.L_overlay_start_2:
0x1fd: {  	(tag) =	ssettag $0x2  }
0x1fe: {  	s0 =	rddreg [dreg:$0x0];
	s2 =	stileid.u32  }
0x1ff: {  	s1 =	rddreg [dreg:$0x1];
	p0 =	sne.s32 s2, $0x0  }
0x200: {  	s3 =	rddreg [dreg:$0x2];
	[bflag:$0x3] =	sbarrier.arrive $0xFFFF;
	s2 =	simm.s32 @!p0 $0x1C02  }
0x201: {  	[timem:s3], [sflag:s2] =	dma.local @!p0 [hbm:s0], s1  }
0x202: {  	s0 =	simm.s32 @!p0 $0x2  }
0x203: {  	_ =	swait.ge @!p0 [sflag:s0], s1  }
0x204: {  	s1 =	ssub.s32 @!p0 $0x0, s1;
	[sflag:s0] =	ssyncset.done @!p0 $0x0  }
0x205: {  	[sflag:s0] =	ssyncadd.s32 @!p0 s1  }
0x206: {  	[bflag:$0x3] =	sbarrier.arrive $0xFFFF  }
0x207: {  	_ =	shalt  }

</sc_bundles>
